<compile_context>
chip_gen: v7x
topology: tpu7x:2x2x1
jax: 0.10.2.dev20260603
libtpu: 0.0.44.dev20260713+nightly
codegen_flags: <defaults>
</compile_context>

<pallas_src>
import functools

import jax
import jax.numpy as jnp
from jax import lax
from jax.experimental import pallas as pl
from jax.experimental.pallas import tpu as pltpu
from jax.experimental.pallas import tpu_sc as plsc

N = 100000
E = 1600000
H = 32
HH = 16

NC = 2
NS = 16
L = 16

_BLK = 2000
_BLKE = 12800

CE = 512
NB = CE // 128
NCHUNK = E // CE
CE1 = 512
NB1 = CE1 // 128
NCHUNK1 = E // CE1
NPAD = 100096
ZSL = NPAD // NS



def _node_pre_body(sf, ds, w_ne, b_ne, w1, w2, b_msg,
                   hn_o, a0_o, a1_o, b0_o, b1_o):
    nf = jnp.concatenate([sf[...], ds[...]], axis=1)
    hn = jnp.maximum(nf @ w_ne[...] + b_ne[...], 0.0)
    hn_o[...] = hn
    a = hn @ w1[...]
    b = hn @ w2[...] + b_msg[...]
    a0_o[...] = a[:, :HH]
    a1_o[...] = a[:, HH:]
    b0_o[...] = b[:, :HH]
    b1_o[...] = b[:, HH:]


def _node_pre(sf, ds, w_ne, b_ne, w1, w2, b_msg):
    row = lambda i: (i, 0)
    full = jax.ShapeDtypeStruct((N, H), jnp.float32)
    half = jax.ShapeDtypeStruct((N, HH), jnp.float32)
    return pl.pallas_call(
        _node_pre_body,
        grid=(N // _BLK,),
        in_specs=[
            pl.BlockSpec((_BLK, 2), row),
            pl.BlockSpec((_BLK, 2), row),
            pl.BlockSpec((4, H), lambda i: (0, 0)),
            pl.BlockSpec((H,), lambda i: (0,)),
            pl.BlockSpec((H, H), lambda i: (0, 0)),
            pl.BlockSpec((H, H), lambda i: (0, 0)),
            pl.BlockSpec((H,), lambda i: (0,)),
        ],
        out_specs=[
            pl.BlockSpec((_BLK, H), row),
            pl.BlockSpec((_BLK, HH), row),
            pl.BlockSpec((_BLK, HH), row),
            pl.BlockSpec((_BLK, HH), row),
            pl.BlockSpec((_BLK, HH), row),
        ],
        out_shape=[full, half, half, half, half],
    )(sf, ds, w_ne, b_ne, w1, w2, b_msg)


def _edge_enc_body(rx, ry, dd, w_eeT, b_ee, w3T, clo_o, chi_o):
    efT = jnp.concatenate([rx[...], ry[...], dd[...]], axis=0)
    heT = jnp.maximum(w_eeT[...] @ efT + b_ee[...], 0.0)
    cT = w3T[...] @ heT
    clo_o[...] = cT[:HH, :]
    chi_o[...] = cT[HH:, :]


def _edge_enc(rx, ry, dd, w_eeT, b_ee2, w3T):
    cvec = jax.ShapeDtypeStruct((HH, E), jnp.float32)
    col = lambda i: (0, i)
    return pl.pallas_call(
        _edge_enc_body,
        grid=(E // _BLKE,),
        in_specs=[
            pl.BlockSpec((1, _BLKE), col),
            pl.BlockSpec((1, _BLKE), col),
            pl.BlockSpec((1, _BLKE), col),
            pl.BlockSpec((H, 3), lambda i: (0, 0)),
            pl.BlockSpec((H, 1), lambda i: (0, 0)),
            pl.BlockSpec((H, H), lambda i: (0, 0)),
        ],
        out_specs=[
            pl.BlockSpec((HH, _BLKE), col),
            pl.BlockSpec((HH, _BLKE), col),
        ],
        out_shape=[cvec, cvec],
    )(rx, ry, dd, w_eeT, b_ee2, w3T)


def _update_body(hn, agg0, agg1, ds, w_upd, b_upd, w_dec, b_dec, out_o):
    z = jnp.concatenate([hn[...], agg0[...], agg1[...]], axis=1)
    hu = jnp.maximum(z @ w_upd[...] + b_upd[...], 0.0)
    out_o[...] = ds[...] + hu @ w_dec[...] + b_dec[...]


def _update(hn, agg0, agg1, ds, w_upd, b_upd, w_dec, b_dec):
    row = lambda i: (i, 0)
    return pl.pallas_call(
        _update_body,
        grid=(N // _BLK,),
        in_specs=[
            pl.BlockSpec((_BLK, H), row),
            pl.BlockSpec((_BLK, HH), row),
            pl.BlockSpec((_BLK, HH), row),
            pl.BlockSpec((_BLK, 2), row),
            pl.BlockSpec((2 * H, H), lambda i: (0, 0)),
            pl.BlockSpec((H,), lambda i: (0,)),
            pl.BlockSpec((H, 2), lambda i: (0, 0)),
            pl.BlockSpec((2,), lambda i: (0,)),
        ],
        out_specs=pl.BlockSpec((_BLK, 2), row),
        out_shape=jax.ShapeDtypeStruct((N, 2), jnp.float32),
    )(hn, agg0, agg1, ds, w_upd, b_upd, w_dec, b_dec)



def _sqrt16(x):
    i = lax.bitcast_convert_type(x, jnp.int32)
    y = lax.bitcast_convert_type(
        lax.shift_right_logical(i, 1) + jnp.int32(0x1FBD1DF5), jnp.float32)
    y = 0.5 * (y + x / y)
    y = 0.5 * (y + x / y)
    y = 0.5 * (y + x / y)
    return y


def _geom_body(src_h, dst_h, px_h, py_h, rx_h, ry_h, dd_h,
               s_buf, d_buf, xs, ys, xd, yd, rxb, ryb, ddb, sem):
    wid = lax.axis_index("s") * NC + lax.axis_index("c")

    def chunk(i, _):
        t = wid + i * (NC * NS)

        @pl.when(t < NCHUNK1)
        def _():
            pltpu.sync_copy(src_h.at[t], s_buf)
            pltpu.sync_copy(dst_h.at[t], d_buf)
            for b in range(NB1):
                sl = pl.ds(b * 128, 128)
                pltpu.async_copy(px_h.at[s_buf.at[b]], xs.at[sl], sem)
                pltpu.async_copy(py_h.at[s_buf.at[b]], ys.at[sl], sem)
                pltpu.async_copy(px_h.at[d_buf.at[b]], xd.at[sl], sem)
                pltpu.async_copy(py_h.at[d_buf.at[b]], yd.at[sl], sem)
            for b in range(NB1):
                sl = pl.ds(b * 128, 128)
                pltpu.make_async_copy(px_h.at[s_buf.at[b]], xs.at[sl], sem).wait()
                pltpu.make_async_copy(py_h.at[s_buf.at[b]], ys.at[sl], sem).wait()
                pltpu.make_async_copy(px_h.at[d_buf.at[b]], xd.at[sl], sem).wait()
                pltpu.make_async_copy(py_h.at[d_buf.at[b]], yd.at[sl], sem).wait()

            def grp(g, _):
                sl = pl.ds(g * L, L)
                rx = xd[sl] - xs[sl]
                ry = yd[sl] - ys[sl]
                d2 = rx * rx + ry * ry + 1e-12
                rxb[sl] = rx
                ryb[sl] = ry
                ddb[sl] = _sqrt16(d2)
                return 0
            lax.fori_loop(0, CE1 // L, grp, 0)

            base = t * CE1
            pltpu.sync_copy(rxb, rx_h.at[pl.ds(base, CE1)])
            pltpu.sync_copy(ryb, ry_h.at[pl.ds(base, CE1)])
            pltpu.sync_copy(ddb, dd_h.at[pl.ds(base, CE1)])
        return 0

    lax.fori_loop(0, (NCHUNK1 + NC * NS - 1) // (NC * NS), chunk, 0)


def _edge_geom(src2d, dst2d, px, py):
    mesh = plsc.VectorSubcoreMesh(core_axis_name="c", subcore_axis_name="s")
    f = functools.partial(
        pl.kernel,
        out_type=[
            jax.ShapeDtypeStruct((E,), jnp.float32),
            jax.ShapeDtypeStruct((E,), jnp.float32),
            jax.ShapeDtypeStruct((E,), jnp.float32),
        ],
        mesh=mesh,
        scratch_types=[
            pltpu.VMEM((NB1, 128), jnp.int32),
            pltpu.VMEM((NB1, 128), jnp.int32),
            pltpu.VMEM((CE1,), jnp.float32),
            pltpu.VMEM((CE1,), jnp.float32),
            pltpu.VMEM((CE1,), jnp.float32),
            pltpu.VMEM((CE1,), jnp.float32),
            pltpu.VMEM((CE1,), jnp.float32),
            pltpu.VMEM((CE1,), jnp.float32),
            pltpu.VMEM((CE1,), jnp.float32),
            pltpu.SemaphoreType.DMA,
        ],
    )(_geom_body)
    return f(src2d, dst2d, px, py)



def _agg_body(src_h, dst_h, a0_h, a1_h, b0_h, b1_h, clo_h, chi_h,
              out0_h, out1_h,
              s_buf, d_buf, ga, gb, gc, agg_sh, gsem, ssem):
    cid = lax.axis_index("c")
    sid = lax.axis_index("s")

    def zrow(r, _):
        ga[r, pl.ds(0, HH)] = jnp.zeros((HH,), jnp.float32)
        return 0
    lax.fori_loop(0, CE, zrow, 0)
    zbase = sid * ZSL
    done = 0
    while done < ZSL:
        step = min(CE, ZSL - done)
        pltpu.sync_copy(ga.at[pl.ds(0, step)],
                        agg_sh.at[pl.ds(zbase + done, step)])
        done += step
    plsc.subcore_barrier()

    def run(a_h, b_h, c_h):
        def chunk(i, _):
            t = sid + i * NS

            @pl.when(t < NCHUNK)
            def _():
                base = t * CE
                pltpu.sync_copy(src_h.at[t], s_buf)
                pltpu.sync_copy(dst_h.at[t], d_buf)
                for b in range(NB):
                    sl = pl.ds(b * 128, 128)
                    pltpu.async_copy(a_h.at[s_buf.at[b]], ga.at[sl], gsem)
                    pltpu.async_copy(b_h.at[d_buf.at[b]], gb.at[sl], gsem)
                pltpu.async_copy(c_h.at[:, pl.ds(base, CE)], gc, gsem)
                for b in range(NB):
                    sl = pl.ds(b * 128, 128)
                    pltpu.make_async_copy(a_h.at[s_buf.at[b]], ga.at[sl], gsem).wait()
                    pltpu.make_async_copy(b_h.at[d_buf.at[b]], gb.at[sl], gsem).wait()
                pltpu.make_async_copy(c_h.at[:, pl.ds(base, CE)], gc,
                                      gsem).wait()

                lanes = lax.iota(jnp.int32, 16)

                def crow(e, _):
                    col = plsc.load_gather(
                        gc, [lanes, jnp.full((16,), e, jnp.int32)])
                    ga[e, :] = jnp.maximum(ga[e, :] + gb[e, :] + col, 0.0)
                    return 0
                lax.fori_loop(0, CE, crow, 0)

                for b in range(NB):
                    sl = pl.ds(b * 128, 128)
                    pltpu.async_copy(
                        ga.at[sl], agg_sh.at[d_buf.at[b]], ssem, add=True)
                for b in range(NB):
                    sl = pl.ds(b * 128, 128)
                    pltpu.make_async_copy(
                        ga.at[sl], agg_sh.at[d_buf.at[b]], ssem).wait()
            return 0

        lax.fori_loop(0, (NCHUNK + NS - 1) // NS, chunk, 0)

    @pl.when(cid == 0)
    def _():
        run(a0_h, b0_h, clo_h)

    @pl.when(cid == 1)
    def _():
        run(a1_h, b1_h, chi_h)

    plsc.subcore_barrier()
    obase = sid * ZSL

    @pl.when(cid == 0)
    def _():
        pltpu.sync_copy(agg_sh.at[pl.ds(obase, ZSL)],
                        out0_h.at[pl.ds(obase, ZSL)])

    @pl.when(cid == 1)
    def _():
        pltpu.sync_copy(agg_sh.at[pl.ds(obase, ZSL)],
                        out1_h.at[pl.ds(obase, ZSL)])


def _edge_agg(src3d, dst3d, a0, a1, b0, b1, clo, chi):
    mesh = plsc.VectorSubcoreMesh(core_axis_name="c", subcore_axis_name="s")
    half = jax.ShapeDtypeStruct((NPAD, HH), jnp.float32)
    f = functools.partial(
        pl.kernel,
        out_type=[half, half],
        mesh=mesh,
        compiler_params=pltpu.CompilerParams(use_tc_tiling_on_sc=False,
                                             needs_layout_passes=False),
        scratch_types=[
            pltpu.VMEM((NB, 128), jnp.int32),
            pltpu.VMEM((NB, 128), jnp.int32),
            pltpu.VMEM((CE, HH), jnp.float32),
            pltpu.VMEM((CE, HH), jnp.float32),
            pltpu.VMEM((HH, CE), jnp.float32),
            pltpu.VMEM_SHARED((NPAD, HH), jnp.float32),
            pltpu.SemaphoreType.DMA,
            pltpu.SemaphoreType.DMA,
        ],
    )(_agg_body)
    return f(src3d, dst3d, a0, a1, b0, b1, clo, chi)



def kernel(static_feats, dynamic_state, edge_index, pos,
           w_ne, b_ne, w_ee, b_ee, w_msg, b_msg, w_upd, b_upd, w_dec, b_dec):
    src3d_1 = edge_index[0].reshape(NCHUNK1, NB1, 128)
    dst3d_1 = edge_index[1].reshape(NCHUNK1, NB1, 128)
    src3d_2 = edge_index[0].reshape(NCHUNK, NB, 128)
    dst3d_2 = edge_index[1].reshape(NCHUNK, NB, 128)
    w1 = w_msg[:H]
    w2 = w_msg[H:2 * H]
    w3 = w_msg[2 * H:]
    hn, a0, a1, b0, b1 = _node_pre(
        static_feats, dynamic_state, w_ne, b_ne, w1, w2, b_msg)
    px = pos[:, 0] + 0.0
    py = pos[:, 1] + 0.0
    rx, ry, dd = _edge_geom(src3d_1, dst3d_1, px, py)
    clo, chi = _edge_enc(rx.reshape(1, E), ry.reshape(1, E),
                         dd.reshape(1, E),
                         w_ee.T, b_ee.reshape(H, 1), w3.T)
    agg0, agg1 = _edge_agg(src3d_2, dst3d_2, a0, a1, b0, b1, clo, chi)
    return _update(hn, agg0, agg1, dynamic_state, w_upd, b_upd, w_dec, b_dec)

# --- scband reference (transcript-rebuilt; emitter-appended) ---
"""Pipeline reference for scband-mesh-graph-kanrollout-88510686036704 (READ-ONLY COPY).

The authoritative reference and input builder live on the scoring server;
editing this copy changes nothing except your own understanding.
"""

import jax, jax.numpy as jnp
import numpy as np

N = 100000
E = 1600000
H = 32
SF = 2
DF = 2


def _init_w(key, fan_in, fan_out):
    return jax.random.normal(key, (fan_in, fan_out), dtype=jnp.float32) * (1.0 / np.sqrt(fan_in))


def setup_inputs(seed: int = 0) -> dict:
    key = jax.random.key(seed)
    ks = jax.random.split(key, 10)
    inp = {}
    inp["static_feats"] = jax.random.normal(ks[0], (N, SF), dtype=jnp.float32)
    inp["dynamic_state"] = jax.random.normal(ks[1], (N, DF), dtype=jnp.float32)
    inp["edge_index"] = jax.random.randint(ks[2], (2, E), 0, N, dtype=jnp.int32)
    inp["pos"] = jax.random.uniform(ks[3], (N, 2), dtype=jnp.float32)
    # learned params of the inner message-passing model (node enc, edge enc, message, update, decoder)
    inp["w_ne"] = _init_w(ks[4], SF + DF, H)
    inp["b_ne"] = jnp.zeros((H,), dtype=jnp.float32)
    inp["w_ee"] = _init_w(ks[5], 3, H)
    inp["b_ee"] = jnp.zeros((H,), dtype=jnp.float32)
    inp["w_msg"] = _init_w(ks[6], 3 * H, H)
    inp["b_msg"] = jnp.zeros((H,), dtype=jnp.float32)
    inp["w_upd"] = _init_w(ks[7], 2 * H, H)
    inp["b_upd"] = jnp.zeros((H,), dtype=jnp.float32)
    inp["w_dec"] = _init_w(ks[8], H, DF)
    inp["b_dec"] = jnp.zeros((DF,), dtype=jnp.float32)
    return inp


def reference(static_feats, dynamic_state, edge_index, pos, w_ne, b_ne, w_ee, b_ee, w_msg, b_msg, w_upd, b_upd, w_dec, b_dec):
    # MeshGraphKANRollout.step: build node features, edge features, run model, residual update
    node_features = jnp.concatenate([static_feats, dynamic_state], axis=-1)
    src = edge_index[0]
    dst = edge_index[1]
    src_pos = pos[src]
    dst_pos = pos[dst]
    rel_pos = dst_pos - src_pos
    distance = jnp.sqrt(jnp.sum(rel_pos * rel_pos, axis=1, keepdims=True) + 1e-12)
    edge_features = jnp.concatenate([rel_pos, distance], axis=1)
    # inner model: encode -> message (gather) -> aggregate (scatter-add) -> update -> decode
    hn = jax.nn.relu(node_features @ w_ne + b_ne)
    he = jax.nn.relu(edge_features @ w_ee + b_ee)
    m_in = jnp.concatenate([jnp.take(hn, src, axis=0), jnp.take(hn, dst, axis=0), he], axis=1)
    m = jax.nn.relu(m_in @ w_msg + b_msg)
    agg = jax.ops.segment_sum(m, dst, num_segments=N)
    hu = jax.nn.relu(jnp.concatenate([hn, agg], axis=1) @ w_upd + b_upd)
    delta = hu @ w_dec + b_dec
    return dynamic_state + delta

if __name__ == "__main__":
    import jax
    _d = setup_inputs()
    print(jax.jit(kernel)(*tuple(_d.values())))

</pallas_src>

<mosaic_0001>
#map = affine_map<(d0, d1) -> (0, 0, 0)>
#map1 = affine_map<(d0, d1) -> (0)>
module attributes {stable_mosaic.version = 14 : i64} {
  func.func @_geom_body(%arg0: i32, %arg1: i32, %arg2: memref<3125x4x128xi32, #tpu.memory_space<hbm>>, %arg3: memref<3125x4x128xi32, #tpu.memory_space<hbm>>, %arg4: memref<100000xf32, #tpu.memory_space<hbm>>, %arg5: memref<100000xf32, #tpu.memory_space<hbm>>, %arg6: memref<1600000xf32, #tpu.memory_space<hbm>>, %arg7: memref<1600000xf32, #tpu.memory_space<hbm>>, %arg8: memref<1600000xf32, #tpu.memory_space<hbm>>, %arg9: memref<4x128xi32, #tpu.memory_space<vmem>>, %arg10: memref<4x128xi32, #tpu.memory_space<vmem>>, %arg11: memref<512xf32, #tpu.memory_space<vmem>>, %arg12: memref<512xf32, #tpu.memory_space<vmem>>, %arg13: memref<512xf32, #tpu.memory_space<vmem>>, %arg14: memref<512xf32, #tpu.memory_space<vmem>>, %arg15: memref<512xf32, #tpu.memory_space<vmem>>, %arg16: memref<512xf32, #tpu.memory_space<vmem>>, %arg17: memref<512xf32, #tpu.memory_space<vmem>>, %arg18: memref<!tpu.dma_semaphore, #tpu.memory_space<semaphore_mem>>) attributes {dimension_semantics = [#tpu.dimension_semantics<core_parallel>, #tpu.dimension_semantics<subcore_parallel>], iteration_bounds = array<i64: 2, 16>, scalar_prefetch = 0 : i64, scratch_operands = 10 : i64, tpu.core_type = #tpu.core_type<sc_vector_subcore>, window_params = [{transform_indices = #map}, {transform_indices = #map}, {transform_indices = #map1}, {transform_indices = #map1}, {transform_indices = #map1}, {transform_indices = #map1}, {transform_indices = #map1}]} {
    %mul3A = arith.constant 2 : i32
    %mul3A_0 = arith.muli %arg1, %mul3A : i32
    %add3A = arith.addi %mul3A_0, %arg0 : i32
    %scan3A = arith.constant 0 : i32
    %scan3A_1 = arith.constant 0 : i32
    %scan3A_2 = arith.constant 98 : i32
    %scan3A_3 = arith.addi %scan3A_1, %scan3A_2 : i32
    %scan3A_4 = arith.constant 1 : i32
    %scan3A_5 = scf.for %scan3A_7 = %scan3A_1 to %scan3A_3 step %scan3A_4 iter_args(%scan3A_8 = %scan3A) -> (i32)  : i32 {
      %mul3A_9 = arith.constant 32 : i32
      %mul3A_10 = arith.muli %scan3A_7, %mul3A_9 : i32
      %add3A_11 = arith.addi %add3A, %mul3A_10 : i32
      %lt3A = arith.constant 3125 : i32
      %lt3A_12 = arith.cmpi slt, %add3A_11, %lt3A : i32
      %convert_element_type3A = arith.extui %lt3A_12 : i1 to i32
      %cond3A = arith.constant 0 : i32
      %cond3A_13 = arith.cmpi ne, %convert_element_type3A, %cond3A : i32
      scf.if %cond3A_13 {
        "tpu.region"() ({
          %run_scoped3A = tpu.sem_alloc : memref<!tpu.dma_semaphore, #tpu.memory_space<semaphore_mem>>
          %dma_start3A_278 = arith.constant 0 : i32
          %dma_start3A_279 = arith.constant 0 : i32
          %dma_start3A_280 = tpu.memref_slice %arg2[%add3A_11, %dma_start3A_278, %dma_start3A_279] : memref<3125x4x128xi32, #tpu.memory_space<hbm>> -> memref<1x4x128xi32, #tpu.memory_space<hbm>>
          %dma_start3A_281 = tpu.memref_squeeze %dma_start3A_280 : memref<1x4x128xi32, #tpu.memory_space<hbm>> -> memref<4x128xi32, #tpu.memory_space<hbm>>
          %dma_start3A_282 = arith.constant 0 : i32
          %dma_start3A_283 = arith.constant 0 : i32
          %dma_start3A_284 = tpu.memref_slice %arg2[%add3A_11, %dma_start3A_282, %dma_start3A_283] : memref<3125x4x128xi32, #tpu.memory_space<hbm>> -> memref<1x4x128xi32, #tpu.memory_space<hbm>>
          %dma_start3A_285 = tpu.memref_squeeze %dma_start3A_284 : memref<1x4x128xi32, #tpu.memory_space<hbm>> -> memref<4x128xi32, #tpu.memory_space<hbm>>
          tpu.enqueue_dma source(%dma_start3A_285 : memref<4x128xi32, #tpu.memory_space<hbm>>) target(%arg9 : memref<4x128xi32, #tpu.memory_space<vmem>>) target_semaphore(%run_scoped3A : memref<!tpu.dma_semaphore, #tpu.memory_space<semaphore_mem>>)
          %dma_wait3A_286 = arith.constant 0 : i32
          %dma_wait3A_287 = arith.constant 0 : i32
          %dma_wait3A_288 = tpu.memref_slice %arg2[%add3A_11, %dma_wait3A_286, %dma_wait3A_287] : memref<3125x4x128xi32, #tpu.memory_space<hbm>> -> memref<1x4x128xi32, #tpu.memory_space<hbm>>
          %dma_wait3A_289 = tpu.memref_squeeze %dma_wait3A_288 : memref<1x4x128xi32, #tpu.memory_space<hbm>> -> memref<4x128xi32, #tpu.memory_space<hbm>>
          %dma_wait3A_290 = arith.constant 0 : i32
          %dma_wait3A_291 = arith.constant 0 : i32
          %dma_wait3A_292 = tpu.memref_slice %arg2[%add3A_11, %dma_wait3A_290, %dma_wait3A_291] : memref<3125x4x128xi32, #tpu.memory_space<hbm>> -> memref<1x4x128xi32, #tpu.memory_space<hbm>>
          %dma_wait3A_293 = tpu.memref_squeeze %dma_wait3A_292 : memref<1x4x128xi32, #tpu.memory_space<hbm>> -> memref<4x128xi32, #tpu.memory_space<hbm>>
          tpu.wait_dma2 semaphore(%run_scoped3A : memref<!tpu.dma_semaphore, #tpu.memory_space<semaphore_mem>>) src(%dma_wait3A_293 : memref<4x128xi32, #tpu.memory_space<hbm>>) dst(%arg9 : memref<4x128xi32, #tpu.memory_space<vmem>>)
          tpu.yield
        }) : () -> ()
        "tpu.region"() ({
          %run_scoped3A = tpu.sem_alloc : memref<!tpu.dma_semaphore, #tpu.memory_space<semaphore_mem>>
          %dma_start3A_278 = arith.constant 0 : i32
          %dma_start3A_279 = arith.constant 0 : i32
          %dma_start3A_280 = tpu.memref_slice %arg3[%add3A_11, %dma_start3A_278, %dma_start3A_279] : memref<3125x4x128xi32, #tpu.memory_space<hbm>> -> memref<1x4x128xi32, #tpu.memory_space<hbm>>
          %dma_start3A_281 = tpu.memref_squeeze %dma_start3A_280 : memref<1x4x128xi32, #tpu.memory_space<hbm>> -> memref<4x128xi32, #tpu.memory_space<hbm>>
          %dma_start3A_282 = arith.constant 0 : i32
          %dma_start3A_283 = arith.constant 0 : i32
          %dma_start3A_284 = tpu.memref_slice %arg3[%add3A_11, %dma_start3A_282, %dma_start3A_283] : memref<3125x4x128xi32, #tpu.memory_space<hbm>> -> memref<1x4x128xi32, #tpu.memory_space<hbm>>
          %dma_start3A_285 = tpu.memref_squeeze %dma_start3A_284 : memref<1x4x128xi32, #tpu.memory_space<hbm>> -> memref<4x128xi32, #tpu.memory_space<hbm>>
          tpu.enqueue_dma source(%dma_start3A_285 : memref<4x128xi32, #tpu.memory_space<hbm>>) target(%arg10 : memref<4x128xi32, #tpu.memory_space<vmem>>) target_semaphore(%run_scoped3A : memref<!tpu.dma_semaphore, #tpu.memory_space<semaphore_mem>>)
          %dma_wait3A_286 = arith.constant 0 : i32
          %dma_wait3A_287 = arith.constant 0 : i32
          %dma_wait3A_288 = tpu.memref_slice %arg3[%add3A_11, %dma_wait3A_286, %dma_wait3A_287] : memref<3125x4x128xi32, #tpu.memory_space<hbm>> -> memref<1x4x128xi32, #tpu.memory_space<hbm>>
          %dma_wait3A_289 = tpu.memref_squeeze %dma_wait3A_288 : memref<1x4x128xi32, #tpu.memory_space<hbm>> -> memref<4x128xi32, #tpu.memory_space<hbm>>
          %dma_wait3A_290 = arith.constant 0 : i32
          %dma_wait3A_291 = arith.constant 0 : i32
          %dma_wait3A_292 = tpu.memref_slice %arg3[%add3A_11, %dma_wait3A_290, %dma_wait3A_291] : memref<3125x4x128xi32, #tpu.memory_space<hbm>> -> memref<1x4x128xi32, #tpu.memory_space<hbm>>
          %dma_wait3A_293 = tpu.memref_squeeze %dma_wait3A_292 : memref<1x4x128xi32, #tpu.memory_space<hbm>> -> memref<4x128xi32, #tpu.memory_space<hbm>>
          tpu.wait_dma2 semaphore(%run_scoped3A : memref<!tpu.dma_semaphore, #tpu.memory_space<semaphore_mem>>) src(%dma_wait3A_293 : memref<4x128xi32, #tpu.memory_space<hbm>>) dst(%arg10 : memref<4x128xi32, #tpu.memory_space<vmem>>)
          tpu.yield
        }) : () -> ()
        %dma_start3A = arith.constant 0 : i32
        %dma_start3A_15 = arith.constant 0 : i32
        %dma_start3A_16 = tpu.memref_slice %arg11[%dma_start3A_15] : memref<512xf32, #tpu.memory_space<vmem>> -> memref<128xf32, #tpu.memory_space<vmem>>
        %dma_start3A_17 = arith.constant 0 : i32
        %dma_start3A_18 = tpu.memref_slice %arg9[%dma_start3A, %dma_start3A_17] : memref<4x128xi32, #tpu.memory_space<vmem>> -> memref<1x128xi32, #tpu.memory_space<vmem>>
        %dma_start3A_19 = tpu.memref_squeeze %dma_start3A_18 : memref<1x128xi32, #tpu.memory_space<vmem>> -> memref<128xi32, #tpu.memory_space<vmem>>
        %dma_start3A_20 = arith.constant 0 : i32
        %dma_start3A_21 = tpu.memref_slice %arg4[%dma_start3A_20] : memref<100000xf32, #tpu.memory_space<hbm>> -> memref<100000xf32, #tpu.memory_space<hbm>>
        tpu.enqueue_indirect_dma source(%dma_start3A_21 : memref<100000xf32, #tpu.memory_space<hbm>>) target(%dma_start3A_16 : memref<128xf32, #tpu.memory_space<vmem>>) offsets(%dma_start3A_19 : memref<128xi32, #tpu.memory_space<vmem>>) semaphore(%arg18 : memref<!tpu.dma_semaphore, #tpu.memory_space<semaphore_mem>>)
        %dma_start3A_22 = arith.constant 0 : i32
        %dma_start3A_23 = arith.constant 0 : i32
        %dma_start3A_24 = tpu.memref_slice %arg12[%dma_start3A_23] : memref<512xf32, #tpu.memory_space<vmem>> -> memref<128xf32, #tpu.memory_space<vmem>>
        %dma_start3A_25 = arith.constant 0 : i32
        %dma_start3A_26 = tpu.memref_slice %arg9[%dma_start3A_22, %dma_start3A_25] : memref<4x128xi32, #tpu.memory_space<vmem>> -> memref<1x128xi32, #tpu.memory_space<vmem>>
        %dma_start3A_27 = tpu.memref_squeeze %dma_start3A_26 : memref<1x128xi32, #tpu.memory_space<vmem>> -> memref<128xi32, #tpu.memory_space<vmem>>
        %dma_start3A_28 = arith.constant 0 : i32
        %dma_start3A_29 = tpu.memref_slice %arg5[%dma_start3A_28] : memref<100000xf32, #tpu.memory_space<hbm>> -> memref<100000xf32, #tpu.memory_space<hbm>>
        tpu.enqueue_indirect_dma source(%dma_start3A_29 : memref<100000xf32, #tpu.memory_space<hbm>>) target(%dma_start3A_24 : memref<128xf32, #tpu.memory_space<vmem>>) offsets(%dma_start3A_27 : memref<128xi32, #tpu.memory_space<vmem>>) semaphore(%arg18 : memref<!tpu.dma_semaphore, #tpu.memory_space<semaphore_mem>>)
        %dma_start3A_30 = arith.constant 0 : i32
        %dma_start3A_31 = arith.constant 0 : i32
        %dma_start3A_32 = tpu.memref_slice %arg13[%dma_start3A_31] : memref<512xf32, #tpu.memory_space<vmem>> -> memref<128xf32, #tpu.memory_space<vmem>>
        %dma_start3A_33 = arith.constant 0 : i32
        %dma_start3A_34 = tpu.memref_slice %arg10[%dma_start3A_30, %dma_start3A_33] : memref<4x128xi32, #tpu.memory_space<vmem>> -> memref<1x128xi32, #tpu.memory_space<vmem>>
        %dma_start3A_35 = tpu.memref_squeeze %dma_start3A_34 : memref<1x128xi32, #tpu.memory_space<vmem>> -> memref<128xi32, #tpu.memory_space<vmem>>
        %dma_start3A_36 = arith.constant 0 : i32
        %dma_start3A_37 = tpu.memref_slice %arg4[%dma_start3A_36] : memref<100000xf32, #tpu.memory_space<hbm>> -> memref<100000xf32, #tpu.memory_space<hbm>>
        tpu.enqueue_indirect_dma source(%dma_start3A_37 : memref<100000xf32, #tpu.memory_space<hbm>>) target(%dma_start3A_32 : memref<128xf32, #tpu.memory_space<vmem>>) offsets(%dma_start3A_35 : memref<128xi32, #tpu.memory_space<vmem>>) semaphore(%arg18 : memref<!tpu.dma_semaphore, #tpu.memory_space<semaphore_mem>>)
        %dma_start3A_38 = arith.constant 0 : i32
        %dma_start3A_39 = arith.constant 0 : i32
        %dma_start3A_40 = tpu.memref_slice %arg14[%dma_start3A_39] : memref<512xf32, #tpu.memory_space<vmem>> -> memref<128xf32, #tpu.memory_space<vmem>>
        %dma_start3A_41 = arith.constant 0 : i32
        %dma_start3A_42 = tpu.memref_slice %arg10[%dma_start3A_38, %dma_start3A_41] : memref<4x128xi32, #tpu.memory_space<vmem>> -> memref<1x128xi32, #tpu.memory_space<vmem>>
        %dma_start3A_43 = tpu.memref_squeeze %dma_start3A_42 : memref<1x128xi32, #tpu.memory_space<vmem>> -> memref<128xi32, #tpu.memory_space<vmem>>
        %dma_start3A_44 = arith.constant 0 : i32
        %dma_start3A_45 = tpu.memref_slice %arg5[%dma_start3A_44] : memref<100000xf32, #tpu.memory_space<hbm>> -> memref<100000xf32, #tpu.memory_space<hbm>>
        tpu.enqueue_indirect_dma source(%dma_start3A_45 : memref<100000xf32, #tpu.memory_space<hbm>>) target(%dma_start3A_40 : memref<128xf32, #tpu.memory_space<vmem>>) offsets(%dma_start3A_43 : memref<128xi32, #tpu.memory_space<vmem>>) semaphore(%arg18 : memref<!tpu.dma_semaphore, #tpu.memory_space<semaphore_mem>>)
        %dma_start3A_46 = arith.constant 1 : i32
        %dma_start3A_47 = arith.constant 128 : i32
        %dma_start3A_48 = tpu.memref_slice %arg11[%dma_start3A_47] : memref<512xf32, #tpu.memory_space<vmem>> -> memref<128xf32, #tpu.memory_space<vmem>>
        %dma_start3A_49 = arith.constant 0 : i32
        %dma_start3A_50 = tpu.memref_slice %arg9[%dma_start3A_46, %dma_start3A_49] : memref<4x128xi32, #tpu.memory_space<vmem>> -> memref<1x128xi32, #tpu.memory_space<vmem>>
        %dma_start3A_51 = tpu.memref_squeeze %dma_start3A_50 : memref<1x128xi32, #tpu.memory_space<vmem>> -> memref<128xi32, #tpu.memory_space<vmem>>
        %dma_start3A_52 = arith.constant 0 : i32
        %dma_start3A_53 = tpu.memref_slice %arg4[%dma_start3A_52] : memref<100000xf32, #tpu.memory_space<hbm>> -> memref<100000xf32, #tpu.memory_space<hbm>>
        tpu.enqueue_indirect_dma source(%dma_start3A_53 : memref<100000xf32, #tpu.memory_space<hbm>>) target(%dma_start3A_48 : memref<128xf32, #tpu.memory_space<vmem>>) offsets(%dma_start3A_51 : memref<128xi32, #tpu.memory_space<vmem>>) semaphore(%arg18 : memref<!tpu.dma_semaphore, #tpu.memory_space<semaphore_mem>>)
        %dma_start3A_54 = arith.constant 1 : i32
        %dma_start3A_55 = arith.constant 128 : i32
        %dma_start3A_56 = tpu.memref_slice %arg12[%dma_start3A_55] : memref<512xf32, #tpu.memory_space<vmem>> -> memref<128xf32, #tpu.memory_space<vmem>>
        %dma_start3A_57 = arith.constant 0 : i32
        %dma_start3A_58 = tpu.memref_slice %arg9[%dma_start3A_54, %dma_start3A_57] : memref<4x128xi32, #tpu.memory_space<vmem>> -> memref<1x128xi32, #tpu.memory_space<vmem>>
        %dma_start3A_59 = tpu.memref_squeeze %dma_start3A_58 : memref<1x128xi32, #tpu.memory_space<vmem>> -> memref<128xi32, #tpu.memory_space<vmem>>
        %dma_start3A_60 = arith.constant 0 : i32
        %dma_start3A_61 = tpu.memref_slice %arg5[%dma_start3A_60] : memref<100000xf32, #tpu.memory_space<hbm>> -> memref<100000xf32, #tpu.memory_space<hbm>>
        tpu.enqueue_indirect_dma source(%dma_start3A_61 : memref<100000xf32, #tpu.memory_space<hbm>>) target(%dma_start3A_56 : memref<128xf32, #tpu.memory_space<vmem>>) offsets(%dma_start3A_59 : memref<128xi32, #tpu.memory_space<vmem>>) semaphore(%arg18 : memref<!tpu.dma_semaphore, #tpu.memory_space<semaphore_mem>>)
        %dma_start3A_62 = arith.constant 1 : i32
        %dma_start3A_63 = arith.constant 128 : i32
        %dma_start3A_64 = tpu.memref_slice %arg13[%dma_start3A_63] : memref<512xf32, #tpu.memory_space<vmem>> -> memref<128xf32, #tpu.memory_space<vmem>>
        %dma_start3A_65 = arith.constant 0 : i32
        %dma_start3A_66 = tpu.memref_slice %arg10[%dma_start3A_62, %dma_start3A_65] : memref<4x128xi32, #tpu.memory_space<vmem>> -> memref<1x128xi32, #tpu.memory_space<vmem>>
        %dma_start3A_67 = tpu.memref_squeeze %dma_start3A_66 : memref<1x128xi32, #tpu.memory_space<vmem>> -> memref<128xi32, #tpu.memory_space<vmem>>
        %dma_start3A_68 = arith.constant 0 : i32
        %dma_start3A_69 = tpu.memref_slice %arg4[%dma_start3A_68] : memref<100000xf32, #tpu.memory_space<hbm>> -> memref<100000xf32, #tpu.memory_space<hbm>>
        tpu.enqueue_indirect_dma source(%dma_start3A_69 : memref<100000xf32, #tpu.memory_space<hbm>>) target(%dma_start3A_64 : memref<128xf32, #tpu.memory_space<vmem>>) offsets(%dma_start3A_67 : memref<128xi32, #tpu.memory_space<vmem>>) semaphore(%arg18 : memref<!tpu.dma_semaphore, #tpu.memory_space<semaphore_mem>>)
        %dma_start3A_70 = arith.constant 1 : i32
        %dma_start3A_71 = arith.constant 128 : i32
        %dma_start3A_72 = tpu.memref_slice %arg14[%dma_start3A_71] : memref<512xf32, #tpu.memory_space<vmem>> -> memref<128xf32, #tpu.memory_space<vmem>>
        %dma_start3A_73 = arith.constant 0 : i32
        %dma_start3A_74 = tpu.memref_slice %arg10[%dma_start3A_70, %dma_start3A_73] : memref<4x128xi32, #tpu.memory_space<vmem>> -> memref<1x128xi32, #tpu.memory_space<vmem>>
        %dma_start3A_75 = tpu.memref_squeeze %dma_start3A_74 : memref<1x128xi32, #tpu.memory_space<vmem>> -> memref<128xi32, #tpu.memory_space<vmem>>
        %dma_start3A_76 = arith.constant 0 : i32
        %dma_start3A_77 = tpu.memref_slice %arg5[%dma_start3A_76] : memref<100000xf32, #tpu.memory_space<hbm>> -> memref<100000xf32, #tpu.memory_space<hbm>>
        tpu.enqueue_indirect_dma source(%dma_start3A_77 : memref<100000xf32, #tpu.memory_space<hbm>>) target(%dma_start3A_72 : memref<128xf32, #tpu.memory_space<vmem>>) offsets(%dma_start3A_75 : memref<128xi32, #tpu.memory_space<vmem>>) semaphore(%arg18 : memref<!tpu.dma_semaphore, #tpu.memory_space<semaphore_mem>>)
        %dma_start3A_78 = arith.constant 2 : i32
        %dma_start3A_79 = arith.constant 256 : i32
        %dma_start3A_80 = tpu.memref_slice %arg11[%dma_start3A_79] : memref<512xf32, #tpu.memory_space<vmem>> -> memref<128xf32, #tpu.memory_space<vmem>>
        %dma_start3A_81 = arith.constant 0 : i32
        %dma_start3A_82 = tpu.memref_slice %arg9[%dma_start3A_78, %dma_start3A_81] : memref<4x128xi32, #tpu.memory_space<vmem>> -> memref<1x128xi32, #tpu.memory_space<vmem>>
        %dma_start3A_83 = tpu.memref_squeeze %dma_start3A_82 : memref<1x128xi32, #tpu.memory_space<vmem>> -> memref<128xi32, #tpu.memory_space<vmem>>
        %dma_start3A_84 = arith.constant 0 : i32
        %dma_start3A_85 = tpu.memref_slice %arg4[%dma_start3A_84] : memref<100000xf32, #tpu.memory_space<hbm>> -> memref<100000xf32, #tpu.memory_space<hbm>>
        tpu.enqueue_indirect_dma source(%dma_start3A_85 : memref<100000xf32, #tpu.memory_space<hbm>>) target(%dma_start3A_80 : memref<128xf32, #tpu.memory_space<vmem>>) offsets(%dma_start3A_83 : memref<128xi32, #tpu.memory_space<vmem>>) semaphore(%arg18 : memref<!tpu.dma_semaphore, #tpu.memory_space<semaphore_mem>>)
        %dma_start3A_86 = arith.constant 2 : i32
        %dma_start3A_87 = arith.constant 256 : i32
        %dma_start3A_88 = tpu.memref_slice %arg12[%dma_start3A_87] : memref<512xf32, #tpu.memory_space<vmem>> -> memref<128xf32, #tpu.memory_space<vmem>>
        %dma_start3A_89 = arith.constant 0 : i32
        %dma_start3A_90 = tpu.memref_slice %arg9[%dma_start3A_86, %dma_start3A_89] : memref<4x128xi32, #tpu.memory_space<vmem>> -> memref<1x128xi32, #tpu.memory_space<vmem>>
        %dma_start3A_91 = tpu.memref_squeeze %dma_start3A_90 : memref<1x128xi32, #tpu.memory_space<vmem>> -> memref<128xi32, #tpu.memory_space<vmem>>
        %dma_start3A_92 = arith.constant 0 : i32
        %dma_start3A_93 = tpu.memref_slice %arg5[%dma_start3A_92] : memref<100000xf32, #tpu.memory_space<hbm>> -> memref<100000xf32, #tpu.memory_space<hbm>>
        tpu.enqueue_indirect_dma source(%dma_start3A_93 : memref<100000xf32, #tpu.memory_space<hbm>>) target(%dma_start3A_88 : memref<128xf32, #tpu.memory_space<vmem>>) offsets(%dma_start3A_91 : memref<128xi32, #tpu.memory_space<vmem>>) semaphore(%arg18 : memref<!tpu.dma_semaphore, #tpu.memory_space<semaphore_mem>>)
        %dma_start3A_94 = arith.constant 2 : i32
        %dma_start3A_95 = arith.constant 256 : i32
        %dma_start3A_96 = tpu.memref_slice %arg13[%dma_start3A_95] : memref<512xf32, #tpu.memory_space<vmem>> -> memref<128xf32, #tpu.memory_space<vmem>>
        %dma_start3A_97 = arith.constant 0 : i32
        %dma_start3A_98 = tpu.memref_slice %arg10[%dma_start3A_94, %dma_start3A_97] : memref<4x128xi32, #tpu.memory_space<vmem>> -> memref<1x128xi32, #tpu.memory_space<vmem>>
        %dma_start3A_99 = tpu.memref_squeeze %dma_start3A_98 : memref<1x128xi32, #tpu.memory_space<vmem>> -> memref<128xi32, #tpu.memory_space<vmem>>
        %dma_start3A_100 = arith.constant 0 : i32
        %dma_start3A_101 = tpu.memref_slice %arg4[%dma_start3A_100] : memref<100000xf32, #tpu.memory_space<hbm>> -> memref<100000xf32, #tpu.memory_space<hbm>>
        tpu.enqueue_indirect_dma source(%dma_start3A_101 : memref<100000xf32, #tpu.memory_space<hbm>>) target(%dma_start3A_96 : memref<128xf32, #tpu.memory_space<vmem>>) offsets(%dma_start3A_99 : memref<128xi32, #tpu.memory_space<vmem>>) semaphore(%arg18 : memref<!tpu.dma_semaphore, #tpu.memory_space<semaphore_mem>>)
        %dma_start3A_102 = arith.constant 2 : i32
        %dma_start3A_103 = arith.constant 256 : i32
        %dma_start3A_104 = tpu.memref_slice %arg14[%dma_start3A_103] : memref<512xf32, #tpu.memory_space<vmem>> -> memref<128xf32, #tpu.memory_space<vmem>>
        %dma_start3A_105 = arith.constant 0 : i32
        %dma_start3A_106 = tpu.memref_slice %arg10[%dma_start3A_102, %dma_start3A_105] : memref<4x128xi32, #tpu.memory_space<vmem>> -> memref<1x128xi32, #tpu.memory_space<vmem>>
        %dma_start3A_107 = tpu.memref_squeeze %dma_start3A_106 : memref<1x128xi32, #tpu.memory_space<vmem>> -> memref<128xi32, #tpu.memory_space<vmem>>
        %dma_start3A_108 = arith.constant 0 : i32
        %dma_start3A_109 = tpu.memref_slice %arg5[%dma_start3A_108] : memref<100000xf32, #tpu.memory_space<hbm>> -> memref<100000xf32, #tpu.memory_space<hbm>>
        tpu.enqueue_indirect_dma source(%dma_start3A_109 : memref<100000xf32, #tpu.memory_space<hbm>>) target(%dma_start3A_104 : memref<128xf32, #tpu.memory_space<vmem>>) offsets(%dma_start3A_107 : memref<128xi32, #tpu.memory_space<vmem>>) semaphore(%arg18 : memref<!tpu.dma_semaphore, #tpu.memory_space<semaphore_mem>>)
        %dma_start3A_110 = arith.constant 3 : i32
        %dma_start3A_111 = arith.constant 384 : i32
        %dma_start3A_112 = tpu.memref_slice %arg11[%dma_start3A_111] : memref<512xf32, #tpu.memory_space<vmem>> -> memref<128xf32, #tpu.memory_space<vmem>>
        %dma_start3A_113 = arith.constant 0 : i32
        %dma_start3A_114 = tpu.memref_slice %arg9[%dma_start3A_110, %dma_start3A_113] : memref<4x128xi32, #tpu.memory_space<vmem>> -> memref<1x128xi32, #tpu.memory_space<vmem>>
        %dma_start3A_115 = tpu.memref_squeeze %dma_start3A_114 : memref<1x128xi32, #tpu.memory_space<vmem>> -> memref<128xi32, #tpu.memory_space<vmem>>
        %dma_start3A_116 = arith.constant 0 : i32
        %dma_start3A_117 = tpu.memref_slice %arg4[%dma_start3A_116] : memref<100000xf32, #tpu.memory_space<hbm>> -> memref<100000xf32, #tpu.memory_space<hbm>>
        tpu.enqueue_indirect_dma source(%dma_start3A_117 : memref<100000xf32, #tpu.memory_space<hbm>>) target(%dma_start3A_112 : memref<128xf32, #tpu.memory_space<vmem>>) offsets(%dma_start3A_115 : memref<128xi32, #tpu.memory_space<vmem>>) semaphore(%arg18 : memref<!tpu.dma_semaphore, #tpu.memory_space<semaphore_mem>>)
        %dma_start3A_118 = arith.constant 3 : i32
        %dma_start3A_119 = arith.constant 384 : i32
        %dma_start3A_120 = tpu.memref_slice %arg12[%dma_start3A_119] : memref<512xf32, #tpu.memory_space<vmem>> -> memref<128xf32, #tpu.memory_space<vmem>>
        %dma_start3A_121 = arith.constant 0 : i32
        %dma_start3A_122 = tpu.memref_slice %arg9[%dma_start3A_118, %dma_start3A_121] : memref<4x128xi32, #tpu.memory_space<vmem>> -> memref<1x128xi32, #tpu.memory_space<vmem>>
        %dma_start3A_123 = tpu.memref_squeeze %dma_start3A_122 : memref<1x128xi32, #tpu.memory_space<vmem>> -> memref<128xi32, #tpu.memory_space<vmem>>
        %dma_start3A_124 = arith.constant 0 : i32
        %dma_start3A_125 = tpu.memref_slice %arg5[%dma_start3A_124] : memref<100000xf32, #tpu.memory_space<hbm>> -> memref<100000xf32, #tpu.memory_space<hbm>>
        tpu.enqueue_indirect_dma source(%dma_start3A_125 : memref<100000xf32, #tpu.memory_space<hbm>>) target(%dma_start3A_120 : memref<128xf32, #tpu.memory_space<vmem>>) offsets(%dma_start3A_123 : memref<128xi32, #tpu.memory_space<vmem>>) semaphore(%arg18 : memref<!tpu.dma_semaphore, #tpu.memory_space<semaphore_mem>>)
        %dma_start3A_126 = arith.constant 3 : i32
        %dma_start3A_127 = arith.constant 384 : i32
        %dma_start3A_128 = tpu.memref_slice %arg13[%dma_start3A_127] : memref<512xf32, #tpu.memory_space<vmem>> -> memref<128xf32, #tpu.memory_space<vmem>>
        %dma_start3A_129 = arith.constant 0 : i32
        %dma_start3A_130 = tpu.memref_slice %arg10[%dma_start3A_126, %dma_start3A_129] : memref<4x128xi32, #tpu.memory_space<vmem>> -> memref<1x128xi32, #tpu.memory_space<vmem>>
        %dma_start3A_131 = tpu.memref_squeeze %dma_start3A_130 : memref<1x128xi32, #tpu.memory_space<vmem>> -> memref<128xi32, #tpu.memory_space<vmem>>
        %dma_start3A_132 = arith.constant 0 : i32
        %dma_start3A_133 = tpu.memref_slice %arg4[%dma_start3A_132] : memref<100000xf32, #tpu.memory_space<hbm>> -> memref<100000xf32, #tpu.memory_space<hbm>>
        tpu.enqueue_indirect_dma source(%dma_start3A_133 : memref<100000xf32, #tpu.memory_space<hbm>>) target(%dma_start3A_128 : memref<128xf32, #tpu.memory_space<vmem>>) offsets(%dma_start3A_131 : memref<128xi32, #tpu.memory_space<vmem>>) semaphore(%arg18 : memref<!tpu.dma_semaphore, #tpu.memory_space<semaphore_mem>>)
        %dma_start3A_134 = arith.constant 3 : i32
        %dma_start3A_135 = arith.constant 384 : i32
        %dma_start3A_136 = tpu.memref_slice %arg14[%dma_start3A_135] : memref<512xf32, #tpu.memory_space<vmem>> -> memref<128xf32, #tpu.memory_space<vmem>>
        %dma_start3A_137 = arith.constant 0 : i32
        %dma_start3A_138 = tpu.memref_slice %arg10[%dma_start3A_134, %dma_start3A_137] : memref<4x128xi32, #tpu.memory_space<vmem>> -> memref<1x128xi32, #tpu.memory_space<vmem>>
        %dma_start3A_139 = tpu.memref_squeeze %dma_start3A_138 : memref<1x128xi32, #tpu.memory_space<vmem>> -> memref<128xi32, #tpu.memory_space<vmem>>
        %dma_start3A_140 = arith.constant 0 : i32
        %dma_start3A_141 = tpu.memref_slice %arg5[%dma_start3A_140] : memref<100000xf32, #tpu.memory_space<hbm>> -> memref<100000xf32, #tpu.memory_space<hbm>>
        tpu.enqueue_indirect_dma source(%dma_start3A_141 : memref<100000xf32, #tpu.memory_space<hbm>>) target(%dma_start3A_136 : memref<128xf32, #tpu.memory_space<vmem>>) offsets(%dma_start3A_139 : memref<128xi32, #tpu.memory_space<vmem>>) semaphore(%arg18 : memref<!tpu.dma_semaphore, #tpu.memory_space<semaphore_mem>>)
        %dma_wait3A = arith.constant 0 : i32
        %dma_wait3A_142 = arith.constant 0 : i32
        %dma_wait3A_143 = tpu.memref_slice %arg11[%dma_wait3A_142] : memref<512xf32, #tpu.memory_space<vmem>> -> memref<128xf32, #tpu.memory_space<vmem>>
        %dma_wait3A_144 = arith.constant 0 : i32
        %dma_wait3A_145 = tpu.memref_slice %arg9[%dma_wait3A, %dma_wait3A_144] : memref<4x128xi32, #tpu.memory_space<vmem>> -> memref<1x128xi32, #tpu.memory_space<vmem>>
        %dma_wait3A_146 = tpu.memref_squeeze %dma_wait3A_145 : memref<1x128xi32, #tpu.memory_space<vmem>> -> memref<128xi32, #tpu.memory_space<vmem>>
        %dma_wait3A_147 = arith.constant 0 : i32
        %dma_wait3A_148 = tpu.memref_slice %arg4[%dma_wait3A_147] : memref<100000xf32, #tpu.memory_space<hbm>> -> memref<100000xf32, #tpu.memory_space<hbm>>
        tpu.wait_indirect_dma semaphore(%arg18 : memref<!tpu.dma_semaphore, #tpu.memory_space<semaphore_mem>>) src(%dma_wait3A_148 : memref<100000xf32, #tpu.memory_space<hbm>>) dst(%dma_wait3A_143 : memref<128xf32, #tpu.memory_space<vmem>>)
        %dma_wait3A_149 = arith.constant 0 : i32
        %dma_wait3A_150 = arith.constant 0 : i32
        %dma_wait3A_151 = tpu.memref_slice %arg12[%dma_wait3A_150] : memref<512xf32, #tpu.memory_space<vmem>> -> memref<128xf32, #tpu.memory_space<vmem>>
        %dma_wait3A_152 = arith.constant 0 : i32
        %dma_wait3A_153 = tpu.memref_slice %arg9[%dma_wait3A_149, %dma_wait3A_152] : memref<4x128xi32, #tpu.memory_space<vmem>> -> memref<1x128xi32, #tpu.memory_space<vmem>>
        %dma_wait3A_154 = tpu.memref_squeeze %dma_wait3A_153 : memref<1x128xi32, #tpu.memory_space<vmem>> -> memref<128xi32, #tpu.memory_space<vmem>>
        %dma_wait3A_155 = arith.constant 0 : i32
        %dma_wait3A_156 = tpu.memref_slice %arg5[%dma_wait3A_155] : memref<100000xf32, #tpu.memory_space<hbm>> -> memref<100000xf32, #tpu.memory_space<hbm>>
        tpu.wait_indirect_dma semaphore(%arg18 : memref<!tpu.dma_semaphore, #tpu.memory_space<semaphore_mem>>) src(%dma_wait3A_156 : memref<100000xf32, #tpu.memory_space<hbm>>) dst(%dma_wait3A_151 : memref<128xf32, #tpu.memory_space<vmem>>)
        %dma_wait3A_157 = arith.constant 0 : i32
        %dma_wait3A_158 = arith.constant 0 : i32
        %dma_wait3A_159 = tpu.memref_slice %arg13[%dma_wait3A_158] : memref<512xf32, #tpu.memory_space<vmem>> -> memref<128xf32, #tpu.memory_space<vmem>>
        %dma_wait3A_160 = arith.constant 0 : i32
        %dma_wait3A_161 = tpu.memref_slice %arg10[%dma_wait3A_157, %dma_wait3A_160] : memref<4x128xi32, #tpu.memory_space<vmem>> -> memref<1x128xi32, #tpu.memory_space<vmem>>
        %dma_wait3A_162 = tpu.memref_squeeze %dma_wait3A_161 : memref<1x128xi32, #tpu.memory_space<vmem>> -> memref<128xi32, #tpu.memory_space<vmem>>
        %dma_wait3A_163 = arith.constant 0 : i32
        %dma_wait3A_164 = tpu.memref_slice %arg4[%dma_wait3A_163] : memref<100000xf32, #tpu.memory_space<hbm>> -> memref<100000xf32, #tpu.memory_space<hbm>>
        tpu.wait_indirect_dma semaphore(%arg18 : memref<!tpu.dma_semaphore, #tpu.memory_space<semaphore_mem>>) src(%dma_wait3A_164 : memref<100000xf32, #tpu.memory_space<hbm>>) dst(%dma_wait3A_159 : memref<128xf32, #tpu.memory_space<vmem>>)
        %dma_wait3A_165 = arith.constant 0 : i32
        %dma_wait3A_166 = arith.constant 0 : i32
        %dma_wait3A_167 = tpu.memref_slice %arg14[%dma_wait3A_166] : memref<512xf32, #tpu.memory_space<vmem>> -> memref<128xf32, #tpu.memory_space<vmem>>
        %dma_wait3A_168 = arith.constant 0 : i32
        %dma_wait3A_169 = tpu.memref_slice %arg10[%dma_wait3A_165, %dma_wait3A_168] : memref<4x128xi32, #tpu.memory_space<vmem>> -> memref<1x128xi32, #tpu.memory_space<vmem>>
        %dma_wait3A_170 = tpu.memref_squeeze %dma_wait3A_169 : memref<1x128xi32, #tpu.memory_space<vmem>> -> memref<128xi32, #tpu.memory_space<vmem>>
        %dma_wait3A_171 = arith.constant 0 : i32
        %dma_wait3A_172 = tpu.memref_slice %arg5[%dma_wait3A_171] : memref<100000xf32, #tpu.memory_space<hbm>> -> memref<100000xf32, #tpu.memory_space<hbm>>
        tpu.wait_indirect_dma semaphore(%arg18 : memref<!tpu.dma_semaphore, #tpu.memory_space<semaphore_mem>>) src(%dma_wait3A_172 : memref<100000xf32, #tpu.memory_space<hbm>>) dst(%dma_wait3A_167 : memref<128xf32, #tpu.memory_space<vmem>>)
        %dma_wait3A_173 = arith.constant 1 : i32
        %dma_wait3A_174 = arith.constant 128 : i32
        %dma_wait3A_175 = tpu.memref_slice %arg11[%dma_wait3A_174] : memref<512xf32, #tpu.memory_space<vmem>> -> memref<128xf32, #tpu.memory_space<vmem>>
        %dma_wait3A_176 = arith.constant 0 : i32
        %dma_wait3A_177 = tpu.memref_slice %arg9[%dma_wait3A_173, %dma_wait3A_176] : memref<4x128xi32, #tpu.memory_space<vmem>> -> memref<1x128xi32, #tpu.memory_space<vmem>>
        %dma_wait3A_178 = tpu.memref_squeeze %dma_wait3A_177 : memref<1x128xi32, #tpu.memory_space<vmem>> -> memref<128xi32, #tpu.memory_space<vmem>>
        %dma_wait3A_179 = arith.constant 0 : i32
        %dma_wait3A_180 = tpu.memref_slice %arg4[%dma_wait3A_179] : memref<100000xf32, #tpu.memory_space<hbm>> -> memref<100000xf32, #tpu.memory_space<hbm>>
        tpu.wait_indirect_dma semaphore(%arg18 : memref<!tpu.dma_semaphore, #tpu.memory_space<semaphore_mem>>) src(%dma_wait3A_180 : memref<100000xf32, #tpu.memory_space<hbm>>) dst(%dma_wait3A_175 : memref<128xf32, #tpu.memory_space<vmem>>)
        %dma_wait3A_181 = arith.constant 1 : i32
        %dma_wait3A_182 = arith.constant 128 : i32
        %dma_wait3A_183 = tpu.memref_slice %arg12[%dma_wait3A_182] : memref<512xf32, #tpu.memory_space<vmem>> -> memref<128xf32, #tpu.memory_space<vmem>>
        %dma_wait3A_184 = arith.constant 0 : i32
        %dma_wait3A_185 = tpu.memref_slice %arg9[%dma_wait3A_181, %dma_wait3A_184] : memref<4x128xi32, #tpu.memory_space<vmem>> -> memref<1x128xi32, #tpu.memory_space<vmem>>
        %dma_wait3A_186 = tpu.memref_squeeze %dma_wait3A_185 : memref<1x128xi32, #tpu.memory_space<vmem>> -> memref<128xi32, #tpu.memory_space<vmem>>
        %dma_wait3A_187 = arith.constant 0 : i32
        %dma_wait3A_188 = tpu.memref_slice %arg5[%dma_wait3A_187] : memref<100000xf32, #tpu.memory_space<hbm>> -> memref<100000xf32, #tpu.memory_space<hbm>>
        tpu.wait_indirect_dma semaphore(%arg18 : memref<!tpu.dma_semaphore, #tpu.memory_space<semaphore_mem>>) src(%dma_wait3A_188 : memref<100000xf32, #tpu.memory_space<hbm>>) dst(%dma_wait3A_183 : memref<128xf32, #tpu.memory_space<vmem>>)
        %dma_wait3A_189 = arith.constant 1 : i32
        %dma_wait3A_190 = arith.constant 128 : i32
        %dma_wait3A_191 = tpu.memref_slice %arg13[%dma_wait3A_190] : memref<512xf32, #tpu.memory_space<vmem>> -> memref<128xf32, #tpu.memory_space<vmem>>
        %dma_wait3A_192 = arith.constant 0 : i32
        %dma_wait3A_193 = tpu.memref_slice %arg10[%dma_wait3A_189, %dma_wait3A_192] : memref<4x128xi32, #tpu.memory_space<vmem>> -> memref<1x128xi32, #tpu.memory_space<vmem>>
        %dma_wait3A_194 = tpu.memref_squeeze %dma_wait3A_193 : memref<1x128xi32, #tpu.memory_space<vmem>> -> memref<128xi32, #tpu.memory_space<vmem>>
        %dma_wait3A_195 = arith.constant 0 : i32
        %dma_wait3A_196 = tpu.memref_slice %arg4[%dma_wait3A_195] : memref<100000xf32, #tpu.memory_space<hbm>> -> memref<100000xf32, #tpu.memory_space<hbm>>
        tpu.wait_indirect_dma semaphore(%arg18 : memref<!tpu.dma_semaphore, #tpu.memory_space<semaphore_mem>>) src(%dma_wait3A_196 : memref<100000xf32, #tpu.memory_space<hbm>>) dst(%dma_wait3A_191 : memref<128xf32, #tpu.memory_space<vmem>>)
        %dma_wait3A_197 = arith.constant 1 : i32
        %dma_wait3A_198 = arith.constant 128 : i32
        %dma_wait3A_199 = tpu.memref_slice %arg14[%dma_wait3A_198] : memref<512xf32, #tpu.memory_space<vmem>> -> memref<128xf32, #tpu.memory_space<vmem>>
        %dma_wait3A_200 = arith.constant 0 : i32
        %dma_wait3A_201 = tpu.memref_slice %arg10[%dma_wait3A_197, %dma_wait3A_200] : memref<4x128xi32, #tpu.memory_space<vmem>> -> memref<1x128xi32, #tpu.memory_space<vmem>>
        %dma_wait3A_202 = tpu.memref_squeeze %dma_wait3A_201 : memref<1x128xi32, #tpu.memory_space<vmem>> -> memref<128xi32, #tpu.memory_space<vmem>>
        %dma_wait3A_203 = arith.constant 0 : i32
        %dma_wait3A_204 = tpu.memref_slice %arg5[%dma_wait3A_203] : memref<100000xf32, #tpu.memory_space<hbm>> -> memref<100000xf32, #tpu.memory_space<hbm>>
        tpu.wait_indirect_dma semaphore(%arg18 : memref<!tpu.dma_semaphore, #tpu.memory_space<semaphore_mem>>) src(%dma_wait3A_204 : memref<100000xf32, #tpu.memory_space<hbm>>) dst(%dma_wait3A_199 : memref<128xf32, #tpu.memory_space<vmem>>)
        %dma_wait3A_205 = arith.constant 2 : i32
        %dma_wait3A_206 = arith.constant 256 : i32
        %dma_wait3A_207 = tpu.memref_slice %arg11[%dma_wait3A_206] : memref<512xf32, #tpu.memory_space<vmem>> -> memref<128xf32, #tpu.memory_space<vmem>>
        %dma_wait3A_208 = arith.constant 0 : i32
        %dma_wait3A_209 = tpu.memref_slice %arg9[%dma_wait3A_205, %dma_wait3A_208] : memref<4x128xi32, #tpu.memory_space<vmem>> -> memref<1x128xi32, #tpu.memory_space<vmem>>
        %dma_wait3A_210 = tpu.memref_squeeze %dma_wait3A_209 : memref<1x128xi32, #tpu.memory_space<vmem>> -> memref<128xi32, #tpu.memory_space<vmem>>
        %dma_wait3A_211 = arith.constant 0 : i32
        %dma_wait3A_212 = tpu.memref_slice %arg4[%dma_wait3A_211] : memref<100000xf32, #tpu.memory_space<hbm>> -> memref<100000xf32, #tpu.memory_space<hbm>>
        tpu.wait_indirect_dma semaphore(%arg18 : memref<!tpu.dma_semaphore, #tpu.memory_space<semaphore_mem>>) src(%dma_wait3A_212 : memref<100000xf32, #tpu.memory_space<hbm>>) dst(%dma_wait3A_207 : memref<128xf32, #tpu.memory_space<vmem>>)
        %dma_wait3A_213 = arith.constant 2 : i32
        %dma_wait3A_214 = arith.constant 256 : i32
        %dma_wait3A_215 = tpu.memref_slice %arg12[%dma_wait3A_214] : memref<512xf32, #tpu.memory_space<vmem>> -> memref<128xf32, #tpu.memory_space<vmem>>
        %dma_wait3A_216 = arith.constant 0 : i32
        %dma_wait3A_217 = tpu.memref_slice %arg9[%dma_wait3A_213, %dma_wait3A_216] : memref<4x128xi32, #tpu.memory_space<vmem>> -> memref<1x128xi32, #tpu.memory_space<vmem>>
        %dma_wait3A_218 = tpu.memref_squeeze %dma_wait3A_217 : memref<1x128xi32, #tpu.memory_space<vmem>> -> memref<128xi32, #tpu.memory_space<vmem>>
        %dma_wait3A_219 = arith.constant 0 : i32
        %dma_wait3A_220 = tpu.memref_slice %arg5[%dma_wait3A_219] : memref<100000xf32, #tpu.memory_space<hbm>> -> memref<100000xf32, #tpu.memory_space<hbm>>
        tpu.wait_indirect_dma semaphore(%arg18 : memref<!tpu.dma_semaphore, #tpu.memory_space<semaphore_mem>>) src(%dma_wait3A_220 : memref<100000xf32, #tpu.memory_space<hbm>>) dst(%dma_wait3A_215 : memref<128xf32, #tpu.memory_space<vmem>>)
        %dma_wait3A_221 = arith.constant 2 : i32
        %dma_wait3A_222 = arith.constant 256 : i32
        %dma_wait3A_223 = tpu.memref_slice %arg13[%dma_wait3A_222] : memref<512xf32, #tpu.memory_space<vmem>> -> memref<128xf32, #tpu.memory_space<vmem>>
        %dma_wait3A_224 = arith.constant 0 : i32
        %dma_wait3A_225 = tpu.memref_slice %arg10[%dma_wait3A_221, %dma_wait3A_224] : memref<4x128xi32, #tpu.memory_space<vmem>> -> memref<1x128xi32, #tpu.memory_space<vmem>>
        %dma_wait3A_226 = tpu.memref_squeeze %dma_wait3A_225 : memref<1x128xi32, #tpu.memory_space<vmem>> -> memref<128xi32, #tpu.memory_space<vmem>>
        %dma_wait3A_227 = arith.constant 0 : i32
        %dma_wait3A_228 = tpu.memref_slice %arg4[%dma_wait3A_227] : memref<100000xf32, #tpu.memory_space<hbm>> -> memref<100000xf32, #tpu.memory_space<hbm>>
        tpu.wait_indirect_dma semaphore(%arg18 : memref<!tpu.dma_semaphore, #tpu.memory_space<semaphore_mem>>) src(%dma_wait3A_228 : memref<100000xf32, #tpu.memory_space<hbm>>) dst(%dma_wait3A_223 : memref<128xf32, #tpu.memory_space<vmem>>)
        %dma_wait3A_229 = arith.constant 2 : i32
        %dma_wait3A_230 = arith.constant 256 : i32
        %dma_wait3A_231 = tpu.memref_slice %arg14[%dma_wait3A_230] : memref<512xf32, #tpu.memory_space<vmem>> -> memref<128xf32, #tpu.memory_space<vmem>>
        %dma_wait3A_232 = arith.constant 0 : i32
        %dma_wait3A_233 = tpu.memref_slice %arg10[%dma_wait3A_229, %dma_wait3A_232] : memref<4x128xi32, #tpu.memory_space<vmem>> -> memref<1x128xi32, #tpu.memory_space<vmem>>
        %dma_wait3A_234 = tpu.memref_squeeze %dma_wait3A_233 : memref<1x128xi32, #tpu.memory_space<vmem>> -> memref<128xi32, #tpu.memory_space<vmem>>
        %dma_wait3A_235 = arith.constant 0 : i32
        %dma_wait3A_236 = tpu.memref_slice %arg5[%dma_wait3A_235] : memref<100000xf32, #tpu.memory_space<hbm>> -> memref<100000xf32, #tpu.memory_space<hbm>>
        tpu.wait_indirect_dma semaphore(%arg18 : memref<!tpu.dma_semaphore, #tpu.memory_space<semaphore_mem>>) src(%dma_wait3A_236 : memref<100000xf32, #tpu.memory_space<hbm>>) dst(%dma_wait3A_231 : memref<128xf32, #tpu.memory_space<vmem>>)
        %dma_wait3A_237 = arith.constant 3 : i32
        %dma_wait3A_238 = arith.constant 384 : i32
        %dma_wait3A_239 = tpu.memref_slice %arg11[%dma_wait3A_238] : memref<512xf32, #tpu.memory_space<vmem>> -> memref<128xf32, #tpu.memory_space<vmem>>
        %dma_wait3A_240 = arith.constant 0 : i32
        %dma_wait3A_241 = tpu.memref_slice %arg9[%dma_wait3A_237, %dma_wait3A_240] : memref<4x128xi32, #tpu.memory_space<vmem>> -> memref<1x128xi32, #tpu.memory_space<vmem>>
        %dma_wait3A_242 = tpu.memref_squeeze %dma_wait3A_241 : memref<1x128xi32, #tpu.memory_space<vmem>> -> memref<128xi32, #tpu.memory_space<vmem>>
        %dma_wait3A_243 = arith.constant 0 : i32
        %dma_wait3A_244 = tpu.memref_slice %arg4[%dma_wait3A_243] : memref<100000xf32, #tpu.memory_space<hbm>> -> memref<100000xf32, #tpu.memory_space<hbm>>
        tpu.wait_indirect_dma semaphore(%arg18 : memref<!tpu.dma_semaphore, #tpu.memory_space<semaphore_mem>>) src(%dma_wait3A_244 : memref<100000xf32, #tpu.memory_space<hbm>>) dst(%dma_wait3A_239 : memref<128xf32, #tpu.memory_space<vmem>>)
        %dma_wait3A_245 = arith.constant 3 : i32
        %dma_wait3A_246 = arith.constant 384 : i32
        %dma_wait3A_247 = tpu.memref_slice %arg12[%dma_wait3A_246] : memref<512xf32, #tpu.memory_space<vmem>> -> memref<128xf32, #tpu.memory_space<vmem>>
        %dma_wait3A_248 = arith.constant 0 : i32
        %dma_wait3A_249 = tpu.memref_slice %arg9[%dma_wait3A_245, %dma_wait3A_248] : memref<4x128xi32, #tpu.memory_space<vmem>> -> memref<1x128xi32, #tpu.memory_space<vmem>>
        %dma_wait3A_250 = tpu.memref_squeeze %dma_wait3A_249 : memref<1x128xi32, #tpu.memory_space<vmem>> -> memref<128xi32, #tpu.memory_space<vmem>>
        %dma_wait3A_251 = arith.constant 0 : i32
        %dma_wait3A_252 = tpu.memref_slice %arg5[%dma_wait3A_251] : memref<100000xf32, #tpu.memory_space<hbm>> -> memref<100000xf32, #tpu.memory_space<hbm>>
        tpu.wait_indirect_dma semaphore(%arg18 : memref<!tpu.dma_semaphore, #tpu.memory_space<semaphore_mem>>) src(%dma_wait3A_252 : memref<100000xf32, #tpu.memory_space<hbm>>) dst(%dma_wait3A_247 : memref<128xf32, #tpu.memory_space<vmem>>)
        %dma_wait3A_253 = arith.constant 3 : i32
        %dma_wait3A_254 = arith.constant 384 : i32
        %dma_wait3A_255 = tpu.memref_slice %arg13[%dma_wait3A_254] : memref<512xf32, #tpu.memory_space<vmem>> -> memref<128xf32, #tpu.memory_space<vmem>>
        %dma_wait3A_256 = arith.constant 0 : i32
        %dma_wait3A_257 = tpu.memref_slice %arg10[%dma_wait3A_253, %dma_wait3A_256] : memref<4x128xi32, #tpu.memory_space<vmem>> -> memref<1x128xi32, #tpu.memory_space<vmem>>
        %dma_wait3A_258 = tpu.memref_squeeze %dma_wait3A_257 : memref<1x128xi32, #tpu.memory_space<vmem>> -> memref<128xi32, #tpu.memory_space<vmem>>
        %dma_wait3A_259 = arith.constant 0 : i32
        %dma_wait3A_260 = tpu.memref_slice %arg4[%dma_wait3A_259] : memref<100000xf32, #tpu.memory_space<hbm>> -> memref<100000xf32, #tpu.memory_space<hbm>>
        tpu.wait_indirect_dma semaphore(%arg18 : memref<!tpu.dma_semaphore, #tpu.memory_space<semaphore_mem>>) src(%dma_wait3A_260 : memref<100000xf32, #tpu.memory_space<hbm>>) dst(%dma_wait3A_255 : memref<128xf32, #tpu.memory_space<vmem>>)
        %dma_wait3A_261 = arith.constant 3 : i32
        %dma_wait3A_262 = arith.constant 384 : i32
        %dma_wait3A_263 = tpu.memref_slice %arg14[%dma_wait3A_262] : memref<512xf32, #tpu.memory_space<vmem>> -> memref<128xf32, #tpu.memory_space<vmem>>
        %dma_wait3A_264 = arith.constant 0 : i32
        %dma_wait3A_265 = tpu.memref_slice %arg10[%dma_wait3A_261, %dma_wait3A_264] : memref<4x128xi32, #tpu.memory_space<vmem>> -> memref<1x128xi32, #tpu.memory_space<vmem>>
        %dma_wait3A_266 = tpu.memref_squeeze %dma_wait3A_265 : memref<1x128xi32, #tpu.memory_space<vmem>> -> memref<128xi32, #tpu.memory_space<vmem>>
        %dma_wait3A_267 = arith.constant 0 : i32
        %dma_wait3A_268 = tpu.memref_slice %arg5[%dma_wait3A_267] : memref<100000xf32, #tpu.memory_space<hbm>> -> memref<100000xf32, #tpu.memory_space<hbm>>
        tpu.wait_indirect_dma semaphore(%arg18 : memref<!tpu.dma_semaphore, #tpu.memory_space<semaphore_mem>>) src(%dma_wait3A_268 : memref<100000xf32, #tpu.memory_space<hbm>>) dst(%dma_wait3A_263 : memref<128xf32, #tpu.memory_space<vmem>>)
        %scan3A_269 = arith.constant 0 : i32
        %scan3A_270 = arith.constant 0 : i32
        %scan3A_271 = arith.constant 32 : i32
        %scan3A_272 = arith.addi %scan3A_270, %scan3A_271 : i32
        %scan3A_273 = arith.constant 1 : i32
        %scan3A_274 = scf.for %scan3A_278 = %scan3A_270 to %scan3A_272 step %scan3A_273 iter_args(%scan3A_279 = %scan3A_269) -> (i32)  : i32 {
          %mul3A_280 = arith.constant 16 : i32
          %mul3A_281 = arith.muli %scan3A_278, %mul3A_280 : i32
          %get3A = arith.index_cast %mul3A_281 : i32 to index
          %get3A_282 = tpu.vector_load %arg13[%get3A] {strides = array<i32>} : memref<512xf32, #tpu.memory_space<vmem>>, vector<16xf32>,
          %get3A_283 = vector.shape_cast %get3A_282 : vector<16xf32> to vector<16xf32>
          %get3A_284 = arith.index_cast %mul3A_281 : i32 to index
          %get3A_285 = tpu.vector_load %arg11[%get3A_284] {strides = array<i32>} : memref<512xf32, #tpu.memory_space<vmem>>, vector<16xf32>,
          %get3A_286 = vector.shape_cast %get3A_285 : vector<16xf32> to vector<16xf32>
          %sub3A = arith.subf %get3A_283, %get3A_286 : vector<16xf32>
          %get3A_287 = arith.index_cast %mul3A_281 : i32 to index
          %get3A_288 = tpu.vector_load %arg14[%get3A_287] {strides = array<i32>} : memref<512xf32, #tpu.memory_space<vmem>>, vector<16xf32>,
          %get3A_289 = vector.shape_cast %get3A_288 : vector<16xf32> to vector<16xf32>
          %get3A_290 = arith.index_cast %mul3A_281 : i32 to index
          %get3A_291 = tpu.vector_load %arg12[%get3A_290] {strides = array<i32>} : memref<512xf32, #tpu.memory_space<vmem>>, vector<16xf32>,
          %get3A_292 = vector.shape_cast %get3A_291 : vector<16xf32> to vector<16xf32>
          %sub3A_293 = arith.subf %get3A_289, %get3A_292 : vector<16xf32>
          %mul3A_294 = arith.mulf %sub3A, %sub3A : vector<16xf32>
          %mul3A_295 = arith.mulf %sub3A_293, %sub3A_293 : vector<16xf32>
          %add3A_296 = arith.addf %mul3A_294, %mul3A_295 : vector<16xf32>
          %add3A_297 = arith.constant 9.99999996E-13 : f32
          %add3A_298 = vector.broadcast %add3A_297 : f32 to vector<16xf32>
          %add3A_299 = arith.addf %add3A_296, %add3A_298 : vector<16xf32>
          %swap3A = arith.index_cast %mul3A_281 : i32 to index
          %swap3A_300 = tpu.vector_load %arg15[%swap3A] {strides = array<i32>} : memref<512xf32, #tpu.memory_space<vmem>>, vector<16xf32>,
          %swap3A_301 = vector.shape_cast %swap3A_300 : vector<16xf32> to vector<16xf32>
          %swap3A_302 = vector.shape_cast %sub3A : vector<16xf32> to vector<16xf32>
          tpu.vector_store %arg15[%swap3A], %swap3A_302 {strides = array<i32>} : memref<512xf32, #tpu.memory_space<vmem>>, vector<16xf32>,
          %swap3A_303 = arith.index_cast %mul3A_281 : i32 to index
          %swap3A_304 = tpu.vector_load %arg16[%swap3A_303] {strides = array<i32>} : memref<512xf32, #tpu.memory_space<vmem>>, vector<16xf32>,
          %swap3A_305 = vector.shape_cast %swap3A_304 : vector<16xf32> to vector<16xf32>
          %swap3A_306 = vector.shape_cast %sub3A_293 : vector<16xf32> to vector<16xf32>
          tpu.vector_store %arg16[%swap3A_303], %swap3A_306 {strides = array<i32>} : memref<512xf32, #tpu.memory_space<vmem>>, vector<16xf32>,
          %bitcast_convert_type3A = tpu.bitcast %add3A_299 : vector<16xf32> -> vector<16xi32>
          %shift_right_logical3A = arith.constant 1 : i32
          %shift_right_logical3A_307 = vector.broadcast %shift_right_logical3A : i32 to vector<16xi32>
          %shift_right_logical3A_308 = arith.shrui %bitcast_convert_type3A, %shift_right_logical3A_307 : vector<16xi32>
          %add3A_309 = arith.constant 532487669 : i32
          %add3A_310 = vector.broadcast %add3A_309 : i32 to vector<16xi32>
          %add3A_311 = arith.addi %shift_right_logical3A_308, %add3A_310 : vector<16xi32>
          %bitcast_convert_type3A_312 = tpu.bitcast %add3A_311 : vector<16xi32> -> vector<16xf32>
          %div3A = arith.divf %add3A_299, %bitcast_convert_type3A_312 : vector<16xf32>
          %add3A_313 = arith.addf %bitcast_convert_type3A_312, %div3A : vector<16xf32>
          %mul3A_314 = arith.constant 5.000000e-01 : f32
          %mul3A_315 = vector.broadcast %mul3A_314 : f32 to vector<16xf32>
          %mul3A_316 = arith.mulf %mul3A_315, %add3A_313 : vector<16xf32>
          %div3A_317 = arith.divf %add3A_299, %mul3A_316 : vector<16xf32>
          %add3A_318 = arith.addf %mul3A_316, %div3A_317 : vector<16xf32>
          %mul3A_319 = arith.constant 5.000000e-01 : f32
          %mul3A_320 = vector.broadcast %mul3A_319 : f32 to vector<16xf32>
          %mul3A_321 = arith.mulf %mul3A_320, %add3A_318 : vector<16xf32>
          %div3A_322 = arith.divf %add3A_299, %mul3A_321 : vector<16xf32>
          %add3A_323 = arith.addf %mul3A_321, %div3A_322 : vector<16xf32>
          %mul3A_324 = arith.constant 5.000000e-01 : f32
          %mul3A_325 = vector.broadcast %mul3A_324 : f32 to vector<16xf32>
          %mul3A_326 = arith.mulf %mul3A_325, %add3A_323 : vector<16xf32>
          %swap3A_327 = arith.index_cast %mul3A_281 : i32 to index
          %swap3A_328 = tpu.vector_load %arg17[%swap3A_327] {strides = array<i32>} : memref<512xf32, #tpu.memory_space<vmem>>, vector<16xf32>,
          %swap3A_329 = vector.shape_cast %swap3A_328 : vector<16xf32> to vector<16xf32>
          %swap3A_330 = vector.shape_cast %mul3A_326 : vector<16xf32> to vector<16xf32>
          tpu.vector_store %arg17[%swap3A_327], %swap3A_330 {strides = array<i32>} : memref<512xf32, #tpu.memory_space<vmem>>, vector<16xf32>,
          %scan3A_331 = arith.constant 0 : i32
          scf.yield %scan3A_331 : i32
        }
        %scan3A_275 = arith.constant 32 : i32
        %mul3A_276 = arith.constant 512 : i32
        %mul3A_277 = arith.muli %add3A_11, %mul3A_276 : i32
        "tpu.region"() ({
          %run_scoped3A = tpu.sem_alloc : memref<!tpu.dma_semaphore, #tpu.memory_space<semaphore_mem>>
          %dma_start3A_278 = tpu.memref_slice %arg6[%mul3A_277] : memref<1600000xf32, #tpu.memory_space<hbm>> -> memref<512xf32, #tpu.memory_space<hbm>>
          %dma_start3A_279 = tpu.memref_slice %arg6[%mul3A_277] : memref<1600000xf32, #tpu.memory_space<hbm>> -> memref<512xf32, #tpu.memory_space<hbm>>
          tpu.enqueue_dma source(%arg15 : memref<512xf32, #tpu.memory_space<vmem>>) target(%dma_start3A_279 : memref<512xf32, #tpu.memory_space<hbm>>) target_semaphore(%run_scoped3A : memref<!tpu.dma_semaphore, #tpu.memory_space<semaphore_mem>>)
          %dma_wait3A_280 = tpu.memref_slice %arg6[%mul3A_277] : memref<1600000xf32, #tpu.memory_space<hbm>> -> memref<512xf32, #tpu.memory_space<hbm>>
          %dma_wait3A_281 = tpu.memref_slice %arg6[%mul3A_277] : memref<1600000xf32, #tpu.memory_space<hbm>> -> memref<512xf32, #tpu.memory_space<hbm>>
          tpu.wait_dma2 semaphore(%run_scoped3A : memref<!tpu.dma_semaphore, #tpu.memory_space<semaphore_mem>>) src(%arg15 : memref<512xf32, #tpu.memory_space<vmem>>) dst(%dma_wait3A_281 : memref<512xf32, #tpu.memory_space<hbm>>)
          tpu.yield
        }) : () -> ()
        "tpu.region"() ({
          %run_scoped3A = tpu.sem_alloc : memref<!tpu.dma_semaphore, #tpu.memory_space<semaphore_mem>>
          %dma_start3A_278 = tpu.memref_slice %arg7[%mul3A_277] : memref<1600000xf32, #tpu.memory_space<hbm>> -> memref<512xf32, #tpu.memory_space<hbm>>
          %dma_start3A_279 = tpu.memref_slice %arg7[%mul3A_277] : memref<1600000xf32, #tpu.memory_space<hbm>> -> memref<512xf32, #tpu.memory_space<hbm>>
          tpu.enqueue_dma source(%arg16 : memref<512xf32, #tpu.memory_space<vmem>>) target(%dma_start3A_279 : memref<512xf32, #tpu.memory_space<hbm>>) target_semaphore(%run_scoped3A : memref<!tpu.dma_semaphore, #tpu.memory_space<semaphore_mem>>)
          %dma_wait3A_280 = tpu.memref_slice %arg7[%mul3A_277] : memref<1600000xf32, #tpu.memory_space<hbm>> -> memref<512xf32, #tpu.memory_space<hbm>>
          %dma_wait3A_281 = tpu.memref_slice %arg7[%mul3A_277] : memref<1600000xf32, #tpu.memory_space<hbm>> -> memref<512xf32, #tpu.memory_space<hbm>>
          tpu.wait_dma2 semaphore(%run_scoped3A : memref<!tpu.dma_semaphore, #tpu.memory_space<semaphore_mem>>) src(%arg16 : memref<512xf32, #tpu.memory_space<vmem>>) dst(%dma_wait3A_281 : memref<512xf32, #tpu.memory_space<hbm>>)
          tpu.yield
        }) : () -> ()
        "tpu.region"() ({
          %run_scoped3A = tpu.sem_alloc : memref<!tpu.dma_semaphore, #tpu.memory_space<semaphore_mem>>
          %dma_start3A_278 = tpu.memref_slice %arg8[%mul3A_277] : memref<1600000xf32, #tpu.memory_space<hbm>> -> memref<512xf32, #tpu.memory_space<hbm>>
          %dma_start3A_279 = tpu.memref_slice %arg8[%mul3A_277] : memref<1600000xf32, #tpu.memory_space<hbm>> -> memref<512xf32, #tpu.memory_space<hbm>>
          tpu.enqueue_dma source(%arg17 : memref<512xf32, #tpu.memory_space<vmem>>) target(%dma_start3A_279 : memref<512xf32, #tpu.memory_space<hbm>>) target_semaphore(%run_scoped3A : memref<!tpu.dma_semaphore, #tpu.memory_space<semaphore_mem>>)
          %dma_wait3A_280 = tpu.memref_slice %arg8[%mul3A_277] : memref<1600000xf32, #tpu.memory_space<hbm>> -> memref<512xf32, #tpu.memory_space<hbm>>
          %dma_wait3A_281 = tpu.memref_slice %arg8[%mul3A_277] : memref<1600000xf32, #tpu.memory_space<hbm>> -> memref<512xf32, #tpu.memory_space<hbm>>
          tpu.wait_dma2 semaphore(%run_scoped3A : memref<!tpu.dma_semaphore, #tpu.memory_space<semaphore_mem>>) src(%arg17 : memref<512xf32, #tpu.memory_space<vmem>>) dst(%dma_wait3A_281 : memref<512xf32, #tpu.memory_space<hbm>>)
          tpu.yield
        }) : () -> ()
      } else {
      }
      %scan3A_14 = arith.constant 0 : i32
      scf.yield %scan3A_14 : i32
    }
    %scan3A_6 = arith.constant 98 : i32
    return
  }
}

#map = affine_map<(d0, d1) -> (0, 0, 0)>
#map1 = affine_map<(d0, d1) -> (0, 0)>
module attributes {stable_mosaic.version = 14 : i64} {
  func.func @_agg_body(%arg0: i32, %arg1: i32, %arg2: memref<3125x4x128xi32, #tpu.memory_space<hbm>>, %arg3: memref<3125x4x128xi32, #tpu.memory_space<hbm>>, %arg4: memref<100000x16xf32, #tpu.memory_space<hbm>>, %arg5: memref<100000x16xf32, #tpu.memory_space<hbm>>, %arg6: memref<100000x16xf32, #tpu.memory_space<hbm>>, %arg7: memref<100000x16xf32, #tpu.memory_space<hbm>>, %arg8: memref<16x1600000xf32, #tpu.memory_space<hbm>>, %arg9: memref<16x1600000xf32, #tpu.memory_space<hbm>>, %arg10: memref<100096x16xf32, #tpu.memory_space<hbm>>, %arg11: memref<100096x16xf32, #tpu.memory_space<hbm>>, %arg12: memref<4x128xi32, #tpu.memory_space<vmem>>, %arg13: memref<4x128xi32, #tpu.memory_space<vmem>>, %arg14: memref<512x16xf32, #tpu.memory_space<vmem>>, %arg15: memref<512x16xf32, #tpu.memory_space<vmem>>, %arg16: memref<16x512xf32, #tpu.memory_space<vmem>>, %arg17: memref<100096x16xf32, #tpu.memory_space<vmem_shared>>, %arg18: memref<!tpu.dma_semaphore, #tpu.memory_space<semaphore_mem>>, %arg19: memref<!tpu.dma_semaphore, #tpu.memory_space<semaphore_mem>>) attributes {dimension_semantics = [#tpu.dimension_semantics<core_parallel>, #tpu.dimension_semantics<subcore_parallel>], iteration_bounds = array<i64: 2, 16>, scalar_prefetch = 0 : i64, scratch_operands = 8 : i64, tpu.core_type = #tpu.core_type<sc_vector_subcore>, window_params = [{transform_indices = #map}, {transform_indices = #map}, {transform_indices = #map1}, {transform_indices = #map1}, {transform_indices = #map1}, {transform_indices = #map1}, {transform_indices = #map1}, {transform_indices = #map1}, {transform_indices = #map1}, {transform_indices = #map1}]} {
    %scan3A = arith.constant 0 : i32
    %scan3A_0 = arith.constant 0 : i32
    %scan3A_1 = arith.constant 512 : i32
    %scan3A_2 = arith.addi %scan3A_0, %scan3A_1 : i32
    %scan3A_3 = arith.constant 1 : i32
    %scan3A_4 = scf.for %scan3A_52 = %scan3A_0 to %scan3A_2 step %scan3A_3 iter_args(%scan3A_53 = %scan3A) -> (i32)  : i32 {
      %broadcast_in_dim3A = arith.constant 0.000000e+00 : f32
      %broadcast_in_dim3A_54 = vector.broadcast %broadcast_in_dim3A : f32 to vector<16xf32>
      %swap3A = arith.index_cast %scan3A_52 : i32 to index
      %swap3A_55 = arith.constant 0 : index
      %swap3A_56 = tpu.vector_load %arg14[%swap3A, %swap3A_55] {strides = array<i32>} : memref<512x16xf32, #tpu.memory_space<vmem>>, vector<16xf32>,
      tpu.vector_store %arg14[%swap3A, %swap3A_55], %broadcast_in_dim3A_54 {strides = array<i32>} : memref<512x16xf32, #tpu.memory_space<vmem>>, vector<16xf32>,
      %scan3A_57 = arith.constant 0 : i32
      scf.yield %scan3A_57 : i32
    }
    %scan3A_5 = arith.constant 512 : i32
    %mul3A = arith.constant 6256 : i32
    %mul3A_6 = arith.muli %arg1, %mul3A : i32
    %add3A = arith.constant 0 : i32
    %add3A_7 = arith.addi %mul3A_6, %add3A : i32
    "tpu.region"() ({
      %run_scoped3A = tpu.sem_alloc : memref<!tpu.dma_semaphore, #tpu.memory_space<semaphore_mem>>
      %dma_start3A = arith.constant 0 : i32
      %dma_start3A_52 = arith.constant 0 : i32
      %dma_start3A_53 = tpu.memref_slice %arg14[%dma_start3A, %dma_start3A_52] : memref<512x16xf32, #tpu.memory_space<vmem>> -> memref<512x16xf32, #tpu.memory_space<vmem>>
      %dma_start3A_54 = arith.constant 0 : i32
      %dma_start3A_55 = tpu.memref_slice %arg17[%add3A_7, %dma_start3A_54] : memref<100096x16xf32, #tpu.memory_space<vmem_shared>> -> memref<512x16xf32, #tpu.memory_space<vmem_shared>>
      %dma_start3A_56 = arith.constant 0 : i32
      %dma_start3A_57 = tpu.memref_slice %arg17[%add3A_7, %dma_start3A_56] : memref<100096x16xf32, #tpu.memory_space<vmem_shared>> -> memref<512x16xf32, #tpu.memory_space<vmem_shared>>
      %dma_start3A_58 = arith.constant 0 : i32
      %dma_start3A_59 = arith.constant 0 : i32
      %dma_start3A_60 = tpu.memref_slice %arg14[%dma_start3A_58, %dma_start3A_59] : memref<512x16xf32, #tpu.memory_space<vmem>> -> memref<512x16xf32, #tpu.memory_space<vmem>>
      tpu.enqueue_dma source(%dma_start3A_60 : memref<512x16xf32, #tpu.memory_space<vmem>>) target(%dma_start3A_57 : memref<512x16xf32, #tpu.memory_space<vmem_shared>>) target_semaphore(%run_scoped3A : memref<!tpu.dma_semaphore, #tpu.memory_space<semaphore_mem>>)
      %dma_wait3A = arith.constant 0 : i32
      %dma_wait3A_61 = arith.constant 0 : i32
      %dma_wait3A_62 = tpu.memref_slice %arg14[%dma_wait3A, %dma_wait3A_61] : memref<512x16xf32, #tpu.memory_space<vmem>> -> memref<512x16xf32, #tpu.memory_space<vmem>>
      %dma_wait3A_63 = arith.constant 0 : i32
      %dma_wait3A_64 = tpu.memref_slice %arg17[%add3A_7, %dma_wait3A_63] : memref<100096x16xf32, #tpu.memory_space<vmem_shared>> -> memref<512x16xf32, #tpu.memory_space<vmem_shared>>
      %dma_wait3A_65 = arith.constant 0 : i32
      %dma_wait3A_66 = tpu.memref_slice %arg17[%add3A_7, %dma_wait3A_65] : memref<100096x16xf32, #tpu.memory_space<vmem_shared>> -> memref<512x16xf32, #tpu.memory_space<vmem_shared>>
      %dma_wait3A_67 = arith.constant 0 : i32
      %dma_wait3A_68 = arith.constant 0 : i32
      %dma_wait3A_69 = tpu.memref_slice %arg14[%dma_wait3A_67, %dma_wait3A_68] : memref<512x16xf32, #tpu.memory_space<vmem>> -> memref<512x16xf32, #tpu.memory_space<vmem>>
      tpu.wait_dma2 semaphore(%run_scoped3A : memref<!tpu.dma_semaphore, #tpu.memory_space<semaphore_mem>>) src(%dma_wait3A_69 : memref<512x16xf32, #tpu.memory_space<vmem>>) dst(%dma_wait3A_66 : memref<512x16xf32, #tpu.memory_space<vmem_shared>>)
      tpu.yield
    }) : () -> ()
    %add3A_8 = arith.constant 512 : i32
    %add3A_9 = arith.addi %mul3A_6, %add3A_8 : i32
    "tpu.region"() ({
      %run_scoped3A = tpu.sem_alloc : memref<!tpu.dma_semaphore, #tpu.memory_space<semaphore_mem>>
      %dma_start3A = arith.constant 0 : i32
      %dma_start3A_52 = arith.constant 0 : i32
      %dma_start3A_53 = tpu.memref_slice %arg14[%dma_start3A, %dma_start3A_52] : memref<512x16xf32, #tpu.memory_space<vmem>> -> memref<512x16xf32, #tpu.memory_space<vmem>>
      %dma_start3A_54 = arith.constant 0 : i32
      %dma_start3A_55 = tpu.memref_slice %arg17[%add3A_9, %dma_start3A_54] : memref<100096x16xf32, #tpu.memory_space<vmem_shared>> -> memref<512x16xf32, #tpu.memory_space<vmem_shared>>
      %dma_start3A_56 = arith.constant 0 : i32
      %dma_start3A_57 = tpu.memref_slice %arg17[%add3A_9, %dma_start3A_56] : memref<100096x16xf32, #tpu.memory_space<vmem_shared>> -> memref<512x16xf32, #tpu.memory_space<vmem_shared>>
      %dma_start3A_58 = arith.constant 0 : i32
      %dma_start3A_59 = arith.constant 0 : i32
      %dma_start3A_60 = tpu.memref_slice %arg14[%dma_start3A_58, %dma_start3A_59] : memref<512x16xf32, #tpu.memory_space<vmem>> -> memref<512x16xf32, #tpu.memory_space<vmem>>
      tpu.enqueue_dma source(%dma_start3A_60 : memref<512x16xf32, #tpu.memory_space<vmem>>) target(%dma_start3A_57 : memref<512x16xf32, #tpu.memory_space<vmem_shared>>) target_semaphore(%run_scoped3A : memref<!tpu.dma_semaphore, #tpu.memory_space<semaphore_mem>>)
      %dma_wait3A = arith.constant 0 : i32
      %dma_wait3A_61 = arith.constant 0 : i32
      %dma_wait3A_62 = tpu.memref_slice %arg14[%dma_wait3A, %dma_wait3A_61] : memref<512x16xf32, #tpu.memory_space<vmem>> -> memref<512x16xf32, #tpu.memory_space<vmem>>
      %dma_wait3A_63 = arith.constant 0 : i32
      %dma_wait3A_64 = tpu.memref_slice %arg17[%add3A_9, %dma_wait3A_63] : memref<100096x16xf32, #tpu.memory_space<vmem_shared>> -> memref<512x16xf32, #tpu.memory_space<vmem_shared>>
      %dma_wait3A_65 = arith.constant 0 : i32
      %dma_wait3A_66 = tpu.memref_slice %arg17[%add3A_9, %dma_wait3A_65] : memref<100096x16xf32, #tpu.memory_space<vmem_shared>> -> memref<512x16xf32, #tpu.memory_space<vmem_shared>>
      %dma_wait3A_67 = arith.constant 0 : i32
      %dma_wait3A_68 = arith.constant 0 : i32
      %dma_wait3A_69 = tpu.memref_slice %arg14[%dma_wait3A_67, %dma_wait3A_68] : memref<512x16xf32, #tpu.memory_space<vmem>> -> memref<512x16xf32, #tpu.memory_space<vmem>>
      tpu.wait_dma2 semaphore(%run_scoped3A : memref<!tpu.dma_semaphore, #tpu.memory_space<semaphore_mem>>) src(%dma_wait3A_69 : memref<512x16xf32, #tpu.memory_space<vmem>>) dst(%dma_wait3A_66 : memref<512x16xf32, #tpu.memory_space<vmem_shared>>)
      tpu.yield
    }) : () -> ()
    %add3A_10 = arith.constant 1024 : i32
    %add3A_11 = arith.addi %mul3A_6, %add3A_10 : i32
    "tpu.region"() ({
      %run_scoped3A = tpu.sem_alloc : memref<!tpu.dma_semaphore, #tpu.memory_space<semaphore_mem>>
      %dma_start3A = arith.constant 0 : i32
      %dma_start3A_52 = arith.constant 0 : i32
      %dma_start3A_53 = tpu.memref_slice %arg14[%dma_start3A, %dma_start3A_52] : memref<512x16xf32, #tpu.memory_space<vmem>> -> memref<512x16xf32, #tpu.memory_space<vmem>>
      %dma_start3A_54 = arith.constant 0 : i32
      %dma_start3A_55 = tpu.memref_slice %arg17[%add3A_11, %dma_start3A_54] : memref<100096x16xf32, #tpu.memory_space<vmem_shared>> -> memref<512x16xf32, #tpu.memory_space<vmem_shared>>
      %dma_start3A_56 = arith.constant 0 : i32
      %dma_start3A_57 = tpu.memref_slice %arg17[%add3A_11, %dma_start3A_56] : memref<100096x16xf32, #tpu.memory_space<vmem_shared>> -> memref<512x16xf32, #tpu.memory_space<vmem_shared>>
      %dma_start3A_58 = arith.constant 0 : i32
      %dma_start3A_59 = arith.constant 0 : i32
      %dma_start3A_60 = tpu.memref_slice %arg14[%dma_start3A_58, %dma_start3A_59] : memref<512x16xf32, #tpu.memory_space<vmem>> -> memref<512x16xf32, #tpu.memory_space<vmem>>
      tpu.enqueue_dma source(%dma_start3A_60 : memref<512x16xf32, #tpu.memory_space<vmem>>) target(%dma_start3A_57 : memref<512x16xf32, #tpu.memory_space<vmem_shared>>) target_semaphore(%run_scoped3A : memref<!tpu.dma_semaphore, #tpu.memory_space<semaphore_mem>>)
      %dma_wait3A = arith.constant 0 : i32
      %dma_wait3A_61 = arith.constant 0 : i32
      %dma_wait3A_62 = tpu.memref_slice %arg14[%dma_wait3A, %dma_wait3A_61] : memref<512x16xf32, #tpu.memory_space<vmem>> -> memref<512x16xf32, #tpu.memory_space<vmem>>
      %dma_wait3A_63 = arith.constant 0 : i32
      %dma_wait3A_64 = tpu.memref_slice %arg17[%add3A_11, %dma_wait3A_63] : memref<100096x16xf32, #tpu.memory_space<vmem_shared>> -> memref<512x16xf32, #tpu.memory_space<vmem_shared>>
      %dma_wait3A_65 = arith.constant 0 : i32
      %dma_wait3A_66 = tpu.memref_slice %arg17[%add3A_11, %dma_wait3A_65] : memref<100096x16xf32, #tpu.memory_space<vmem_shared>> -> memref<512x16xf32, #tpu.memory_space<vmem_shared>>
      %dma_wait3A_67 = arith.constant 0 : i32
      %dma_wait3A_68 = arith.constant 0 : i32
      %dma_wait3A_69 = tpu.memref_slice %arg14[%dma_wait3A_67, %dma_wait3A_68] : memref<512x16xf32, #tpu.memory_space<vmem>> -> memref<512x16xf32, #tpu.memory_space<vmem>>
      tpu.wait_dma2 semaphore(%run_scoped3A : memref<!tpu.dma_semaphore, #tpu.memory_space<semaphore_mem>>) src(%dma_wait3A_69 : memref<512x16xf32, #tpu.memory_space<vmem>>) dst(%dma_wait3A_66 : memref<512x16xf32, #tpu.memory_space<vmem_shared>>)
      tpu.yield
    }) : () -> ()
    %add3A_12 = arith.constant 1536 : i32
    %add3A_13 = arith.addi %mul3A_6, %add3A_12 : i32
    "tpu.region"() ({
      %run_scoped3A = tpu.sem_alloc : memref<!tpu.dma_semaphore, #tpu.memory_space<semaphore_mem>>
      %dma_start3A = arith.constant 0 : i32
      %dma_start3A_52 = arith.constant 0 : i32
      %dma_start3A_53 = tpu.memref_slice %arg14[%dma_start3A, %dma_start3A_52] : memref<512x16xf32, #tpu.memory_space<vmem>> -> memref<512x16xf32, #tpu.memory_space<vmem>>
      %dma_start3A_54 = arith.constant 0 : i32
      %dma_start3A_55 = tpu.memref_slice %arg17[%add3A_13, %dma_start3A_54] : memref<100096x16xf32, #tpu.memory_space<vmem_shared>> -> memref<512x16xf32, #tpu.memory_space<vmem_shared>>
      %dma_start3A_56 = arith.constant 0 : i32
      %dma_start3A_57 = tpu.memref_slice %arg17[%add3A_13, %dma_start3A_56] : memref<100096x16xf32, #tpu.memory_space<vmem_shared>> -> memref<512x16xf32, #tpu.memory_space<vmem_shared>>
      %dma_start3A_58 = arith.constant 0 : i32
      %dma_start3A_59 = arith.constant 0 : i32
      %dma_start3A_60 = tpu.memref_slice %arg14[%dma_start3A_58, %dma_start3A_59] : memref<512x16xf32, #tpu.memory_space<vmem>> -> memref<512x16xf32, #tpu.memory_space<vmem>>
      tpu.enqueue_dma source(%dma_start3A_60 : memref<512x16xf32, #tpu.memory_space<vmem>>) target(%dma_start3A_57 : memref<512x16xf32, #tpu.memory_space<vmem_shared>>) target_semaphore(%run_scoped3A : memref<!tpu.dma_semaphore, #tpu.memory_space<semaphore_mem>>)
      %dma_wait3A = arith.constant 0 : i32
      %dma_wait3A_61 = arith.constant 0 : i32
      %dma_wait3A_62 = tpu.memref_slice %arg14[%dma_wait3A, %dma_wait3A_61] : memref<512x16xf32, #tpu.memory_space<vmem>> -> memref<512x16xf32, #tpu.memory_space<vmem>>
      %dma_wait3A_63 = arith.constant 0 : i32
      %dma_wait3A_64 = tpu.memref_slice %arg17[%add3A_13, %dma_wait3A_63] : memref<100096x16xf32, #tpu.memory_space<vmem_shared>> -> memref<512x16xf32, #tpu.memory_space<vmem_shared>>
      %dma_wait3A_65 = arith.constant 0 : i32
      %dma_wait3A_66 = tpu.memref_slice %arg17[%add3A_13, %dma_wait3A_65] : memref<100096x16xf32, #tpu.memory_space<vmem_shared>> -> memref<512x16xf32, #tpu.memory_space<vmem_shared>>
      %dma_wait3A_67 = arith.constant 0 : i32
      %dma_wait3A_68 = arith.constant 0 : i32
      %dma_wait3A_69 = tpu.memref_slice %arg14[%dma_wait3A_67, %dma_wait3A_68] : memref<512x16xf32, #tpu.memory_space<vmem>> -> memref<512x16xf32, #tpu.memory_space<vmem>>
      tpu.wait_dma2 semaphore(%run_scoped3A : memref<!tpu.dma_semaphore, #tpu.memory_space<semaphore_mem>>) src(%dma_wait3A_69 : memref<512x16xf32, #tpu.memory_space<vmem>>) dst(%dma_wait3A_66 : memref<512x16xf32, #tpu.memory_space<vmem_shared>>)
      tpu.yield
    }) : () -> ()
    %add3A_14 = arith.constant 2048 : i32
    %add3A_15 = arith.addi %mul3A_6, %add3A_14 : i32
    "tpu.region"() ({
      %run_scoped3A = tpu.sem_alloc : memref<!tpu.dma_semaphore, #tpu.memory_space<semaphore_mem>>
      %dma_start3A = arith.constant 0 : i32
      %dma_start3A_52 = arith.constant 0 : i32
      %dma_start3A_53 = tpu.memref_slice %arg14[%dma_start3A, %dma_start3A_52] : memref<512x16xf32, #tpu.memory_space<vmem>> -> memref<512x16xf32, #tpu.memory_space<vmem>>
      %dma_start3A_54 = arith.constant 0 : i32
      %dma_start3A_55 = tpu.memref_slice %arg17[%add3A_15, %dma_start3A_54] : memref<100096x16xf32, #tpu.memory_space<vmem_shared>> -> memref<512x16xf32, #tpu.memory_space<vmem_shared>>
      %dma_start3A_56 = arith.constant 0 : i32
      %dma_start3A_57 = tpu.memref_slice %arg17[%add3A_15, %dma_start3A_56] : memref<100096x16xf32, #tpu.memory_space<vmem_shared>> -> memref<512x16xf32, #tpu.memory_space<vmem_shared>>
      %dma_start3A_58 = arith.constant 0 : i32
      %dma_start3A_59 = arith.constant 0 : i32
      %dma_start3A_60 = tpu.memref_slice %arg14[%dma_start3A_58, %dma_start3A_59] : memref<512x16xf32, #tpu.memory_space<vmem>> -> memref<512x16xf32, #tpu.memory_space<vmem>>
      tpu.enqueue_dma source(%dma_start3A_60 : memref<512x16xf32, #tpu.memory_space<vmem>>) target(%dma_start3A_57 : memref<512x16xf32, #tpu.memory_space<vmem_shared>>) target_semaphore(%run_scoped3A : memref<!tpu.dma_semaphore, #tpu.memory_space<semaphore_mem>>)
      %dma_wait3A = arith.constant 0 : i32
      %dma_wait3A_61 = arith.constant 0 : i32
      %dma_wait3A_62 = tpu.memref_slice %arg14[%dma_wait3A, %dma_wait3A_61] : memref<512x16xf32, #tpu.memory_space<vmem>> -> memref<512x16xf32, #tpu.memory_space<vmem>>
      %dma_wait3A_63 = arith.constant 0 : i32
      %dma_wait3A_64 = tpu.memref_slice %arg17[%add3A_15, %dma_wait3A_63] : memref<100096x16xf32, #tpu.memory_space<vmem_shared>> -> memref<512x16xf32, #tpu.memory_space<vmem_shared>>
      %dma_wait3A_65 = arith.constant 0 : i32
      %dma_wait3A_66 = tpu.memref_slice %arg17[%add3A_15, %dma_wait3A_65] : memref<100096x16xf32, #tpu.memory_space<vmem_shared>> -> memref<512x16xf32, #tpu.memory_space<vmem_shared>>
      %dma_wait3A_67 = arith.constant 0 : i32
      %dma_wait3A_68 = arith.constant 0 : i32
      %dma_wait3A_69 = tpu.memref_slice %arg14[%dma_wait3A_67, %dma_wait3A_68] : memref<512x16xf32, #tpu.memory_space<vmem>> -> memref<512x16xf32, #tpu.memory_space<vmem>>
      tpu.wait_dma2 semaphore(%run_scoped3A : memref<!tpu.dma_semaphore, #tpu.memory_space<semaphore_mem>>) src(%dma_wait3A_69 : memref<512x16xf32, #tpu.memory_space<vmem>>) dst(%dma_wait3A_66 : memref<512x16xf32, #tpu.memory_space<vmem_shared>>)
      tpu.yield
    }) : () -> ()
    %add3A_16 = arith.constant 2560 : i32
    %add3A_17 = arith.addi %mul3A_6, %add3A_16 : i32
    "tpu.region"() ({
      %run_scoped3A = tpu.sem_alloc : memref<!tpu.dma_semaphore, #tpu.memory_space<semaphore_mem>>
      %dma_start3A = arith.constant 0 : i32
      %dma_start3A_52 = arith.constant 0 : i32
      %dma_start3A_53 = tpu.memref_slice %arg14[%dma_start3A, %dma_start3A_52] : memref<512x16xf32, #tpu.memory_space<vmem>> -> memref<512x16xf32, #tpu.memory_space<vmem>>
      %dma_start3A_54 = arith.constant 0 : i32
      %dma_start3A_55 = tpu.memref_slice %arg17[%add3A_17, %dma_start3A_54] : memref<100096x16xf32, #tpu.memory_space<vmem_shared>> -> memref<512x16xf32, #tpu.memory_space<vmem_shared>>
      %dma_start3A_56 = arith.constant 0 : i32
      %dma_start3A_57 = tpu.memref_slice %arg17[%add3A_17, %dma_start3A_56] : memref<100096x16xf32, #tpu.memory_space<vmem_shared>> -> memref<512x16xf32, #tpu.memory_space<vmem_shared>>
      %dma_start3A_58 = arith.constant 0 : i32
      %dma_start3A_59 = arith.constant 0 : i32
      %dma_start3A_60 = tpu.memref_slice %arg14[%dma_start3A_58, %dma_start3A_59] : memref<512x16xf32, #tpu.memory_space<vmem>> -> memref<512x16xf32, #tpu.memory_space<vmem>>
      tpu.enqueue_dma source(%dma_start3A_60 : memref<512x16xf32, #tpu.memory_space<vmem>>) target(%dma_start3A_57 : memref<512x16xf32, #tpu.memory_space<vmem_shared>>) target_semaphore(%run_scoped3A : memref<!tpu.dma_semaphore, #tpu.memory_space<semaphore_mem>>)
      %dma_wait3A = arith.constant 0 : i32
      %dma_wait3A_61 = arith.constant 0 : i32
      %dma_wait3A_62 = tpu.memref_slice %arg14[%dma_wait3A, %dma_wait3A_61] : memref<512x16xf32, #tpu.memory_space<vmem>> -> memref<512x16xf32, #tpu.memory_space<vmem>>
      %dma_wait3A_63 = arith.constant 0 : i32
      %dma_wait3A_64 = tpu.memref_slice %arg17[%add3A_17, %dma_wait3A_63] : memref<100096x16xf32, #tpu.memory_space<vmem_shared>> -> memref<512x16xf32, #tpu.memory_space<vmem_shared>>
      %dma_wait3A_65 = arith.constant 0 : i32
      %dma_wait3A_66 = tpu.memref_slice %arg17[%add3A_17, %dma_wait3A_65] : memref<100096x16xf32, #tpu.memory_space<vmem_shared>> -> memref<512x16xf32, #tpu.memory_space<vmem_shared>>
      %dma_wait3A_67 = arith.constant 0 : i32
      %dma_wait3A_68 = arith.constant 0 : i32
      %dma_wait3A_69 = tpu.memref_slice %arg14[%dma_wait3A_67, %dma_wait3A_68] : memref<512x16xf32, #tpu.memory_space<vmem>> -> memref<512x16xf32, #tpu.memory_space<vmem>>
      tpu.wait_dma2 semaphore(%run_scoped3A : memref<!tpu.dma_semaphore, #tpu.memory_space<semaphore_mem>>) src(%dma_wait3A_69 : memref<512x16xf32, #tpu.memory_space<vmem>>) dst(%dma_wait3A_66 : memref<512x16xf32, #tpu.memory_space<vmem_shared>>)
      tpu.yield
    }) : () -> ()
    %add3A_18 = arith.constant 3072 : i32
    %add3A_19 = arith.addi %mul3A_6, %add3A_18 : i32
    "tpu.region"() ({
      %run_scoped3A = tpu.sem_alloc : memref<!tpu.dma_semaphore, #tpu.memory_space<semaphore_mem>>
      %dma_start3A = arith.constant 0 : i32
      %dma_start3A_52 = arith.constant 0 : i32
      %dma_start3A_53 = tpu.memref_slice %arg14[%dma_start3A, %dma_start3A_52] : memref<512x16xf32, #tpu.memory_space<vmem>> -> memref<512x16xf32, #tpu.memory_space<vmem>>
      %dma_start3A_54 = arith.constant 0 : i32
      %dma_start3A_55 = tpu.memref_slice %arg17[%add3A_19, %dma_start3A_54] : memref<100096x16xf32, #tpu.memory_space<vmem_shared>> -> memref<512x16xf32, #tpu.memory_space<vmem_shared>>
      %dma_start3A_56 = arith.constant 0 : i32
      %dma_start3A_57 = tpu.memref_slice %arg17[%add3A_19, %dma_start3A_56] : memref<100096x16xf32, #tpu.memory_space<vmem_shared>> -> memref<512x16xf32, #tpu.memory_space<vmem_shared>>
      %dma_start3A_58 = arith.constant 0 : i32
      %dma_start3A_59 = arith.constant 0 : i32
      %dma_start3A_60 = tpu.memref_slice %arg14[%dma_start3A_58, %dma_start3A_59] : memref<512x16xf32, #tpu.memory_space<vmem>> -> memref<512x16xf32, #tpu.memory_space<vmem>>
      tpu.enqueue_dma source(%dma_start3A_60 : memref<512x16xf32, #tpu.memory_space<vmem>>) target(%dma_start3A_57 : memref<512x16xf32, #tpu.memory_space<vmem_shared>>) target_semaphore(%run_scoped3A : memref<!tpu.dma_semaphore, #tpu.memory_space<semaphore_mem>>)
      %dma_wait3A = arith.constant 0 : i32
      %dma_wait3A_61 = arith.constant 0 : i32
      %dma_wait3A_62 = tpu.memref_slice %arg14[%dma_wait3A, %dma_wait3A_61] : memref<512x16xf32, #tpu.memory_space<vmem>> -> memref<512x16xf32, #tpu.memory_space<vmem>>
      %dma_wait3A_63 = arith.constant 0 : i32
      %dma_wait3A_64 = tpu.memref_slice %arg17[%add3A_19, %dma_wait3A_63] : memref<100096x16xf32, #tpu.memory_space<vmem_shared>> -> memref<512x16xf32, #tpu.memory_space<vmem_shared>>
      %dma_wait3A_65 = arith.constant 0 : i32
      %dma_wait3A_66 = tpu.memref_slice %arg17[%add3A_19, %dma_wait3A_65] : memref<100096x16xf32, #tpu.memory_space<vmem_shared>> -> memref<512x16xf32, #tpu.memory_space<vmem_shared>>
      %dma_wait3A_67 = arith.constant 0 : i32
      %dma_wait3A_68 = arith.constant 0 : i32
      %dma_wait3A_69 = tpu.memref_slice %arg14[%dma_wait3A_67, %dma_wait3A_68] : memref<512x16xf32, #tpu.memory_space<vmem>> -> memref<512x16xf32, #tpu.memory_space<vmem>>
      tpu.wait_dma2 semaphore(%run_scoped3A : memref<!tpu.dma_semaphore, #tpu.memory_space<semaphore_mem>>) src(%dma_wait3A_69 : memref<512x16xf32, #tpu.memory_space<vmem>>) dst(%dma_wait3A_66 : memref<512x16xf32, #tpu.memory_space<vmem_shared>>)
      tpu.yield
    }) : () -> ()
    %add3A_20 = arith.constant 3584 : i32
    %add3A_21 = arith.addi %mul3A_6, %add3A_20 : i32
    "tpu.region"() ({
      %run_scoped3A = tpu.sem_alloc : memref<!tpu.dma_semaphore, #tpu.memory_space<semaphore_mem>>
      %dma_start3A = arith.constant 0 : i32
      %dma_start3A_52 = arith.constant 0 : i32
      %dma_start3A_53 = tpu.memref_slice %arg14[%dma_start3A, %dma_start3A_52] : memref<512x16xf32, #tpu.memory_space<vmem>> -> memref<512x16xf32, #tpu.memory_space<vmem>>
      %dma_start3A_54 = arith.constant 0 : i32
      %dma_start3A_55 = tpu.memref_slice %arg17[%add3A_21, %dma_start3A_54] : memref<100096x16xf32, #tpu.memory_space<vmem_shared>> -> memref<512x16xf32, #tpu.memory_space<vmem_shared>>
      %dma_start3A_56 = arith.constant 0 : i32
      %dma_start3A_57 = tpu.memref_slice %arg17[%add3A_21, %dma_start3A_56] : memref<100096x16xf32, #tpu.memory_space<vmem_shared>> -> memref<512x16xf32, #tpu.memory_space<vmem_shared>>
      %dma_start3A_58 = arith.constant 0 : i32
      %dma_start3A_59 = arith.constant 0 : i32
      %dma_start3A_60 = tpu.memref_slice %arg14[%dma_start3A_58, %dma_start3A_59] : memref<512x16xf32, #tpu.memory_space<vmem>> -> memref<512x16xf32, #tpu.memory_space<vmem>>
      tpu.enqueue_dma source(%dma_start3A_60 : memref<512x16xf32, #tpu.memory_space<vmem>>) target(%dma_start3A_57 : memref<512x16xf32, #tpu.memory_space<vmem_shared>>) target_semaphore(%run_scoped3A : memref<!tpu.dma_semaphore, #tpu.memory_space<semaphore_mem>>)
      %dma_wait3A = arith.constant 0 : i32
      %dma_wait3A_61 = arith.constant 0 : i32
      %dma_wait3A_62 = tpu.memref_slice %arg14[%dma_wait3A, %dma_wait3A_61] : memref<512x16xf32, #tpu.memory_space<vmem>> -> memref<512x16xf32, #tpu.memory_space<vmem>>
      %dma_wait3A_63 = arith.constant 0 : i32
      %dma_wait3A_64 = tpu.memref_slice %arg17[%add3A_21, %dma_wait3A_63] : memref<100096x16xf32, #tpu.memory_space<vmem_shared>> -> memref<512x16xf32, #tpu.memory_space<vmem_shared>>
      %dma_wait3A_65 = arith.constant 0 : i32
      %dma_wait3A_66 = tpu.memref_slice %arg17[%add3A_21, %dma_wait3A_65] : memref<100096x16xf32, #tpu.memory_space<vmem_shared>> -> memref<512x16xf32, #tpu.memory_space<vmem_shared>>
      %dma_wait3A_67 = arith.constant 0 : i32
      %dma_wait3A_68 = arith.constant 0 : i32
      %dma_wait3A_69 = tpu.memref_slice %arg14[%dma_wait3A_67, %dma_wait3A_68] : memref<512x16xf32, #tpu.memory_space<vmem>> -> memref<512x16xf32, #tpu.memory_space<vmem>>
      tpu.wait_dma2 semaphore(%run_scoped3A : memref<!tpu.dma_semaphore, #tpu.memory_space<semaphore_mem>>) src(%dma_wait3A_69 : memref<512x16xf32, #tpu.memory_space<vmem>>) dst(%dma_wait3A_66 : memref<512x16xf32, #tpu.memory_space<vmem_shared>>)
      tpu.yield
    }) : () -> ()
    %add3A_22 = arith.constant 4096 : i32
    %add3A_23 = arith.addi %mul3A_6, %add3A_22 : i32
    "tpu.region"() ({
      %run_scoped3A = tpu.sem_alloc : memref<!tpu.dma_semaphore, #tpu.memory_space<semaphore_mem>>
      %dma_start3A = arith.constant 0 : i32
      %dma_start3A_52 = arith.constant 0 : i32
      %dma_start3A_53 = tpu.memref_slice %arg14[%dma_start3A, %dma_start3A_52] : memref<512x16xf32, #tpu.memory_space<vmem>> -> memref<512x16xf32, #tpu.memory_space<vmem>>
      %dma_start3A_54 = arith.constant 0 : i32
      %dma_start3A_55 = tpu.memref_slice %arg17[%add3A_23, %dma_start3A_54] : memref<100096x16xf32, #tpu.memory_space<vmem_shared>> -> memref<512x16xf32, #tpu.memory_space<vmem_shared>>
      %dma_start3A_56 = arith.constant 0 : i32
      %dma_start3A_57 = tpu.memref_slice %arg17[%add3A_23, %dma_start3A_56] : memref<100096x16xf32, #tpu.memory_space<vmem_shared>> -> memref<512x16xf32, #tpu.memory_space<vmem_shared>>
      %dma_start3A_58 = arith.constant 0 : i32
      %dma_start3A_59 = arith.constant 0 : i32
      %dma_start3A_60 = tpu.memref_slice %arg14[%dma_start3A_58, %dma_start3A_59] : memref<512x16xf32, #tpu.memory_space<vmem>> -> memref<512x16xf32, #tpu.memory_space<vmem>>
      tpu.enqueue_dma source(%dma_start3A_60 : memref<512x16xf32, #tpu.memory_space<vmem>>) target(%dma_start3A_57 : memref<512x16xf32, #tpu.memory_space<vmem_shared>>) target_semaphore(%run_scoped3A : memref<!tpu.dma_semaphore, #tpu.memory_space<semaphore_mem>>)
      %dma_wait3A = arith.constant 0 : i32
      %dma_wait3A_61 = arith.constant 0 : i32
      %dma_wait3A_62 = tpu.memref_slice %arg14[%dma_wait3A, %dma_wait3A_61] : memref<512x16xf32, #tpu.memory_space<vmem>> -> memref<512x16xf32, #tpu.memory_space<vmem>>
      %dma_wait3A_63 = arith.constant 0 : i32
      %dma_wait3A_64 = tpu.memref_slice %arg17[%add3A_23, %dma_wait3A_63] : memref<100096x16xf32, #tpu.memory_space<vmem_shared>> -> memref<512x16xf32, #tpu.memory_space<vmem_shared>>
      %dma_wait3A_65 = arith.constant 0 : i32
      %dma_wait3A_66 = tpu.memref_slice %arg17[%add3A_23, %dma_wait3A_65] : memref<100096x16xf32, #tpu.memory_space<vmem_shared>> -> memref<512x16xf32, #tpu.memory_space<vmem_shared>>
      %dma_wait3A_67 = arith.constant 0 : i32
      %dma_wait3A_68 = arith.constant 0 : i32
      %dma_wait3A_69 = tpu.memref_slice %arg14[%dma_wait3A_67, %dma_wait3A_68] : memref<512x16xf32, #tpu.memory_space<vmem>> -> memref<512x16xf32, #tpu.memory_space<vmem>>
      tpu.wait_dma2 semaphore(%run_scoped3A : memref<!tpu.dma_semaphore, #tpu.memory_space<semaphore_mem>>) src(%dma_wait3A_69 : memref<512x16xf32, #tpu.memory_space<vmem>>) dst(%dma_wait3A_66 : memref<512x16xf32, #tpu.memory_space<vmem_shared>>)
      tpu.yield
    }) : () -> ()
    %add3A_24 = arith.constant 4608 : i32
    %add3A_25 = arith.addi %mul3A_6, %add3A_24 : i32
    "tpu.region"() ({
      %run_scoped3A = tpu.sem_alloc : memref<!tpu.dma_semaphore, #tpu.memory_space<semaphore_mem>>
      %dma_start3A = arith.constant 0 : i32
      %dma_start3A_52 = arith.constant 0 : i32
      %dma_start3A_53 = tpu.memref_slice %arg14[%dma_start3A, %dma_start3A_52] : memref<512x16xf32, #tpu.memory_space<vmem>> -> memref<512x16xf32, #tpu.memory_space<vmem>>
      %dma_start3A_54 = arith.constant 0 : i32
      %dma_start3A_55 = tpu.memref_slice %arg17[%add3A_25, %dma_start3A_54] : memref<100096x16xf32, #tpu.memory_space<vmem_shared>> -> memref<512x16xf32, #tpu.memory_space<vmem_shared>>
      %dma_start3A_56 = arith.constant 0 : i32
      %dma_start3A_57 = tpu.memref_slice %arg17[%add3A_25, %dma_start3A_56] : memref<100096x16xf32, #tpu.memory_space<vmem_shared>> -> memref<512x16xf32, #tpu.memory_space<vmem_shared>>
      %dma_start3A_58 = arith.constant 0 : i32
      %dma_start3A_59 = arith.constant 0 : i32
      %dma_start3A_60 = tpu.memref_slice %arg14[%dma_start3A_58, %dma_start3A_59] : memref<512x16xf32, #tpu.memory_space<vmem>> -> memref<512x16xf32, #tpu.memory_space<vmem>>
      tpu.enqueue_dma source(%dma_start3A_60 : memref<512x16xf32, #tpu.memory_space<vmem>>) target(%dma_start3A_57 : memref<512x16xf32, #tpu.memory_space<vmem_shared>>) target_semaphore(%run_scoped3A : memref<!tpu.dma_semaphore, #tpu.memory_space<semaphore_mem>>)
      %dma_wait3A = arith.constant 0 : i32
      %dma_wait3A_61 = arith.constant 0 : i32
      %dma_wait3A_62 = tpu.memref_slice %arg14[%dma_wait3A, %dma_wait3A_61] : memref<512x16xf32, #tpu.memory_space<vmem>> -> memref<512x16xf32, #tpu.memory_space<vmem>>
      %dma_wait3A_63 = arith.constant 0 : i32
      %dma_wait3A_64 = tpu.memref_slice %arg17[%add3A_25, %dma_wait3A_63] : memref<100096x16xf32, #tpu.memory_space<vmem_shared>> -> memref<512x16xf32, #tpu.memory_space<vmem_shared>>
      %dma_wait3A_65 = arith.constant 0 : i32
      %dma_wait3A_66 = tpu.memref_slice %arg17[%add3A_25, %dma_wait3A_65] : memref<100096x16xf32, #tpu.memory_space<vmem_shared>> -> memref<512x16xf32, #tpu.memory_space<vmem_shared>>
      %dma_wait3A_67 = arith.constant 0 : i32
      %dma_wait3A_68 = arith.constant 0 : i32
      %dma_wait3A_69 = tpu.memref_slice %arg14[%dma_wait3A_67, %dma_wait3A_68] : memref<512x16xf32, #tpu.memory_space<vmem>> -> memref<512x16xf32, #tpu.memory_space<vmem>>
      tpu.wait_dma2 semaphore(%run_scoped3A : memref<!tpu.dma_semaphore, #tpu.memory_space<semaphore_mem>>) src(%dma_wait3A_69 : memref<512x16xf32, #tpu.memory_space<vmem>>) dst(%dma_wait3A_66 : memref<512x16xf32, #tpu.memory_space<vmem_shared>>)
      tpu.yield
    }) : () -> ()
    %add3A_26 = arith.constant 5120 : i32
    %add3A_27 = arith.addi %mul3A_6, %add3A_26 : i32
    "tpu.region"() ({
      %run_scoped3A = tpu.sem_alloc : memref<!tpu.dma_semaphore, #tpu.memory_space<semaphore_mem>>
      %dma_start3A = arith.constant 0 : i32
      %dma_start3A_52 = arith.constant 0 : i32
      %dma_start3A_53 = tpu.memref_slice %arg14[%dma_start3A, %dma_start3A_52] : memref<512x16xf32, #tpu.memory_space<vmem>> -> memref<512x16xf32, #tpu.memory_space<vmem>>
      %dma_start3A_54 = arith.constant 0 : i32
      %dma_start3A_55 = tpu.memref_slice %arg17[%add3A_27, %dma_start3A_54] : memref<100096x16xf32, #tpu.memory_space<vmem_shared>> -> memref<512x16xf32, #tpu.memory_space<vmem_shared>>
      %dma_start3A_56 = arith.constant 0 : i32
      %dma_start3A_57 = tpu.memref_slice %arg17[%add3A_27, %dma_start3A_56] : memref<100096x16xf32, #tpu.memory_space<vmem_shared>> -> memref<512x16xf32, #tpu.memory_space<vmem_shared>>
      %dma_start3A_58 = arith.constant 0 : i32
      %dma_start3A_59 = arith.constant 0 : i32
      %dma_start3A_60 = tpu.memref_slice %arg14[%dma_start3A_58, %dma_start3A_59] : memref<512x16xf32, #tpu.memory_space<vmem>> -> memref<512x16xf32, #tpu.memory_space<vmem>>
      tpu.enqueue_dma source(%dma_start3A_60 : memref<512x16xf32, #tpu.memory_space<vmem>>) target(%dma_start3A_57 : memref<512x16xf32, #tpu.memory_space<vmem_shared>>) target_semaphore(%run_scoped3A : memref<!tpu.dma_semaphore, #tpu.memory_space<semaphore_mem>>)
      %dma_wait3A = arith.constant 0 : i32
      %dma_wait3A_61 = arith.constant 0 : i32
      %dma_wait3A_62 = tpu.memref_slice %arg14[%dma_wait3A, %dma_wait3A_61] : memref<512x16xf32, #tpu.memory_space<vmem>> -> memref<512x16xf32, #tpu.memory_space<vmem>>
      %dma_wait3A_63 = arith.constant 0 : i32
      %dma_wait3A_64 = tpu.memref_slice %arg17[%add3A_27, %dma_wait3A_63] : memref<100096x16xf32, #tpu.memory_space<vmem_shared>> -> memref<512x16xf32, #tpu.memory_space<vmem_shared>>
      %dma_wait3A_65 = arith.constant 0 : i32
      %dma_wait3A_66 = tpu.memref_slice %arg17[%add3A_27, %dma_wait3A_65] : memref<100096x16xf32, #tpu.memory_space<vmem_shared>> -> memref<512x16xf32, #tpu.memory_space<vmem_shared>>
      %dma_wait3A_67 = arith.constant 0 : i32
      %dma_wait3A_68 = arith.constant 0 : i32
      %dma_wait3A_69 = tpu.memref_slice %arg14[%dma_wait3A_67, %dma_wait3A_68] : memref<512x16xf32, #tpu.memory_space<vmem>> -> memref<512x16xf32, #tpu.memory_space<vmem>>
      tpu.wait_dma2 semaphore(%run_scoped3A : memref<!tpu.dma_semaphore, #tpu.memory_space<semaphore_mem>>) src(%dma_wait3A_69 : memref<512x16xf32, #tpu.memory_space<vmem>>) dst(%dma_wait3A_66 : memref<512x16xf32, #tpu.memory_space<vmem_shared>>)
      tpu.yield
    }) : () -> ()
    %add3A_28 = arith.constant 5632 : i32
    %add3A_29 = arith.addi %mul3A_6, %add3A_28 : i32
    "tpu.region"() ({
      %run_scoped3A = tpu.sem_alloc : memref<!tpu.dma_semaphore, #tpu.memory_space<semaphore_mem>>
      %dma_start3A = arith.constant 0 : i32
      %dma_start3A_52 = arith.constant 0 : i32
      %dma_start3A_53 = tpu.memref_slice %arg14[%dma_start3A, %dma_start3A_52] : memref<512x16xf32, #tpu.memory_space<vmem>> -> memref<512x16xf32, #tpu.memory_space<vmem>>
      %dma_start3A_54 = arith.constant 0 : i32
      %dma_start3A_55 = tpu.memref_slice %arg17[%add3A_29, %dma_start3A_54] : memref<100096x16xf32, #tpu.memory_space<vmem_shared>> -> memref<512x16xf32, #tpu.memory_space<vmem_shared>>
      %dma_start3A_56 = arith.constant 0 : i32
      %dma_start3A_57 = tpu.memref_slice %arg17[%add3A_29, %dma_start3A_56] : memref<100096x16xf32, #tpu.memory_space<vmem_shared>> -> memref<512x16xf32, #tpu.memory_space<vmem_shared>>
      %dma_start3A_58 = arith.constant 0 : i32
      %dma_start3A_59 = arith.constant 0 : i32
      %dma_start3A_60 = tpu.memref_slice %arg14[%dma_start3A_58, %dma_start3A_59] : memref<512x16xf32, #tpu.memory_space<vmem>> -> memref<512x16xf32, #tpu.memory_space<vmem>>
      tpu.enqueue_dma source(%dma_start3A_60 : memref<512x16xf32, #tpu.memory_space<vmem>>) target(%dma_start3A_57 : memref<512x16xf32, #tpu.memory_space<vmem_shared>>) target_semaphore(%run_scoped3A : memref<!tpu.dma_semaphore, #tpu.memory_space<semaphore_mem>>)
      %dma_wait3A = arith.constant 0 : i32
      %dma_wait3A_61 = arith.constant 0 : i32
      %dma_wait3A_62 = tpu.memref_slice %arg14[%dma_wait3A, %dma_wait3A_61] : memref<512x16xf32, #tpu.memory_space<vmem>> -> memref<512x16xf32, #tpu.memory_space<vmem>>
      %dma_wait3A_63 = arith.constant 0 : i32
      %dma_wait3A_64 = tpu.memref_slice %arg17[%add3A_29, %dma_wait3A_63] : memref<100096x16xf32, #tpu.memory_space<vmem_shared>> -> memref<512x16xf32, #tpu.memory_space<vmem_shared>>
      %dma_wait3A_65 = arith.constant 0 : i32
      %dma_wait3A_66 = tpu.memref_slice %arg17[%add3A_29, %dma_wait3A_65] : memref<100096x16xf32, #tpu.memory_space<vmem_shared>> -> memref<512x16xf32, #tpu.memory_space<vmem_shared>>
      %dma_wait3A_67 = arith.constant 0 : i32
      %dma_wait3A_68 = arith.constant 0 : i32
      %dma_wait3A_69 = tpu.memref_slice %arg14[%dma_wait3A_67, %dma_wait3A_68] : memref<512x16xf32, #tpu.memory_space<vmem>> -> memref<512x16xf32, #tpu.memory_space<vmem>>
      tpu.wait_dma2 semaphore(%run_scoped3A : memref<!tpu.dma_semaphore, #tpu.memory_space<semaphore_mem>>) src(%dma_wait3A_69 : memref<512x16xf32, #tpu.memory_space<vmem>>) dst(%dma_wait3A_66 : memref<512x16xf32, #tpu.memory_space<vmem_shared>>)
      tpu.yield
    }) : () -> ()
    %add3A_30 = arith.constant 6144 : i32
    %add3A_31 = arith.addi %mul3A_6, %add3A_30 : i32
    "tpu.region"() ({
      %run_scoped3A = tpu.sem_alloc : memref<!tpu.dma_semaphore, #tpu.memory_space<semaphore_mem>>
      %dma_start3A = arith.constant 0 : i32
      %dma_start3A_52 = arith.constant 0 : i32
      %dma_start3A_53 = tpu.memref_slice %arg14[%dma_start3A, %dma_start3A_52] : memref<512x16xf32, #tpu.memory_space<vmem>> -> memref<112x16xf32, #tpu.memory_space<vmem>>
      %dma_start3A_54 = arith.constant 0 : i32
      %dma_start3A_55 = tpu.memref_slice %arg17[%add3A_31, %dma_start3A_54] : memref<100096x16xf32, #tpu.memory_space<vmem_shared>> -> memref<112x16xf32, #tpu.memory_space<vmem_shared>>
      %dma_start3A_56 = arith.constant 0 : i32
      %dma_start3A_57 = tpu.memref_slice %arg17[%add3A_31, %dma_start3A_56] : memref<100096x16xf32, #tpu.memory_space<vmem_shared>> -> memref<112x16xf32, #tpu.memory_space<vmem_shared>>
      %dma_start3A_58 = arith.constant 0 : i32
      %dma_start3A_59 = arith.constant 0 : i32
      %dma_start3A_60 = tpu.memref_slice %arg14[%dma_start3A_58, %dma_start3A_59] : memref<512x16xf32, #tpu.memory_space<vmem>> -> memref<112x16xf32, #tpu.memory_space<vmem>>
      tpu.enqueue_dma source(%dma_start3A_60 : memref<112x16xf32, #tpu.memory_space<vmem>>) target(%dma_start3A_57 : memref<112x16xf32, #tpu.memory_space<vmem_shared>>) target_semaphore(%run_scoped3A : memref<!tpu.dma_semaphore, #tpu.memory_space<semaphore_mem>>)
      %dma_wait3A = arith.constant 0 : i32
      %dma_wait3A_61 = arith.constant 0 : i32
      %dma_wait3A_62 = tpu.memref_slice %arg14[%dma_wait3A, %dma_wait3A_61] : memref<512x16xf32, #tpu.memory_space<vmem>> -> memref<112x16xf32, #tpu.memory_space<vmem>>
      %dma_wait3A_63 = arith.constant 0 : i32
      %dma_wait3A_64 = tpu.memref_slice %arg17[%add3A_31, %dma_wait3A_63] : memref<100096x16xf32, #tpu.memory_space<vmem_shared>> -> memref<112x16xf32, #tpu.memory_space<vmem_shared>>
      %dma_wait3A_65 = arith.constant 0 : i32
      %dma_wait3A_66 = tpu.memref_slice %arg17[%add3A_31, %dma_wait3A_65] : memref<100096x16xf32, #tpu.memory_space<vmem_shared>> -> memref<112x16xf32, #tpu.memory_space<vmem_shared>>
      %dma_wait3A_67 = arith.constant 0 : i32
      %dma_wait3A_68 = arith.constant 0 : i32
      %dma_wait3A_69 = tpu.memref_slice %arg14[%dma_wait3A_67, %dma_wait3A_68] : memref<512x16xf32, #tpu.memory_space<vmem>> -> memref<112x16xf32, #tpu.memory_space<vmem>>
      tpu.wait_dma2 semaphore(%run_scoped3A : memref<!tpu.dma_semaphore, #tpu.memory_space<semaphore_mem>>) src(%dma_wait3A_69 : memref<112x16xf32, #tpu.memory_space<vmem>>) dst(%dma_wait3A_66 : memref<112x16xf32, #tpu.memory_space<vmem_shared>>)
      tpu.yield
    }) : () -> ()
    %barrier3A = arith.constant 0 : index
    tpu.barrier barrier_id(%barrier3A)
    %eq3A = arith.constant 0 : i32
    %eq3A_32 = arith.cmpi eq, %arg0, %eq3A : i32
    %convert_element_type3A = arith.extui %eq3A_32 : i1 to i32
    %cond3A = arith.constant 0 : i32
    %cond3A_33 = arith.cmpi ne, %convert_element_type3A, %cond3A : i32
    scf.if %cond3A_33 {
      %scan3A_52 = arith.constant 0 : i32
      %scan3A_53 = arith.constant 0 : i32
      %scan3A_54 = arith.constant 196 : i32
      %scan3A_55 = arith.addi %scan3A_53, %scan3A_54 : i32
      %scan3A_56 = arith.constant 1 : i32
      %scan3A_57 = scf.for %scan3A_59 = %scan3A_53 to %scan3A_55 step %scan3A_56 iter_args(%scan3A_60 = %scan3A_52) -> (i32)  : i32 {
        %mul3A_61 = arith.constant 16 : i32
        %mul3A_62 = arith.muli %scan3A_59, %mul3A_61 : i32
        %add3A_63 = arith.addi %arg1, %mul3A_62 : i32
        %lt3A = arith.constant 3125 : i32
        %lt3A_64 = arith.cmpi slt, %add3A_63, %lt3A : i32
        %convert_element_type3A_65 = arith.extui %lt3A_64 : i1 to i32
        %cond3A_66 = arith.constant 0 : i32
        %cond3A_67 = arith.cmpi ne, %convert_element_type3A_65, %cond3A_66 : i32
        scf.if %cond3A_67 {
          %mul3A_69 = arith.constant 512 : i32
          %mul3A_70 = arith.muli %add3A_63, %mul3A_69 : i32
          "tpu.region"() ({
            %run_scoped3A = tpu.sem_alloc : memref<!tpu.dma_semaphore, #tpu.memory_space<semaphore_mem>>
            %dma_start3A_324 = arith.constant 0 : i32
            %dma_start3A_325 = arith.constant 0 : i32
            %dma_start3A_326 = tpu.memref_slice %arg2[%add3A_63, %dma_start3A_324, %dma_start3A_325] : memref<3125x4x128xi32, #tpu.memory_space<hbm>> -> memref<1x4x128xi32, #tpu.memory_space<hbm>>
            %dma_start3A_327 = tpu.memref_squeeze %dma_start3A_326 : memref<1x4x128xi32, #tpu.memory_space<hbm>> -> memref<4x128xi32, #tpu.memory_space<hbm>>
            %dma_start3A_328 = arith.constant 0 : i32
            %dma_start3A_329 = arith.constant 0 : i32
            %dma_start3A_330 = tpu.memref_slice %arg2[%add3A_63, %dma_start3A_328, %dma_start3A_329] : memref<3125x4x128xi32, #tpu.memory_space<hbm>> -> memref<1x4x128xi32, #tpu.memory_space<hbm>>
            %dma_start3A_331 = tpu.memref_squeeze %dma_start3A_330 : memref<1x4x128xi32, #tpu.memory_space<hbm>> -> memref<4x128xi32, #tpu.memory_space<hbm>>
            tpu.enqueue_dma source(%dma_start3A_331 : memref<4x128xi32, #tpu.memory_space<hbm>>) target(%arg12 : memref<4x128xi32, #tpu.memory_space<vmem>>) target_semaphore(%run_scoped3A : memref<!tpu.dma_semaphore, #tpu.memory_space<semaphore_mem>>)
            %dma_wait3A_332 = arith.constant 0 : i32
            %dma_wait3A_333 = arith.constant 0 : i32
            %dma_wait3A_334 = tpu.memref_slice %arg2[%add3A_63, %dma_wait3A_332, %dma_wait3A_333] : memref<3125x4x128xi32, #tpu.memory_space<hbm>> -> memref<1x4x128xi32, #tpu.memory_space<hbm>>
            %dma_wait3A_335 = tpu.memref_squeeze %dma_wait3A_334 : memref<1x4x128xi32, #tpu.memory_space<hbm>> -> memref<4x128xi32, #tpu.memory_space<hbm>>
            %dma_wait3A_336 = arith.constant 0 : i32
            %dma_wait3A_337 = arith.constant 0 : i32
            %dma_wait3A_338 = tpu.memref_slice %arg2[%add3A_63, %dma_wait3A_336, %dma_wait3A_337] : memref<3125x4x128xi32, #tpu.memory_space<hbm>> -> memref<1x4x128xi32, #tpu.memory_space<hbm>>
            %dma_wait3A_339 = tpu.memref_squeeze %dma_wait3A_338 : memref<1x4x128xi32, #tpu.memory_space<hbm>> -> memref<4x128xi32, #tpu.memory_space<hbm>>
            tpu.wait_dma2 semaphore(%run_scoped3A : memref<!tpu.dma_semaphore, #tpu.memory_space<semaphore_mem>>) src(%dma_wait3A_339 : memref<4x128xi32, #tpu.memory_space<hbm>>) dst(%arg12 : memref<4x128xi32, #tpu.memory_space<vmem>>)
            tpu.yield
          }) : () -> ()
          "tpu.region"() ({
            %run_scoped3A = tpu.sem_alloc : memref<!tpu.dma_semaphore, #tpu.memory_space<semaphore_mem>>
            %dma_start3A_324 = arith.constant 0 : i32
            %dma_start3A_325 = arith.constant 0 : i32
            %dma_start3A_326 = tpu.memref_slice %arg3[%add3A_63, %dma_start3A_324, %dma_start3A_325] : memref<3125x4x128xi32, #tpu.memory_space<hbm>> -> memref<1x4x128xi32, #tpu.memory_space<hbm>>
            %dma_start3A_327 = tpu.memref_squeeze %dma_start3A_326 : memref<1x4x128xi32, #tpu.memory_space<hbm>> -> memref<4x128xi32, #tpu.memory_space<hbm>>
            %dma_start3A_328 = arith.constant 0 : i32
            %dma_start3A_329 = arith.constant 0 : i32
            %dma_start3A_330 = tpu.memref_slice %arg3[%add3A_63, %dma_start3A_328, %dma_start3A_329] : memref<3125x4x128xi32, #tpu.memory_space<hbm>> -> memref<1x4x128xi32, #tpu.memory_space<hbm>>
            %dma_start3A_331 = tpu.memref_squeeze %dma_start3A_330 : memref<1x4x128xi32, #tpu.memory_space<hbm>> -> memref<4x128xi32, #tpu.memory_space<hbm>>
            tpu.enqueue_dma source(%dma_start3A_331 : memref<4x128xi32, #tpu.memory_space<hbm>>) target(%arg13 : memref<4x128xi32, #tpu.memory_space<vmem>>) target_semaphore(%run_scoped3A : memref<!tpu.dma_semaphore, #tpu.memory_space<semaphore_mem>>)
            %dma_wait3A_332 = arith.constant 0 : i32
            %dma_wait3A_333 = arith.constant 0 : i32
            %dma_wait3A_334 = tpu.memref_slice %arg3[%add3A_63, %dma_wait3A_332, %dma_wait3A_333] : memref<3125x4x128xi32, #tpu.memory_space<hbm>> -> memref<1x4x128xi32, #tpu.memory_space<hbm>>
            %dma_wait3A_335 = tpu.memref_squeeze %dma_wait3A_334 : memref<1x4x128xi32, #tpu.memory_space<hbm>> -> memref<4x128xi32, #tpu.memory_space<hbm>>
            %dma_wait3A_336 = arith.constant 0 : i32
            %dma_wait3A_337 = arith.constant 0 : i32
            %dma_wait3A_338 = tpu.memref_slice %arg3[%add3A_63, %dma_wait3A_336, %dma_wait3A_337] : memref<3125x4x128xi32, #tpu.memory_space<hbm>> -> memref<1x4x128xi32, #tpu.memory_space<hbm>>
            %dma_wait3A_339 = tpu.memref_squeeze %dma_wait3A_338 : memref<1x4x128xi32, #tpu.memory_space<hbm>> -> memref<4x128xi32, #tpu.memory_space<hbm>>
            tpu.wait_dma2 semaphore(%run_scoped3A : memref<!tpu.dma_semaphore, #tpu.memory_space<semaphore_mem>>) src(%dma_wait3A_339 : memref<4x128xi32, #tpu.memory_space<hbm>>) dst(%arg13 : memref<4x128xi32, #tpu.memory_space<vmem>>)
            tpu.yield
          }) : () -> ()
          %dma_start3A = arith.constant 0 : i32
          %dma_start3A_71 = arith.constant 0 : i32
          %dma_start3A_72 = arith.constant 0 : i32
          %dma_start3A_73 = tpu.memref_slice %arg14[%dma_start3A_71, %dma_start3A_72] : memref<512x16xf32, #tpu.memory_space<vmem>> -> memref<128x16xf32, #tpu.memory_space<vmem>>
          %dma_start3A_74 = arith.constant 0 : i32
          %dma_start3A_75 = tpu.memref_slice %arg12[%dma_start3A, %dma_start3A_74] : memref<4x128xi32, #tpu.memory_space<vmem>> -> memref<1x128xi32, #tpu.memory_space<vmem>>
          %dma_start3A_76 = tpu.memref_squeeze %dma_start3A_75 : memref<1x128xi32, #tpu.memory_space<vmem>> -> memref<128xi32, #tpu.memory_space<vmem>>
          %dma_start3A_77 = arith.constant 0 : i32
          %dma_start3A_78 = arith.constant 0 : i32
          %dma_start3A_79 = tpu.memref_slice %arg4[%dma_start3A_77, %dma_start3A_78] : memref<100000x16xf32, #tpu.memory_space<hbm>> -> memref<100000x16xf32, #tpu.memory_space<hbm>>
          tpu.enqueue_indirect_dma source(%dma_start3A_79 : memref<100000x16xf32, #tpu.memory_space<hbm>>) target(%dma_start3A_73 : memref<128x16xf32, #tpu.memory_space<vmem>>) offsets(%dma_start3A_76 : memref<128xi32, #tpu.memory_space<vmem>>) semaphore(%arg18 : memref<!tpu.dma_semaphore, #tpu.memory_space<semaphore_mem>>)
          %dma_start3A_80 = arith.constant 0 : i32
          %dma_start3A_81 = arith.constant 0 : i32
          %dma_start3A_82 = arith.constant 0 : i32
          %dma_start3A_83 = tpu.memref_slice %arg15[%dma_start3A_81, %dma_start3A_82] : memref<512x16xf32, #tpu.memory_space<vmem>> -> memref<128x16xf32, #tpu.memory_space<vmem>>
          %dma_start3A_84 = arith.constant 0 : i32
          %dma_start3A_85 = tpu.memref_slice %arg13[%dma_start3A_80, %dma_start3A_84] : memref<4x128xi32, #tpu.memory_space<vmem>> -> memref<1x128xi32, #tpu.memory_space<vmem>>
          %dma_start3A_86 = tpu.memref_squeeze %dma_start3A_85 : memref<1x128xi32, #tpu.memory_space<vmem>> -> memref<128xi32, #tpu.memory_space<vmem>>
          %dma_start3A_87 = arith.constant 0 : i32
          %dma_start3A_88 = arith.constant 0 : i32
          %dma_start3A_89 = tpu.memref_slice %arg6[%dma_start3A_87, %dma_start3A_88] : memref<100000x16xf32, #tpu.memory_space<hbm>> -> memref<100000x16xf32, #tpu.memory_space<hbm>>
          tpu.enqueue_indirect_dma source(%dma_start3A_89 : memref<100000x16xf32, #tpu.memory_space<hbm>>) target(%dma_start3A_83 : memref<128x16xf32, #tpu.memory_space<vmem>>) offsets(%dma_start3A_86 : memref<128xi32, #tpu.memory_space<vmem>>) semaphore(%arg18 : memref<!tpu.dma_semaphore, #tpu.memory_space<semaphore_mem>>)
          %dma_start3A_90 = arith.constant 1 : i32
          %dma_start3A_91 = arith.constant 128 : i32
          %dma_start3A_92 = arith.constant 0 : i32
          %dma_start3A_93 = tpu.memref_slice %arg14[%dma_start3A_91, %dma_start3A_92] : memref<512x16xf32, #tpu.memory_space<vmem>> -> memref<128x16xf32, #tpu.memory_space<vmem>>
          %dma_start3A_94 = arith.constant 0 : i32
          %dma_start3A_95 = tpu.memref_slice %arg12[%dma_start3A_90, %dma_start3A_94] : memref<4x128xi32, #tpu.memory_space<vmem>> -> memref<1x128xi32, #tpu.memory_space<vmem>>
          %dma_start3A_96 = tpu.memref_squeeze %dma_start3A_95 : memref<1x128xi32, #tpu.memory_space<vmem>> -> memref<128xi32, #tpu.memory_space<vmem>>
          %dma_start3A_97 = arith.constant 0 : i32
          %dma_start3A_98 = arith.constant 0 : i32
          %dma_start3A_99 = tpu.memref_slice %arg4[%dma_start3A_97, %dma_start3A_98] : memref<100000x16xf32, #tpu.memory_space<hbm>> -> memref<100000x16xf32, #tpu.memory_space<hbm>>
          tpu.enqueue_indirect_dma source(%dma_start3A_99 : memref<100000x16xf32, #tpu.memory_space<hbm>>) target(%dma_start3A_93 : memref<128x16xf32, #tpu.memory_space<vmem>>) offsets(%dma_start3A_96 : memref<128xi32, #tpu.memory_space<vmem>>) semaphore(%arg18 : memref<!tpu.dma_semaphore, #tpu.memory_space<semaphore_mem>>)
          %dma_start3A_100 = arith.constant 1 : i32
          %dma_start3A_101 = arith.constant 128 : i32
          %dma_start3A_102 = arith.constant 0 : i32
          %dma_start3A_103 = tpu.memref_slice %arg15[%dma_start3A_101, %dma_start3A_102] : memref<512x16xf32, #tpu.memory_space<vmem>> -> memref<128x16xf32, #tpu.memory_space<vmem>>
          %dma_start3A_104 = arith.constant 0 : i32
          %dma_start3A_105 = tpu.memref_slice %arg13[%dma_start3A_100, %dma_start3A_104] : memref<4x128xi32, #tpu.memory_space<vmem>> -> memref<1x128xi32, #tpu.memory_space<vmem>>
          %dma_start3A_106 = tpu.memref_squeeze %dma_start3A_105 : memref<1x128xi32, #tpu.memory_space<vmem>> -> memref<128xi32, #tpu.memory_space<vmem>>
          %dma_start3A_107 = arith.constant 0 : i32
          %dma_start3A_108 = arith.constant 0 : i32
          %dma_start3A_109 = tpu.memref_slice %arg6[%dma_start3A_107, %dma_start3A_108] : memref<100000x16xf32, #tpu.memory_space<hbm>> -> memref<100000x16xf32, #tpu.memory_space<hbm>>
          tpu.enqueue_indirect_dma source(%dma_start3A_109 : memref<100000x16xf32, #tpu.memory_space<hbm>>) target(%dma_start3A_103 : memref<128x16xf32, #tpu.memory_space<vmem>>) offsets(%dma_start3A_106 : memref<128xi32, #tpu.memory_space<vmem>>) semaphore(%arg18 : memref<!tpu.dma_semaphore, #tpu.memory_space<semaphore_mem>>)
          %dma_start3A_110 = arith.constant 2 : i32
          %dma_start3A_111 = arith.constant 256 : i32
          %dma_start3A_112 = arith.constant 0 : i32
          %dma_start3A_113 = tpu.memref_slice %arg14[%dma_start3A_111, %dma_start3A_112] : memref<512x16xf32, #tpu.memory_space<vmem>> -> memref<128x16xf32, #tpu.memory_space<vmem>>
          %dma_start3A_114 = arith.constant 0 : i32
          %dma_start3A_115 = tpu.memref_slice %arg12[%dma_start3A_110, %dma_start3A_114] : memref<4x128xi32, #tpu.memory_space<vmem>> -> memref<1x128xi32, #tpu.memory_space<vmem>>
          %dma_start3A_116 = tpu.memref_squeeze %dma_start3A_115 : memref<1x128xi32, #tpu.memory_space<vmem>> -> memref<128xi32, #tpu.memory_space<vmem>>
          %dma_start3A_117 = arith.constant 0 : i32
          %dma_start3A_118 = arith.constant 0 : i32
          %dma_start3A_119 = tpu.memref_slice %arg4[%dma_start3A_117, %dma_start3A_118] : memref<100000x16xf32, #tpu.memory_space<hbm>> -> memref<100000x16xf32, #tpu.memory_space<hbm>>
          tpu.enqueue_indirect_dma source(%dma_start3A_119 : memref<100000x16xf32, #tpu.memory_space<hbm>>) target(%dma_start3A_113 : memref<128x16xf32, #tpu.memory_space<vmem>>) offsets(%dma_start3A_116 : memref<128xi32, #tpu.memory_space<vmem>>) semaphore(%arg18 : memref<!tpu.dma_semaphore, #tpu.memory_space<semaphore_mem>>)
          %dma_start3A_120 = arith.constant 2 : i32
          %dma_start3A_121 = arith.constant 256 : i32
          %dma_start3A_122 = arith.constant 0 : i32
          %dma_start3A_123 = tpu.memref_slice %arg15[%dma_start3A_121, %dma_start3A_122] : memref<512x16xf32, #tpu.memory_space<vmem>> -> memref<128x16xf32, #tpu.memory_space<vmem>>
          %dma_start3A_124 = arith.constant 0 : i32
          %dma_start3A_125 = tpu.memref_slice %arg13[%dma_start3A_120, %dma_start3A_124] : memref<4x128xi32, #tpu.memory_space<vmem>> -> memref<1x128xi32, #tpu.memory_space<vmem>>
          %dma_start3A_126 = tpu.memref_squeeze %dma_start3A_125 : memref<1x128xi32, #tpu.memory_space<vmem>> -> memref<128xi32, #tpu.memory_space<vmem>>
          %dma_start3A_127 = arith.constant 0 : i32
          %dma_start3A_128 = arith.constant 0 : i32
          %dma_start3A_129 = tpu.memref_slice %arg6[%dma_start3A_127, %dma_start3A_128] : memref<100000x16xf32, #tpu.memory_space<hbm>> -> memref<100000x16xf32, #tpu.memory_space<hbm>>
          tpu.enqueue_indirect_dma source(%dma_start3A_129 : memref<100000x16xf32, #tpu.memory_space<hbm>>) target(%dma_start3A_123 : memref<128x16xf32, #tpu.memory_space<vmem>>) offsets(%dma_start3A_126 : memref<128xi32, #tpu.memory_space<vmem>>) semaphore(%arg18 : memref<!tpu.dma_semaphore, #tpu.memory_space<semaphore_mem>>)
          %dma_start3A_130 = arith.constant 3 : i32
          %dma_start3A_131 = arith.constant 384 : i32
          %dma_start3A_132 = arith.constant 0 : i32
          %dma_start3A_133 = tpu.memref_slice %arg14[%dma_start3A_131, %dma_start3A_132] : memref<512x16xf32, #tpu.memory_space<vmem>> -> memref<128x16xf32, #tpu.memory_space<vmem>>
          %dma_start3A_134 = arith.constant 0 : i32
          %dma_start3A_135 = tpu.memref_slice %arg12[%dma_start3A_130, %dma_start3A_134] : memref<4x128xi32, #tpu.memory_space<vmem>> -> memref<1x128xi32, #tpu.memory_space<vmem>>
          %dma_start3A_136 = tpu.memref_squeeze %dma_start3A_135 : memref<1x128xi32, #tpu.memory_space<vmem>> -> memref<128xi32, #tpu.memory_space<vmem>>
          %dma_start3A_137 = arith.constant 0 : i32
          %dma_start3A_138 = arith.constant 0 : i32
          %dma_start3A_139 = tpu.memref_slice %arg4[%dma_start3A_137, %dma_start3A_138] : memref<100000x16xf32, #tpu.memory_space<hbm>> -> memref<100000x16xf32, #tpu.memory_space<hbm>>
          tpu.enqueue_indirect_dma source(%dma_start3A_139 : memref<100000x16xf32, #tpu.memory_space<hbm>>) target(%dma_start3A_133 : memref<128x16xf32, #tpu.memory_space<vmem>>) offsets(%dma_start3A_136 : memref<128xi32, #tpu.memory_space<vmem>>) semaphore(%arg18 : memref<!tpu.dma_semaphore, #tpu.memory_space<semaphore_mem>>)
          %dma_start3A_140 = arith.constant 3 : i32
          %dma_start3A_141 = arith.constant 384 : i32
          %dma_start3A_142 = arith.constant 0 : i32
          %dma_start3A_143 = tpu.memref_slice %arg15[%dma_start3A_141, %dma_start3A_142] : memref<512x16xf32, #tpu.memory_space<vmem>> -> memref<128x16xf32, #tpu.memory_space<vmem>>
          %dma_start3A_144 = arith.constant 0 : i32
          %dma_start3A_145 = tpu.memref_slice %arg13[%dma_start3A_140, %dma_start3A_144] : memref<4x128xi32, #tpu.memory_space<vmem>> -> memref<1x128xi32, #tpu.memory_space<vmem>>
          %dma_start3A_146 = tpu.memref_squeeze %dma_start3A_145 : memref<1x128xi32, #tpu.memory_space<vmem>> -> memref<128xi32, #tpu.memory_space<vmem>>
          %dma_start3A_147 = arith.constant 0 : i32
          %dma_start3A_148 = arith.constant 0 : i32
          %dma_start3A_149 = tpu.memref_slice %arg6[%dma_start3A_147, %dma_start3A_148] : memref<100000x16xf32, #tpu.memory_space<hbm>> -> memref<100000x16xf32, #tpu.memory_space<hbm>>
          tpu.enqueue_indirect_dma source(%dma_start3A_149 : memref<100000x16xf32, #tpu.memory_space<hbm>>) target(%dma_start3A_143 : memref<128x16xf32, #tpu.memory_space<vmem>>) offsets(%dma_start3A_146 : memref<128xi32, #tpu.memory_space<vmem>>) semaphore(%arg18 : memref<!tpu.dma_semaphore, #tpu.memory_space<semaphore_mem>>)
          %dma_start3A_150 = arith.constant 0 : i32
          %dma_start3A_151 = tpu.memref_slice %arg8[%dma_start3A_150, %mul3A_70] : memref<16x1600000xf32, #tpu.memory_space<hbm>> -> memref<16x512xf32, #tpu.memory_space<hbm>>
          %dma_start3A_152 = arith.constant 0 : i32
          %dma_start3A_153 = tpu.memref_slice %arg8[%dma_start3A_152, %mul3A_70] : memref<16x1600000xf32, #tpu.memory_space<hbm>> -> memref<16x512xf32, #tpu.memory_space<hbm>>
          tpu.enqueue_dma source(%dma_start3A_153 : memref<16x512xf32, #tpu.memory_space<hbm>>) target(%arg16 : memref<16x512xf32, #tpu.memory_space<vmem>>) target_semaphore(%arg18 : memref<!tpu.dma_semaphore, #tpu.memory_space<semaphore_mem>>)
          %dma_wait3A = arith.constant 0 : i32
          %dma_wait3A_154 = arith.constant 0 : i32
          %dma_wait3A_155 = arith.constant 0 : i32
          %dma_wait3A_156 = tpu.memref_slice %arg14[%dma_wait3A_154, %dma_wait3A_155] : memref<512x16xf32, #tpu.memory_space<vmem>> -> memref<128x16xf32, #tpu.memory_space<vmem>>
          %dma_wait3A_157 = arith.constant 0 : i32
          %dma_wait3A_158 = tpu.memref_slice %arg12[%dma_wait3A, %dma_wait3A_157] : memref<4x128xi32, #tpu.memory_space<vmem>> -> memref<1x128xi32, #tpu.memory_space<vmem>>
          %dma_wait3A_159 = tpu.memref_squeeze %dma_wait3A_158 : memref<1x128xi32, #tpu.memory_space<vmem>> -> memref<128xi32, #tpu.memory_space<vmem>>
          %dma_wait3A_160 = arith.constant 0 : i32
          %dma_wait3A_161 = arith.constant 0 : i32
          %dma_wait3A_162 = tpu.memref_slice %arg4[%dma_wait3A_160, %dma_wait3A_161] : memref<100000x16xf32, #tpu.memory_space<hbm>> -> memref<100000x16xf32, #tpu.memory_space<hbm>>
          tpu.wait_indirect_dma semaphore(%arg18 : memref<!tpu.dma_semaphore, #tpu.memory_space<semaphore_mem>>) src(%dma_wait3A_162 : memref<100000x16xf32, #tpu.memory_space<hbm>>) dst(%dma_wait3A_156 : memref<128x16xf32, #tpu.memory_space<vmem>>)
          %dma_wait3A_163 = arith.constant 0 : i32
          %dma_wait3A_164 = arith.constant 0 : i32
          %dma_wait3A_165 = arith.constant 0 : i32
          %dma_wait3A_166 = tpu.memref_slice %arg15[%dma_wait3A_164, %dma_wait3A_165] : memref<512x16xf32, #tpu.memory_space<vmem>> -> memref<128x16xf32, #tpu.memory_space<vmem>>
          %dma_wait3A_167 = arith.constant 0 : i32
          %dma_wait3A_168 = tpu.memref_slice %arg13[%dma_wait3A_163, %dma_wait3A_167] : memref<4x128xi32, #tpu.memory_space<vmem>> -> memref<1x128xi32, #tpu.memory_space<vmem>>
          %dma_wait3A_169 = tpu.memref_squeeze %dma_wait3A_168 : memref<1x128xi32, #tpu.memory_space<vmem>> -> memref<128xi32, #tpu.memory_space<vmem>>
          %dma_wait3A_170 = arith.constant 0 : i32
          %dma_wait3A_171 = arith.constant 0 : i32
          %dma_wait3A_172 = tpu.memref_slice %arg6[%dma_wait3A_170, %dma_wait3A_171] : memref<100000x16xf32, #tpu.memory_space<hbm>> -> memref<100000x16xf32, #tpu.memory_space<hbm>>
          tpu.wait_indirect_dma semaphore(%arg18 : memref<!tpu.dma_semaphore, #tpu.memory_space<semaphore_mem>>) src(%dma_wait3A_172 : memref<100000x16xf32, #tpu.memory_space<hbm>>) dst(%dma_wait3A_166 : memref<128x16xf32, #tpu.memory_space<vmem>>)
          %dma_wait3A_173 = arith.constant 1 : i32
          %dma_wait3A_174 = arith.constant 128 : i32
          %dma_wait3A_175 = arith.constant 0 : i32
          %dma_wait3A_176 = tpu.memref_slice %arg14[%dma_wait3A_174, %dma_wait3A_175] : memref<512x16xf32, #tpu.memory_space<vmem>> -> memref<128x16xf32, #tpu.memory_space<vmem>>
          %dma_wait3A_177 = arith.constant 0 : i32
          %dma_wait3A_178 = tpu.memref_slice %arg12[%dma_wait3A_173, %dma_wait3A_177] : memref<4x128xi32, #tpu.memory_space<vmem>> -> memref<1x128xi32, #tpu.memory_space<vmem>>
          %dma_wait3A_179 = tpu.memref_squeeze %dma_wait3A_178 : memref<1x128xi32, #tpu.memory_space<vmem>> -> memref<128xi32, #tpu.memory_space<vmem>>
          %dma_wait3A_180 = arith.constant 0 : i32
          %dma_wait3A_181 = arith.constant 0 : i32
          %dma_wait3A_182 = tpu.memref_slice %arg4[%dma_wait3A_180, %dma_wait3A_181] : memref<100000x16xf32, #tpu.memory_space<hbm>> -> memref<100000x16xf32, #tpu.memory_space<hbm>>
          tpu.wait_indirect_dma semaphore(%arg18 : memref<!tpu.dma_semaphore, #tpu.memory_space<semaphore_mem>>) src(%dma_wait3A_182 : memref<100000x16xf32, #tpu.memory_space<hbm>>) dst(%dma_wait3A_176 : memref<128x16xf32, #tpu.memory_space<vmem>>)
          %dma_wait3A_183 = arith.constant 1 : i32
          %dma_wait3A_184 = arith.constant 128 : i32
          %dma_wait3A_185 = arith.constant 0 : i32
          %dma_wait3A_186 = tpu.memref_slice %arg15[%dma_wait3A_184, %dma_wait3A_185] : memref<512x16xf32, #tpu.memory_space<vmem>> -> memref<128x16xf32, #tpu.memory_space<vmem>>
          %dma_wait3A_187 = arith.constant 0 : i32
          %dma_wait3A_188 = tpu.memref_slice %arg13[%dma_wait3A_183, %dma_wait3A_187] : memref<4x128xi32, #tpu.memory_space<vmem>> -> memref<1x128xi32, #tpu.memory_space<vmem>>
          %dma_wait3A_189 = tpu.memref_squeeze %dma_wait3A_188 : memref<1x128xi32, #tpu.memory_space<vmem>> -> memref<128xi32, #tpu.memory_space<vmem>>
          %dma_wait3A_190 = arith.constant 0 : i32
          %dma_wait3A_191 = arith.constant 0 : i32
          %dma_wait3A_192 = tpu.memref_slice %arg6[%dma_wait3A_190, %dma_wait3A_191] : memref<100000x16xf32, #tpu.memory_space<hbm>> -> memref<100000x16xf32, #tpu.memory_space<hbm>>
          tpu.wait_indirect_dma semaphore(%arg18 : memref<!tpu.dma_semaphore, #tpu.memory_space<semaphore_mem>>) src(%dma_wait3A_192 : memref<100000x16xf32, #tpu.memory_space<hbm>>) dst(%dma_wait3A_186 : memref<128x16xf32, #tpu.memory_space<vmem>>)
          %dma_wait3A_193 = arith.constant 2 : i32
          %dma_wait3A_194 = arith.constant 256 : i32
          %dma_wait3A_195 = arith.constant 0 : i32
          %dma_wait3A_196 = tpu.memref_slice %arg14[%dma_wait3A_194, %dma_wait3A_195] : memref<512x16xf32, #tpu.memory_space<vmem>> -> memref<128x16xf32, #tpu.memory_space<vmem>>
          %dma_wait3A_197 = arith.constant 0 : i32
          %dma_wait3A_198 = tpu.memref_slice %arg12[%dma_wait3A_193, %dma_wait3A_197] : memref<4x128xi32, #tpu.memory_space<vmem>> -> memref<1x128xi32, #tpu.memory_space<vmem>>
          %dma_wait3A_199 = tpu.memref_squeeze %dma_wait3A_198 : memref<1x128xi32, #tpu.memory_space<vmem>> -> memref<128xi32, #tpu.memory_space<vmem>>
          %dma_wait3A_200 = arith.constant 0 : i32
          %dma_wait3A_201 = arith.constant 0 : i32
          %dma_wait3A_202 = tpu.memref_slice %arg4[%dma_wait3A_200, %dma_wait3A_201] : memref<100000x16xf32, #tpu.memory_space<hbm>> -> memref<100000x16xf32, #tpu.memory_space<hbm>>
          tpu.wait_indirect_dma semaphore(%arg18 : memref<!tpu.dma_semaphore, #tpu.memory_space<semaphore_mem>>) src(%dma_wait3A_202 : memref<100000x16xf32, #tpu.memory_space<hbm>>) dst(%dma_wait3A_196 : memref<128x16xf32, #tpu.memory_space<vmem>>)
          %dma_wait3A_203 = arith.constant 2 : i32
          %dma_wait3A_204 = arith.constant 256 : i32
          %dma_wait3A_205 = arith.constant 0 : i32
          %dma_wait3A_206 = tpu.memref_slice %arg15[%dma_wait3A_204, %dma_wait3A_205] : memref<512x16xf32, #tpu.memory_space<vmem>> -> memref<128x16xf32, #tpu.memory_space<vmem>>
          %dma_wait3A_207 = arith.constant 0 : i32
          %dma_wait3A_208 = tpu.memref_slice %arg13[%dma_wait3A_203, %dma_wait3A_207] : memref<4x128xi32, #tpu.memory_space<vmem>> -> memref<1x128xi32, #tpu.memory_space<vmem>>
          %dma_wait3A_209 = tpu.memref_squeeze %dma_wait3A_208 : memref<1x128xi32, #tpu.memory_space<vmem>> -> memref<128xi32, #tpu.memory_space<vmem>>
          %dma_wait3A_210 = arith.constant 0 : i32
          %dma_wait3A_211 = arith.constant 0 : i32
          %dma_wait3A_212 = tpu.memref_slice %arg6[%dma_wait3A_210, %dma_wait3A_211] : memref<100000x16xf32, #tpu.memory_space<hbm>> -> memref<100000x16xf32, #tpu.memory_space<hbm>>
          tpu.wait_indirect_dma semaphore(%arg18 : memref<!tpu.dma_semaphore, #tpu.memory_space<semaphore_mem>>) src(%dma_wait3A_212 : memref<100000x16xf32, #tpu.memory_space<hbm>>) dst(%dma_wait3A_206 : memref<128x16xf32, #tpu.memory_space<vmem>>)
          %dma_wait3A_213 = arith.constant 3 : i32
          %dma_wait3A_214 = arith.constant 384 : i32
          %dma_wait3A_215 = arith.constant 0 : i32
          %dma_wait3A_216 = tpu.memref_slice %arg14[%dma_wait3A_214, %dma_wait3A_215] : memref<512x16xf32, #tpu.memory_space<vmem>> -> memref<128x16xf32, #tpu.memory_space<vmem>>
          %dma_wait3A_217 = arith.constant 0 : i32
          %dma_wait3A_218 = tpu.memref_slice %arg12[%dma_wait3A_213, %dma_wait3A_217] : memref<4x128xi32, #tpu.memory_space<vmem>> -> memref<1x128xi32, #tpu.memory_space<vmem>>
          %dma_wait3A_219 = tpu.memref_squeeze %dma_wait3A_218 : memref<1x128xi32, #tpu.memory_space<vmem>> -> memref<128xi32, #tpu.memory_space<vmem>>
          %dma_wait3A_220 = arith.constant 0 : i32
          %dma_wait3A_221 = arith.constant 0 : i32
          %dma_wait3A_222 = tpu.memref_slice %arg4[%dma_wait3A_220, %dma_wait3A_221] : memref<100000x16xf32, #tpu.memory_space<hbm>> -> memref<100000x16xf32, #tpu.memory_space<hbm>>
          tpu.wait_indirect_dma semaphore(%arg18 : memref<!tpu.dma_semaphore, #tpu.memory_space<semaphore_mem>>) src(%dma_wait3A_222 : memref<100000x16xf32, #tpu.memory_space<hbm>>) dst(%dma_wait3A_216 : memref<128x16xf32, #tpu.memory_space<vmem>>)
          %dma_wait3A_223 = arith.constant 3 : i32
          %dma_wait3A_224 = arith.constant 384 : i32
          %dma_wait3A_225 = arith.constant 0 : i32
          %dma_wait3A_226 = tpu.memref_slice %arg15[%dma_wait3A_224, %dma_wait3A_225] : memref<512x16xf32, #tpu.memory_space<vmem>> -> memref<128x16xf32, #tpu.memory_space<vmem>>
          %dma_wait3A_227 = arith.constant 0 : i32
          %dma_wait3A_228 = tpu.memref_slice %arg13[%dma_wait3A_223, %dma_wait3A_227] : memref<4x128xi32, #tpu.memory_space<vmem>> -> memref<1x128xi32, #tpu.memory_space<vmem>>
          %dma_wait3A_229 = tpu.memref_squeeze %dma_wait3A_228 : memref<1x128xi32, #tpu.memory_space<vmem>> -> memref<128xi32, #tpu.memory_space<vmem>>
          %dma_wait3A_230 = arith.constant 0 : i32
          %dma_wait3A_231 = arith.constant 0 : i32
          %dma_wait3A_232 = tpu.memref_slice %arg6[%dma_wait3A_230, %dma_wait3A_231] : memref<100000x16xf32, #tpu.memory_space<hbm>> -> memref<100000x16xf32, #tpu.memory_space<hbm>>
          tpu.wait_indirect_dma semaphore(%arg18 : memref<!tpu.dma_semaphore, #tpu.memory_space<semaphore_mem>>) src(%dma_wait3A_232 : memref<100000x16xf32, #tpu.memory_space<hbm>>) dst(%dma_wait3A_226 : memref<128x16xf32, #tpu.memory_space<vmem>>)
          %dma_wait3A_233 = arith.constant 0 : i32
          %dma_wait3A_234 = tpu.memref_slice %arg8[%dma_wait3A_233, %mul3A_70] : memref<16x1600000xf32, #tpu.memory_space<hbm>> -> memref<16x512xf32, #tpu.memory_space<hbm>>
          %dma_wait3A_235 = arith.constant 0 : i32
          %dma_wait3A_236 = tpu.memref_slice %arg8[%dma_wait3A_235, %mul3A_70] : memref<16x1600000xf32, #tpu.memory_space<hbm>> -> memref<16x512xf32, #tpu.memory_space<hbm>>
          tpu.wait_dma2 semaphore(%arg18 : memref<!tpu.dma_semaphore, #tpu.memory_space<semaphore_mem>>) src(%dma_wait3A_236 : memref<16x512xf32, #tpu.memory_space<hbm>>) dst(%arg16 : memref<16x512xf32, #tpu.memory_space<vmem>>)
          %iota3A = tpu.iota {dimensions = array<i32: 0>} : vector<16xi32>
          %scan3A_237 = arith.constant 0 : i32
          %scan3A_238 = arith.constant 0 : i32
          %scan3A_239 = arith.constant 512 : i32
          %scan3A_240 = arith.addi %scan3A_238, %scan3A_239 : i32
          %scan3A_241 = arith.constant 1 : i32
          %scan3A_242 = scf.for %scan3A_324 = %scan3A_238 to %scan3A_240 step %scan3A_241 iter_args(%scan3A_325 = %scan3A_237) -> (i32)  : i32 {
            %broadcast_in_dim3A = vector.broadcast %scan3A_324 : i32 to vector<16xi32>
            %gather3A = tpu.vector_load_idx %arg16[%iota3A, %broadcast_in_dim3A] : memref<16x512xf32, #tpu.memory_space<vmem>>[vector<16xi32>, vector<16xi32>], vector<16xf32>,
            %get3A = arith.index_cast %scan3A_324 : i32 to index
            %get3A_326 = arith.constant 0 : index
            %get3A_327 = tpu.vector_load %arg14[%get3A, %get3A_326] {strides = array<i32>} : memref<512x16xf32, #tpu.memory_space<vmem>>, vector<16xf32>,
            %get3A_328 = arith.index_cast %scan3A_324 : i32 to index
            %get3A_329 = arith.constant 0 : index
            %get3A_330 = tpu.vector_load %arg15[%get3A_328, %get3A_329] {strides = array<i32>} : memref<512x16xf32, #tpu.memory_space<vmem>>, vector<16xf32>,
            %add3A_331 = arith.addf %get3A_327, %get3A_330 : vector<16xf32>
            %add3A_332 = arith.addf %add3A_331, %gather3A : vector<16xf32>
            %max3A = arith.constant 0.000000e+00 : f32
            %max3A_333 = vector.broadcast %max3A : f32 to vector<16xf32>
            %max3A_334 = arith.maximumf %add3A_332, %max3A_333 : vector<16xf32>
            %swap3A = arith.index_cast %scan3A_324 : i32 to index
            %swap3A_335 = arith.constant 0 : index
            %swap3A_336 = tpu.vector_load %arg14[%swap3A, %swap3A_335] {strides = array<i32>} : memref<512x16xf32, #tpu.memory_space<vmem>>, vector<16xf32>,
            tpu.vector_store %arg14[%swap3A, %swap3A_335], %max3A_334 {strides = array<i32>} : memref<512x16xf32, #tpu.memory_space<vmem>>, vector<16xf32>,
            %scan3A_337 = arith.constant 0 : i32
            scf.yield %scan3A_337 : i32
          }
          %scan3A_243 = arith.constant 512 : i32
          %dma_start3A_244 = arith.constant 0 : i32
          %dma_start3A_245 = arith.constant 0 : i32
          %dma_start3A_246 = arith.constant 0 : i32
          %dma_start3A_247 = tpu.memref_slice %arg14[%dma_start3A_245, %dma_start3A_246] : memref<512x16xf32, #tpu.memory_space<vmem>> -> memref<128x16xf32, #tpu.memory_space<vmem>>
          %dma_start3A_248 = arith.constant 0 : i32
          %dma_start3A_249 = tpu.memref_slice %arg13[%dma_start3A_244, %dma_start3A_248] : memref<4x128xi32, #tpu.memory_space<vmem>> -> memref<1x128xi32, #tpu.memory_space<vmem>>
          %dma_start3A_250 = tpu.memref_squeeze %dma_start3A_249 : memref<1x128xi32, #tpu.memory_space<vmem>> -> memref<128xi32, #tpu.memory_space<vmem>>
          %dma_start3A_251 = arith.constant 0 : i32
          %dma_start3A_252 = arith.constant 0 : i32
          %dma_start3A_253 = tpu.memref_slice %arg17[%dma_start3A_251, %dma_start3A_252] : memref<100096x16xf32, #tpu.memory_space<vmem_shared>> -> memref<100096x16xf32, #tpu.memory_space<vmem_shared>>
          tpu.enqueue_indirect_dma source(%dma_start3A_247 : memref<128x16xf32, #tpu.memory_space<vmem>>) target(%dma_start3A_253 : memref<100096x16xf32, #tpu.memory_space<vmem_shared>>) offsets(%dma_start3A_250 : memref<128xi32, #tpu.memory_space<vmem>>) semaphore(%arg19 : memref<!tpu.dma_semaphore, #tpu.memory_space<semaphore_mem>>) {add = true}
          %dma_start3A_254 = arith.constant 1 : i32
          %dma_start3A_255 = arith.constant 128 : i32
          %dma_start3A_256 = arith.constant 0 : i32
          %dma_start3A_257 = tpu.memref_slice %arg14[%dma_start3A_255, %dma_start3A_256] : memref<512x16xf32, #tpu.memory_space<vmem>> -> memref<128x16xf32, #tpu.memory_space<vmem>>
          %dma_start3A_258 = arith.constant 0 : i32
          %dma_start3A_259 = tpu.memref_slice %arg13[%dma_start3A_254, %dma_start3A_258] : memref<4x128xi32, #tpu.memory_space<vmem>> -> memref<1x128xi32, #tpu.memory_space<vmem>>
          %dma_start3A_260 = tpu.memref_squeeze %dma_start3A_259 : memref<1x128xi32, #tpu.memory_space<vmem>> -> memref<128xi32, #tpu.memory_space<vmem>>
          %dma_start3A_261 = arith.constant 0 : i32
          %dma_start3A_262 = arith.constant 0 : i32
          %dma_start3A_263 = tpu.memref_slice %arg17[%dma_start3A_261, %dma_start3A_262] : memref<100096x16xf32, #tpu.memory_space<vmem_shared>> -> memref<100096x16xf32, #tpu.memory_space<vmem_shared>>
          tpu.enqueue_indirect_dma source(%dma_start3A_257 : memref<128x16xf32, #tpu.memory_space<vmem>>) target(%dma_start3A_263 : memref<100096x16xf32, #tpu.memory_space<vmem_shared>>) offsets(%dma_start3A_260 : memref<128xi32, #tpu.memory_space<vmem>>) semaphore(%arg19 : memref<!tpu.dma_semaphore, #tpu.memory_space<semaphore_mem>>) {add = true}
          %dma_start3A_264 = arith.constant 2 : i32
          %dma_start3A_265 = arith.constant 256 : i32
          %dma_start3A_266 = arith.constant 0 : i32
          %dma_start3A_267 = tpu.memref_slice %arg14[%dma_start3A_265, %dma_start3A_266] : memref<512x16xf32, #tpu.memory_space<vmem>> -> memref<128x16xf32, #tpu.memory_space<vmem>>
          %dma_start3A_268 = arith.constant 0 : i32
          %dma_start3A_269 = tpu.memref_slice %arg13[%dma_start3A_264, %dma_start3A_268] : memref<4x128xi32, #tpu.memory_space<vmem>> -> memref<1x128xi32, #tpu.memory_space<vmem>>
          %dma_start3A_270 = tpu.memref_squeeze %dma_start3A_269 : memref<1x128xi32, #tpu.memory_space<vmem>> -> memref<128xi32, #tpu.memory_space<vmem>>
          %dma_start3A_271 = arith.constant 0 : i32
          %dma_start3A_272 = arith.constant 0 : i32
          %dma_start3A_273 = tpu.memref_slice %arg17[%dma_start3A_271, %dma_start3A_272] : memref<100096x16xf32, #tpu.memory_space<vmem_shared>> -> memref<100096x16xf32, #tpu.memory_space<vmem_shared>>
          tpu.enqueue_indirect_dma source(%dma_start3A_267 : memref<128x16xf32, #tpu.memory_space<vmem>>) target(%dma_start3A_273 : memref<100096x16xf32, #tpu.memory_space<vmem_shared>>) offsets(%dma_start3A_270 : memref<128xi32, #tpu.memory_space<vmem>>) semaphore(%arg19 : memref<!tpu.dma_semaphore, #tpu.memory_space<semaphore_mem>>) {add = true}
          %dma_start3A_274 = arith.constant 3 : i32
          %dma_start3A_275 = arith.constant 384 : i32
          %dma_start3A_276 = arith.constant 0 : i32
          %dma_start3A_277 = tpu.memref_slice %arg14[%dma_start3A_275, %dma_start3A_276] : memref<512x16xf32, #tpu.memory_space<vmem>> -> memref<128x16xf32, #tpu.memory_space<vmem>>
          %dma_start3A_278 = arith.constant 0 : i32
          %dma_start3A_279 = tpu.memref_slice %arg13[%dma_start3A_274, %dma_start3A_278] : memref<4x128xi32, #tpu.memory_space<vmem>> -> memref<1x128xi32, #tpu.memory_space<vmem>>
          %dma_start3A_280 = tpu.memref_squeeze %dma_start3A_279 : memref<1x128xi32, #tpu.memory_space<vmem>> -> memref<128xi32, #tpu.memory_space<vmem>>
          %dma_start3A_281 = arith.constant 0 : i32
          %dma_start3A_282 = arith.constant 0 : i32
          %dma_start3A_283 = tpu.memref_slice %arg17[%dma_start3A_281, %dma_start3A_282] : memref<100096x16xf32, #tpu.memory_space<vmem_shared>> -> memref<100096x16xf32, #tpu.memory_space<vmem_shared>>
          tpu.enqueue_indirect_dma source(%dma_start3A_277 : memref<128x16xf32, #tpu.memory_space<vmem>>) target(%dma_start3A_283 : memref<100096x16xf32, #tpu.memory_space<vmem_shared>>) offsets(%dma_start3A_280 : memref<128xi32, #tpu.memory_space<vmem>>) semaphore(%arg19 : memref<!tpu.dma_semaphore, #tpu.memory_space<semaphore_mem>>) {add = true}
          %dma_wait3A_284 = arith.constant 0 : i32
          %dma_wait3A_285 = arith.constant 0 : i32
          %dma_wait3A_286 = arith.constant 0 : i32
          %dma_wait3A_287 = tpu.memref_slice %arg14[%dma_wait3A_285, %dma_wait3A_286] : memref<512x16xf32, #tpu.memory_space<vmem>> -> memref<128x16xf32, #tpu.memory_space<vmem>>
          %dma_wait3A_288 = arith.constant 0 : i32
          %dma_wait3A_289 = tpu.memref_slice %arg13[%dma_wait3A_284, %dma_wait3A_288] : memref<4x128xi32, #tpu.memory_space<vmem>> -> memref<1x128xi32, #tpu.memory_space<vmem>>
          %dma_wait3A_290 = tpu.memref_squeeze %dma_wait3A_289 : memref<1x128xi32, #tpu.memory_space<vmem>> -> memref<128xi32, #tpu.memory_space<vmem>>
          %dma_wait3A_291 = arith.constant 0 : i32
          %dma_wait3A_292 = arith.constant 0 : i32
          %dma_wait3A_293 = tpu.memref_slice %arg17[%dma_wait3A_291, %dma_wait3A_292] : memref<100096x16xf32, #tpu.memory_space<vmem_shared>> -> memref<100096x16xf32, #tpu.memory_space<vmem_shared>>
          tpu.wait_indirect_dma semaphore(%arg19 : memref<!tpu.dma_semaphore, #tpu.memory_space<semaphore_mem>>) src(%dma_wait3A_287 : memref<128x16xf32, #tpu.memory_space<vmem>>) dst(%dma_wait3A_293 : memref<100096x16xf32, #tpu.memory_space<vmem_shared>>)
          %dma_wait3A_294 = arith.constant 1 : i32
          %dma_wait3A_295 = arith.constant 128 : i32
          %dma_wait3A_296 = arith.constant 0 : i32
          %dma_wait3A_297 = tpu.memref_slice %arg14[%dma_wait3A_295, %dma_wait3A_296] : memref<512x16xf32, #tpu.memory_space<vmem>> -> memref<128x16xf32, #tpu.memory_space<vmem>>
          %dma_wait3A_298 = arith.constant 0 : i32
          %dma_wait3A_299 = tpu.memref_slice %arg13[%dma_wait3A_294, %dma_wait3A_298] : memref<4x128xi32, #tpu.memory_space<vmem>> -> memref<1x128xi32, #tpu.memory_space<vmem>>
          %dma_wait3A_300 = tpu.memref_squeeze %dma_wait3A_299 : memref<1x128xi32, #tpu.memory_space<vmem>> -> memref<128xi32, #tpu.memory_space<vmem>>
          %dma_wait3A_301 = arith.constant 0 : i32
          %dma_wait3A_302 = arith.constant 0 : i32
          %dma_wait3A_303 = tpu.memref_slice %arg17[%dma_wait3A_301, %dma_wait3A_302] : memref<100096x16xf32, #tpu.memory_space<vmem_shared>> -> memref<100096x16xf32, #tpu.memory_space<vmem_shared>>
          tpu.wait_indirect_dma semaphore(%arg19 : memref<!tpu.dma_semaphore, #tpu.memory_space<semaphore_mem>>) src(%dma_wait3A_297 : memref<128x16xf32, #tpu.memory_space<vmem>>) dst(%dma_wait3A_303 : memref<100096x16xf32, #tpu.memory_space<vmem_shared>>)
          %dma_wait3A_304 = arith.constant 2 : i32
          %dma_wait3A_305 = arith.constant 256 : i32
          %dma_wait3A_306 = arith.constant 0 : i32
          %dma_wait3A_307 = tpu.memref_slice %arg14[%dma_wait3A_305, %dma_wait3A_306] : memref<512x16xf32, #tpu.memory_space<vmem>> -> memref<128x16xf32, #tpu.memory_space<vmem>>
          %dma_wait3A_308 = arith.constant 0 : i32
          %dma_wait3A_309 = tpu.memref_slice %arg13[%dma_wait3A_304, %dma_wait3A_308] : memref<4x128xi32, #tpu.memory_space<vmem>> -> memref<1x128xi32, #tpu.memory_space<vmem>>
          %dma_wait3A_310 = tpu.memref_squeeze %dma_wait3A_309 : memref<1x128xi32, #tpu.memory_space<vmem>> -> memref<128xi32, #tpu.memory_space<vmem>>
          %dma_wait3A_311 = arith.constant 0 : i32
          %dma_wait3A_312 = arith.constant 0 : i32
          %dma_wait3A_313 = tpu.memref_slice %arg17[%dma_wait3A_311, %dma_wait3A_312] : memref<100096x16xf32, #tpu.memory_space<vmem_shared>> -> memref<100096x16xf32, #tpu.memory_space<vmem_shared>>
          tpu.wait_indirect_dma semaphore(%arg19 : memref<!tpu.dma_semaphore, #tpu.memory_space<semaphore_mem>>) src(%dma_wait3A_307 : memref<128x16xf32, #tpu.memory_space<vmem>>) dst(%dma_wait3A_313 : memref<100096x16xf32, #tpu.memory_space<vmem_shared>>)
          %dma_wait3A_314 = arith.constant 3 : i32
          %dma_wait3A_315 = arith.constant 384 : i32
          %dma_wait3A_316 = arith.constant 0 : i32
          %dma_wait3A_317 = tpu.memref_slice %arg14[%dma_wait3A_315, %dma_wait3A_316] : memref<512x16xf32, #tpu.memory_space<vmem>> -> memref<128x16xf32, #tpu.memory_space<vmem>>
          %dma_wait3A_318 = arith.constant 0 : i32
          %dma_wait3A_319 = tpu.memref_slice %arg13[%dma_wait3A_314, %dma_wait3A_318] : memref<4x128xi32, #tpu.memory_space<vmem>> -> memref<1x128xi32, #tpu.memory_space<vmem>>
          %dma_wait3A_320 = tpu.memref_squeeze %dma_wait3A_319 : memref<1x128xi32, #tpu.memory_space<vmem>> -> memref<128xi32, #tpu.memory_space<vmem>>
          %dma_wait3A_321 = arith.constant 0 : i32
          %dma_wait3A_322 = arith.constant 0 : i32
          %dma_wait3A_323 = tpu.memref_slice %arg17[%dma_wait3A_321, %dma_wait3A_322] : memref<100096x16xf32, #tpu.memory_space<vmem_shared>> -> memref<100096x16xf32, #tpu.memory_space<vmem_shared>>
          tpu.wait_indirect_dma semaphore(%arg19 : memref<!tpu.dma_semaphore, #tpu.memory_space<semaphore_mem>>) src(%dma_wait3A_317 : memref<128x16xf32, #tpu.memory_space<vmem>>) dst(%dma_wait3A_323 : memref<100096x16xf32, #tpu.memory_space<vmem_shared>>)
        } else {
        }
        %scan3A_68 = arith.constant 0 : i32
        scf.yield %scan3A_68 : i32
      }
      %scan3A_58 = arith.constant 196 : i32
    } else {
    }
    %eq3A_34 = arith.constant 1 : i32
    %eq3A_35 = arith.cmpi eq, %arg0, %eq3A_34 : i32
    %convert_element_type3A_36 = arith.extui %eq3A_35 : i1 to i32
    %cond3A_37 = arith.constant 0 : i32
    %cond3A_38 = arith.cmpi ne, %convert_element_type3A_36, %cond3A_37 : i32
    scf.if %cond3A_38 {
      %scan3A_52 = arith.constant 0 : i32
      %scan3A_53 = arith.constant 0 : i32
      %scan3A_54 = arith.constant 196 : i32
      %scan3A_55 = arith.addi %scan3A_53, %scan3A_54 : i32
      %scan3A_56 = arith.constant 1 : i32
      %scan3A_57 = scf.for %scan3A_59 = %scan3A_53 to %scan3A_55 step %scan3A_56 iter_args(%scan3A_60 = %scan3A_52) -> (i32)  : i32 {
        %mul3A_61 = arith.constant 16 : i32
        %mul3A_62 = arith.muli %scan3A_59, %mul3A_61 : i32
        %add3A_63 = arith.addi %arg1, %mul3A_62 : i32
        %lt3A = arith.constant 3125 : i32
        %lt3A_64 = arith.cmpi slt, %add3A_63, %lt3A : i32
        %convert_element_type3A_65 = arith.extui %lt3A_64 : i1 to i32
        %cond3A_66 = arith.constant 0 : i32
        %cond3A_67 = arith.cmpi ne, %convert_element_type3A_65, %cond3A_66 : i32
        scf.if %cond3A_67 {
          %mul3A_69 = arith.constant 512 : i32
          %mul3A_70 = arith.muli %add3A_63, %mul3A_69 : i32
          "tpu.region"() ({
            %run_scoped3A = tpu.sem_alloc : memref<!tpu.dma_semaphore, #tpu.memory_space<semaphore_mem>>
            %dma_start3A_324 = arith.constant 0 : i32
            %dma_start3A_325 = arith.constant 0 : i32
            %dma_start3A_326 = tpu.memref_slice %arg2[%add3A_63, %dma_start3A_324, %dma_start3A_325] : memref<3125x4x128xi32, #tpu.memory_space<hbm>> -> memref<1x4x128xi32, #tpu.memory_space<hbm>>
            %dma_start3A_327 = tpu.memref_squeeze %dma_start3A_326 : memref<1x4x128xi32, #tpu.memory_space<hbm>> -> memref<4x128xi32, #tpu.memory_space<hbm>>
            %dma_start3A_328 = arith.constant 0 : i32
            %dma_start3A_329 = arith.constant 0 : i32
            %dma_start3A_330 = tpu.memref_slice %arg2[%add3A_63, %dma_start3A_328, %dma_start3A_329] : memref<3125x4x128xi32, #tpu.memory_space<hbm>> -> memref<1x4x128xi32, #tpu.memory_space<hbm>>
            %dma_start3A_331 = tpu.memref_squeeze %dma_start3A_330 : memref<1x4x128xi32, #tpu.memory_space<hbm>> -> memref<4x128xi32, #tpu.memory_space<hbm>>
            tpu.enqueue_dma source(%dma_start3A_331 : memref<4x128xi32, #tpu.memory_space<hbm>>) target(%arg12 : memref<4x128xi32, #tpu.memory_space<vmem>>) target_semaphore(%run_scoped3A : memref<!tpu.dma_semaphore, #tpu.memory_space<semaphore_mem>>)
            %dma_wait3A_332 = arith.constant 0 : i32
            %dma_wait3A_333 = arith.constant 0 : i32
            %dma_wait3A_334 = tpu.memref_slice %arg2[%add3A_63, %dma_wait3A_332, %dma_wait3A_333] : memref<3125x4x128xi32, #tpu.memory_space<hbm>> -> memref<1x4x128xi32, #tpu.memory_space<hbm>>
            %dma_wait3A_335 = tpu.memref_squeeze %dma_wait3A_334 : memref<1x4x128xi32, #tpu.memory_space<hbm>> -> memref<4x128xi32, #tpu.memory_space<hbm>>
            %dma_wait3A_336 = arith.constant 0 : i32
            %dma_wait3A_337 = arith.constant 0 : i32
            %dma_wait3A_338 = tpu.memref_slice %arg2[%add3A_63, %dma_wait3A_336, %dma_wait3A_337] : memref<3125x4x128xi32, #tpu.memory_space<hbm>> -> memref<1x4x128xi32, #tpu.memory_space<hbm>>
            %dma_wait3A_339 = tpu.memref_squeeze %dma_wait3A_338 : memref<1x4x128xi32, #tpu.memory_space<hbm>> -> memref<4x128xi32, #tpu.memory_space<hbm>>
            tpu.wait_dma2 semaphore(%run_scoped3A : memref<!tpu.dma_semaphore, #tpu.memory_space<semaphore_mem>>) src(%dma_wait3A_339 : memref<4x128xi32, #tpu.memory_space<hbm>>) dst(%arg12 : memref<4x128xi32, #tpu.memory_space<vmem>>)
            tpu.yield
          }) : () -> ()
          "tpu.region"() ({
            %run_scoped3A = tpu.sem_alloc : memref<!tpu.dma_semaphore, #tpu.memory_space<semaphore_mem>>
            %dma_start3A_324 = arith.constant 0 : i32
            %dma_start3A_325 = arith.constant 0 : i32
            %dma_start3A_326 = tpu.memref_slice %arg3[%add3A_63, %dma_start3A_324, %dma_start3A_325] : memref<3125x4x128xi32, #tpu.memory_space<hbm>> -> memref<1x4x128xi32, #tpu.memory_space<hbm>>
            %dma_start3A_327 = tpu.memref_squeeze %dma_start3A_326 : memref<1x4x128xi32, #tpu.memory_space<hbm>> -> memref<4x128xi32, #tpu.memory_space<hbm>>
            %dma_start3A_328 = arith.constant 0 : i32
            %dma_start3A_329 = arith.constant 0 : i32
            %dma_start3A_330 = tpu.memref_slice %arg3[%add3A_63, %dma_start3A_328, %dma_start3A_329] : memref<3125x4x128xi32, #tpu.memory_space<hbm>> -> memref<1x4x128xi32, #tpu.memory_space<hbm>>
            %dma_start3A_331 = tpu.memref_squeeze %dma_start3A_330 : memref<1x4x128xi32, #tpu.memory_space<hbm>> -> memref<4x128xi32, #tpu.memory_space<hbm>>
            tpu.enqueue_dma source(%dma_start3A_331 : memref<4x128xi32, #tpu.memory_space<hbm>>) target(%arg13 : memref<4x128xi32, #tpu.memory_space<vmem>>) target_semaphore(%run_scoped3A : memref<!tpu.dma_semaphore, #tpu.memory_space<semaphore_mem>>)
            %dma_wait3A_332 = arith.constant 0 : i32
            %dma_wait3A_333 = arith.constant 0 : i32
            %dma_wait3A_334 = tpu.memref_slice %arg3[%add3A_63, %dma_wait3A_332, %dma_wait3A_333] : memref<3125x4x128xi32, #tpu.memory_space<hbm>> -> memref<1x4x128xi32, #tpu.memory_space<hbm>>
            %dma_wait3A_335 = tpu.memref_squeeze %dma_wait3A_334 : memref<1x4x128xi32, #tpu.memory_space<hbm>> -> memref<4x128xi32, #tpu.memory_space<hbm>>
            %dma_wait3A_336 = arith.constant 0 : i32
            %dma_wait3A_337 = arith.constant 0 : i32
            %dma_wait3A_338 = tpu.memref_slice %arg3[%add3A_63, %dma_wait3A_336, %dma_wait3A_337] : memref<3125x4x128xi32, #tpu.memory_space<hbm>> -> memref<1x4x128xi32, #tpu.memory_space<hbm>>
            %dma_wait3A_339 = tpu.memref_squeeze %dma_wait3A_338 : memref<1x4x128xi32, #tpu.memory_space<hbm>> -> memref<4x128xi32, #tpu.memory_space<hbm>>
            tpu.wait_dma2 semaphore(%run_scoped3A : memref<!tpu.dma_semaphore, #tpu.memory_space<semaphore_mem>>) src(%dma_wait3A_339 : memref<4x128xi32, #tpu.memory_space<hbm>>) dst(%arg13 : memref<4x128xi32, #tpu.memory_space<vmem>>)
            tpu.yield
          }) : () -> ()
          %dma_start3A = arith.constant 0 : i32
          %dma_start3A_71 = arith.constant 0 : i32
          %dma_start3A_72 = arith.constant 0 : i32
          %dma_start3A_73 = tpu.memref_slice %arg14[%dma_start3A_71, %dma_start3A_72] : memref<512x16xf32, #tpu.memory_space<vmem>> -> memref<128x16xf32, #tpu.memory_space<vmem>>
          %dma_start3A_74 = arith.constant 0 : i32
          %dma_start3A_75 = tpu.memref_slice %arg12[%dma_start3A, %dma_start3A_74] : memref<4x128xi32, #tpu.memory_space<vmem>> -> memref<1x128xi32, #tpu.memory_space<vmem>>
          %dma_start3A_76 = tpu.memref_squeeze %dma_start3A_75 : memref<1x128xi32, #tpu.memory_space<vmem>> -> memref<128xi32, #tpu.memory_space<vmem>>
          %dma_start3A_77 = arith.constant 0 : i32
          %dma_start3A_78 = arith.constant 0 : i32
          %dma_start3A_79 = tpu.memref_slice %arg5[%dma_start3A_77, %dma_start3A_78] : memref<100000x16xf32, #tpu.memory_space<hbm>> -> memref<100000x16xf32, #tpu.memory_space<hbm>>
          tpu.enqueue_indirect_dma source(%dma_start3A_79 : memref<100000x16xf32, #tpu.memory_space<hbm>>) target(%dma_start3A_73 : memref<128x16xf32, #tpu.memory_space<vmem>>) offsets(%dma_start3A_76 : memref<128xi32, #tpu.memory_space<vmem>>) semaphore(%arg18 : memref<!tpu.dma_semaphore, #tpu.memory_space<semaphore_mem>>)
          %dma_start3A_80 = arith.constant 0 : i32
          %dma_start3A_81 = arith.constant 0 : i32
          %dma_start3A_82 = arith.constant 0 : i32
          %dma_start3A_83 = tpu.memref_slice %arg15[%dma_start3A_81, %dma_start3A_82] : memref<512x16xf32, #tpu.memory_space<vmem>> -> memref<128x16xf32, #tpu.memory_space<vmem>>
          %dma_start3A_84 = arith.constant 0 : i32
          %dma_start3A_85 = tpu.memref_slice %arg13[%dma_start3A_80, %dma_start3A_84] : memref<4x128xi32, #tpu.memory_space<vmem>> -> memref<1x128xi32, #tpu.memory_space<vmem>>
          %dma_start3A_86 = tpu.memref_squeeze %dma_start3A_85 : memref<1x128xi32, #tpu.memory_space<vmem>> -> memref<128xi32, #tpu.memory_space<vmem>>
          %dma_start3A_87 = arith.constant 0 : i32
          %dma_start3A_88 = arith.constant 0 : i32
          %dma_start3A_89 = tpu.memref_slice %arg7[%dma_start3A_87, %dma_start3A_88] : memref<100000x16xf32, #tpu.memory_space<hbm>> -> memref<100000x16xf32, #tpu.memory_space<hbm>>
          tpu.enqueue_indirect_dma source(%dma_start3A_89 : memref<100000x16xf32, #tpu.memory_space<hbm>>) target(%dma_start3A_83 : memref<128x16xf32, #tpu.memory_space<vmem>>) offsets(%dma_start3A_86 : memref<128xi32, #tpu.memory_space<vmem>>) semaphore(%arg18 : memref<!tpu.dma_semaphore, #tpu.memory_space<semaphore_mem>>)
          %dma_start3A_90 = arith.constant 1 : i32
          %dma_start3A_91 = arith.constant 128 : i32
          %dma_start3A_92 = arith.constant 0 : i32
          %dma_start3A_93 = tpu.memref_slice %arg14[%dma_start3A_91, %dma_start3A_92] : memref<512x16xf32, #tpu.memory_space<vmem>> -> memref<128x16xf32, #tpu.memory_space<vmem>>
          %dma_start3A_94 = arith.constant 0 : i32
          %dma_start3A_95 = tpu.memref_slice %arg12[%dma_start3A_90, %dma_start3A_94] : memref<4x128xi32, #tpu.memory_space<vmem>> -> memref<1x128xi32, #tpu.memory_space<vmem>>
          %dma_start3A_96 = tpu.memref_squeeze %dma_start3A_95 : memref<1x128xi32, #tpu.memory_space<vmem>> -> memref<128xi32, #tpu.memory_space<vmem>>
          %dma_start3A_97 = arith.constant 0 : i32
          %dma_start3A_98 = arith.constant 0 : i32
          %dma_start3A_99 = tpu.memref_slice %arg5[%dma_start3A_97, %dma_start3A_98] : memref<100000x16xf32, #tpu.memory_space<hbm>> -> memref<100000x16xf32, #tpu.memory_space<hbm>>
          tpu.enqueue_indirect_dma source(%dma_start3A_99 : memref<100000x16xf32, #tpu.memory_space<hbm>>) target(%dma_start3A_93 : memref<128x16xf32, #tpu.memory_space<vmem>>) offsets(%dma_start3A_96 : memref<128xi32, #tpu.memory_space<vmem>>) semaphore(%arg18 : memref<!tpu.dma_semaphore, #tpu.memory_space<semaphore_mem>>)
          %dma_start3A_100 = arith.constant 1 : i32
          %dma_start3A_101 = arith.constant 128 : i32
          %dma_start3A_102 = arith.constant 0 : i32
          %dma_start3A_103 = tpu.memref_slice %arg15[%dma_start3A_101, %dma_start3A_102] : memref<512x16xf32, #tpu.memory_space<vmem>> -> memref<128x16xf32, #tpu.memory_space<vmem>>
          %dma_start3A_104 = arith.constant 0 : i32
          %dma_start3A_105 = tpu.memref_slice %arg13[%dma_start3A_100, %dma_start3A_104] : memref<4x128xi32, #tpu.memory_space<vmem>> -> memref<1x128xi32, #tpu.memory_space<vmem>>
          %dma_start3A_106 = tpu.memref_squeeze %dma_start3A_105 : memref<1x128xi32, #tpu.memory_space<vmem>> -> memref<128xi32, #tpu.memory_space<vmem>>
          %dma_start3A_107 = arith.constant 0 : i32
          %dma_start3A_108 = arith.constant 0 : i32
          %dma_start3A_109 = tpu.memref_slice %arg7[%dma_start3A_107, %dma_start3A_108] : memref<100000x16xf32, #tpu.memory_space<hbm>> -> memref<100000x16xf32, #tpu.memory_space<hbm>>
          tpu.enqueue_indirect_dma source(%dma_start3A_109 : memref<100000x16xf32, #tpu.memory_space<hbm>>) target(%dma_start3A_103 : memref<128x16xf32, #tpu.memory_space<vmem>>) offsets(%dma_start3A_106 : memref<128xi32, #tpu.memory_space<vmem>>) semaphore(%arg18 : memref<!tpu.dma_semaphore, #tpu.memory_space<semaphore_mem>>)
          %dma_start3A_110 = arith.constant 2 : i32
          %dma_start3A_111 = arith.constant 256 : i32
          %dma_start3A_112 = arith.constant 0 : i32
          %dma_start3A_113 = tpu.memref_slice %arg14[%dma_start3A_111, %dma_start3A_112] : memref<512x16xf32, #tpu.memory_space<vmem>> -> memref<128x16xf32, #tpu.memory_space<vmem>>
          %dma_start3A_114 = arith.constant 0 : i32
          %dma_start3A_115 = tpu.memref_slice %arg12[%dma_start3A_110, %dma_start3A_114] : memref<4x128xi32, #tpu.memory_space<vmem>> -> memref<1x128xi32, #tpu.memory_space<vmem>>
          %dma_start3A_116 = tpu.memref_squeeze %dma_start3A_115 : memref<1x128xi32, #tpu.memory_space<vmem>> -> memref<128xi32, #tpu.memory_space<vmem>>
          %dma_start3A_117 = arith.constant 0 : i32
          %dma_start3A_118 = arith.constant 0 : i32
          %dma_start3A_119 = tpu.memref_slice %arg5[%dma_start3A_117, %dma_start3A_118] : memref<100000x16xf32, #tpu.memory_space<hbm>> -> memref<100000x16xf32, #tpu.memory_space<hbm>>
          tpu.enqueue_indirect_dma source(%dma_start3A_119 : memref<100000x16xf32, #tpu.memory_space<hbm>>) target(%dma_start3A_113 : memref<128x16xf32, #tpu.memory_space<vmem>>) offsets(%dma_start3A_116 : memref<128xi32, #tpu.memory_space<vmem>>) semaphore(%arg18 : memref<!tpu.dma_semaphore, #tpu.memory_space<semaphore_mem>>)
          %dma_start3A_120 = arith.constant 2 : i32
          %dma_start3A_121 = arith.constant 256 : i32
          %dma_start3A_122 = arith.constant 0 : i32
          %dma_start3A_123 = tpu.memref_slice %arg15[%dma_start3A_121, %dma_start3A_122] : memref<512x16xf32, #tpu.memory_space<vmem>> -> memref<128x16xf32, #tpu.memory_space<vmem>>
          %dma_start3A_124 = arith.constant 0 : i32
          %dma_start3A_125 = tpu.memref_slice %arg13[%dma_start3A_120, %dma_start3A_124] : memref<4x128xi32, #tpu.memory_space<vmem>> -> memref<1x128xi32, #tpu.memory_space<vmem>>
          %dma_start3A_126 = tpu.memref_squeeze %dma_start3A_125 : memref<1x128xi32, #tpu.memory_space<vmem>> -> memref<128xi32, #tpu.memory_space<vmem>>
          %dma_start3A_127 = arith.constant 0 : i32
          %dma_start3A_128 = arith.constant 0 : i32
          %dma_start3A_129 = tpu.memref_slice %arg7[%dma_start3A_127, %dma_start3A_128] : memref<100000x16xf32, #tpu.memory_space<hbm>> -> memref<100000x16xf32, #tpu.memory_space<hbm>>
          tpu.enqueue_indirect_dma source(%dma_start3A_129 : memref<100000x16xf32, #tpu.memory_space<hbm>>) target(%dma_start3A_123 : memref<128x16xf32, #tpu.memory_space<vmem>>) offsets(%dma_start3A_126 : memref<128xi32, #tpu.memory_space<vmem>>) semaphore(%arg18 : memref<!tpu.dma_semaphore, #tpu.memory_space<semaphore_mem>>)
          %dma_start3A_130 = arith.constant 3 : i32
          %dma_start3A_131 = arith.constant 384 : i32
          %dma_start3A_132 = arith.constant 0 : i32
          %dma_start3A_133 = tpu.memref_slice %arg14[%dma_start3A_131, %dma_start3A_132] : memref<512x16xf32, #tpu.memory_space<vmem>> -> memref<128x16xf32, #tpu.memory_space<vmem>>
          %dma_start3A_134 = arith.constant 0 : i32
          %dma_start3A_135 = tpu.memref_slice %arg12[%dma_start3A_130, %dma_start3A_134] : memref<4x128xi32, #tpu.memory_space<vmem>> -> memref<1x128xi32, #tpu.memory_space<vmem>>
          %dma_start3A_136 = tpu.memref_squeeze %dma_start3A_135 : memref<1x128xi32, #tpu.memory_space<vmem>> -> memref<128xi32, #tpu.memory_space<vmem>>
          %dma_start3A_137 = arith.constant 0 : i32
          %dma_start3A_138 = arith.constant 0 : i32
          %dma_start3A_139 = tpu.memref_slice %arg5[%dma_start3A_137, %dma_start3A_138] : memref<100000x16xf32, #tpu.memory_space<hbm>> -> memref<100000x16xf32, #tpu.memory_space<hbm>>
          tpu.enqueue_indirect_dma source(%dma_start3A_139 : memref<100000x16xf32, #tpu.memory_space<hbm>>) target(%dma_start3A_133 : memref<128x16xf32, #tpu.memory_space<vmem>>) offsets(%dma_start3A_136 : memref<128xi32, #tpu.memory_space<vmem>>) semaphore(%arg18 : memref<!tpu.dma_semaphore, #tpu.memory_space<semaphore_mem>>)
          %dma_start3A_140 = arith.constant 3 : i32
          %dma_start3A_141 = arith.constant 384 : i32
          %dma_start3A_142 = arith.constant 0 : i32
          %dma_start3A_143 = tpu.memref_slice %arg15[%dma_start3A_141, %dma_start3A_142] : memref<512x16xf32, #tpu.memory_space<vmem>> -> memref<128x16xf32, #tpu.memory_space<vmem>>
          %dma_start3A_144 = arith.constant 0 : i32
          %dma_start3A_145 = tpu.memref_slice %arg13[%dma_start3A_140, %dma_start3A_144] : memref<4x128xi32, #tpu.memory_space<vmem>> -> memref<1x128xi32, #tpu.memory_space<vmem>>
          %dma_start3A_146 = tpu.memref_squeeze %dma_start3A_145 : memref<1x128xi32, #tpu.memory_space<vmem>> -> memref<128xi32, #tpu.memory_space<vmem>>
          %dma_start3A_147 = arith.constant 0 : i32
          %dma_start3A_148 = arith.constant 0 : i32
          %dma_start3A_149 = tpu.memref_slice %arg7[%dma_start3A_147, %dma_start3A_148] : memref<100000x16xf32, #tpu.memory_space<hbm>> -> memref<100000x16xf32, #tpu.memory_space<hbm>>
          tpu.enqueue_indirect_dma source(%dma_start3A_149 : memref<100000x16xf32, #tpu.memory_space<hbm>>) target(%dma_start3A_143 : memref<128x16xf32, #tpu.memory_space<vmem>>) offsets(%dma_start3A_146 : memref<128xi32, #tpu.memory_space<vmem>>) semaphore(%arg18 : memref<!tpu.dma_semaphore, #tpu.memory_space<semaphore_mem>>)
          %dma_start3A_150 = arith.constant 0 : i32
          %dma_start3A_151 = tpu.memref_slice %arg9[%dma_start3A_150, %mul3A_70] : memref<16x1600000xf32, #tpu.memory_space<hbm>> -> memref<16x512xf32, #tpu.memory_space<hbm>>
          %dma_start3A_152 = arith.constant 0 : i32
          %dma_start3A_153 = tpu.memref_slice %arg9[%dma_start3A_152, %mul3A_70] : memref<16x1600000xf32, #tpu.memory_space<hbm>> -> memref<16x512xf32, #tpu.memory_space<hbm>>
          tpu.enqueue_dma source(%dma_start3A_153 : memref<16x512xf32, #tpu.memory_space<hbm>>) target(%arg16 : memref<16x512xf32, #tpu.memory_space<vmem>>) target_semaphore(%arg18 : memref<!tpu.dma_semaphore, #tpu.memory_space<semaphore_mem>>)
          %dma_wait3A = arith.constant 0 : i32
          %dma_wait3A_154 = arith.constant 0 : i32
          %dma_wait3A_155 = arith.constant 0 : i32
          %dma_wait3A_156 = tpu.memref_slice %arg14[%dma_wait3A_154, %dma_wait3A_155] : memref<512x16xf32, #tpu.memory_space<vmem>> -> memref<128x16xf32, #tpu.memory_space<vmem>>
          %dma_wait3A_157 = arith.constant 0 : i32
          %dma_wait3A_158 = tpu.memref_slice %arg12[%dma_wait3A, %dma_wait3A_157] : memref<4x128xi32, #tpu.memory_space<vmem>> -> memref<1x128xi32, #tpu.memory_space<vmem>>
          %dma_wait3A_159 = tpu.memref_squeeze %dma_wait3A_158 : memref<1x128xi32, #tpu.memory_space<vmem>> -> memref<128xi32, #tpu.memory_space<vmem>>
          %dma_wait3A_160 = arith.constant 0 : i32
          %dma_wait3A_161 = arith.constant 0 : i32
          %dma_wait3A_162 = tpu.memref_slice %arg5[%dma_wait3A_160, %dma_wait3A_161] : memref<100000x16xf32, #tpu.memory_space<hbm>> -> memref<100000x16xf32, #tpu.memory_space<hbm>>
          tpu.wait_indirect_dma semaphore(%arg18 : memref<!tpu.dma_semaphore, #tpu.memory_space<semaphore_mem>>) src(%dma_wait3A_162 : memref<100000x16xf32, #tpu.memory_space<hbm>>) dst(%dma_wait3A_156 : memref<128x16xf32, #tpu.memory_space<vmem>>)
          %dma_wait3A_163 = arith.constant 0 : i32
          %dma_wait3A_164 = arith.constant 0 : i32
          %dma_wait3A_165 = arith.constant 0 : i32
          %dma_wait3A_166 = tpu.memref_slice %arg15[%dma_wait3A_164, %dma_wait3A_165] : memref<512x16xf32, #tpu.memory_space<vmem>> -> memref<128x16xf32, #tpu.memory_space<vmem>>
          %dma_wait3A_167 = arith.constant 0 : i32
          %dma_wait3A_168 = tpu.memref_slice %arg13[%dma_wait3A_163, %dma_wait3A_167] : memref<4x128xi32, #tpu.memory_space<vmem>> -> memref<1x128xi32, #tpu.memory_space<vmem>>
          %dma_wait3A_169 = tpu.memref_squeeze %dma_wait3A_168 : memref<1x128xi32, #tpu.memory_space<vmem>> -> memref<128xi32, #tpu.memory_space<vmem>>
          %dma_wait3A_170 = arith.constant 0 : i32
          %dma_wait3A_171 = arith.constant 0 : i32
          %dma_wait3A_172 = tpu.memref_slice %arg7[%dma_wait3A_170, %dma_wait3A_171] : memref<100000x16xf32, #tpu.memory_space<hbm>> -> memref<100000x16xf32, #tpu.memory_space<hbm>>
          tpu.wait_indirect_dma semaphore(%arg18 : memref<!tpu.dma_semaphore, #tpu.memory_space<semaphore_mem>>) src(%dma_wait3A_172 : memref<100000x16xf32, #tpu.memory_space<hbm>>) dst(%dma_wait3A_166 : memref<128x16xf32, #tpu.memory_space<vmem>>)
          %dma_wait3A_173 = arith.constant 1 : i32
          %dma_wait3A_174 = arith.constant 128 : i32
          %dma_wait3A_175 = arith.constant 0 : i32
          %dma_wait3A_176 = tpu.memref_slice %arg14[%dma_wait3A_174, %dma_wait3A_175] : memref<512x16xf32, #tpu.memory_space<vmem>> -> memref<128x16xf32, #tpu.memory_space<vmem>>
          %dma_wait3A_177 = arith.constant 0 : i32
          %dma_wait3A_178 = tpu.memref_slice %arg12[%dma_wait3A_173, %dma_wait3A_177] : memref<4x128xi32, #tpu.memory_space<vmem>> -> memref<1x128xi32, #tpu.memory_space<vmem>>
          %dma_wait3A_179 = tpu.memref_squeeze %dma_wait3A_178 : memref<1x128xi32, #tpu.memory_space<vmem>> -> memref<128xi32, #tpu.memory_space<vmem>>
          %dma_wait3A_180 = arith.constant 0 : i32
          %dma_wait3A_181 = arith.constant 0 : i32
          %dma_wait3A_182 = tpu.memref_slice %arg5[%dma_wait3A_180, %dma_wait3A_181] : memref<100000x16xf32, #tpu.memory_space<hbm>> -> memref<100000x16xf32, #tpu.memory_space<hbm>>
          tpu.wait_indirect_dma semaphore(%arg18 : memref<!tpu.dma_semaphore, #tpu.memory_space<semaphore_mem>>) src(%dma_wait3A_182 : memref<100000x16xf32, #tpu.memory_space<hbm>>) dst(%dma_wait3A_176 : memref<128x16xf32, #tpu.memory_space<vmem>>)
          %dma_wait3A_183 = arith.constant 1 : i32
          %dma_wait3A_184 = arith.constant 128 : i32
          %dma_wait3A_185 = arith.constant 0 : i32
          %dma_wait3A_186 = tpu.memref_slice %arg15[%dma_wait3A_184, %dma_wait3A_185] : memref<512x16xf32, #tpu.memory_space<vmem>> -> memref<128x16xf32, #tpu.memory_space<vmem>>
          %dma_wait3A_187 = arith.constant 0 : i32
          %dma_wait3A_188 = tpu.memref_slice %arg13[%dma_wait3A_183, %dma_wait3A_187] : memref<4x128xi32, #tpu.memory_space<vmem>> -> memref<1x128xi32, #tpu.memory_space<vmem>>
          %dma_wait3A_189 = tpu.memref_squeeze %dma_wait3A_188 : memref<1x128xi32, #tpu.memory_space<vmem>> -> memref<128xi32, #tpu.memory_space<vmem>>
          %dma_wait3A_190 = arith.constant 0 : i32
          %dma_wait3A_191 = arith.constant 0 : i32
          %dma_wait3A_192 = tpu.memref_slice %arg7[%dma_wait3A_190, %dma_wait3A_191] : memref<100000x16xf32, #tpu.memory_space<hbm>> -> memref<100000x16xf32, #tpu.memory_space<hbm>>
          tpu.wait_indirect_dma semaphore(%arg18 : memref<!tpu.dma_semaphore, #tpu.memory_space<semaphore_mem>>) src(%dma_wait3A_192 : memref<100000x16xf32, #tpu.memory_space<hbm>>) dst(%dma_wait3A_186 : memref<128x16xf32, #tpu.memory_space<vmem>>)
          %dma_wait3A_193 = arith.constant 2 : i32
          %dma_wait3A_194 = arith.constant 256 : i32
          %dma_wait3A_195 = arith.constant 0 : i32
          %dma_wait3A_196 = tpu.memref_slice %arg14[%dma_wait3A_194, %dma_wait3A_195] : memref<512x16xf32, #tpu.memory_space<vmem>> -> memref<128x16xf32, #tpu.memory_space<vmem>>
          %dma_wait3A_197 = arith.constant 0 : i32
          %dma_wait3A_198 = tpu.memref_slice %arg12[%dma_wait3A_193, %dma_wait3A_197] : memref<4x128xi32, #tpu.memory_space<vmem>> -> memref<1x128xi32, #tpu.memory_space<vmem>>
          %dma_wait3A_199 = tpu.memref_squeeze %dma_wait3A_198 : memref<1x128xi32, #tpu.memory_space<vmem>> -> memref<128xi32, #tpu.memory_space<vmem>>
          %dma_wait3A_200 = arith.constant 0 : i32
          %dma_wait3A_201 = arith.constant 0 : i32
          %dma_wait3A_202 = tpu.memref_slice %arg5[%dma_wait3A_200, %dma_wait3A_201] : memref<100000x16xf32, #tpu.memory_space<hbm>> -> memref<100000x16xf32, #tpu.memory_space<hbm>>
          tpu.wait_indirect_dma semaphore(%arg18 : memref<!tpu.dma_semaphore, #tpu.memory_space<semaphore_mem>>) src(%dma_wait3A_202 : memref<100000x16xf32, #tpu.memory_space<hbm>>) dst(%dma_wait3A_196 : memref<128x16xf32, #tpu.memory_space<vmem>>)
          %dma_wait3A_203 = arith.constant 2 : i32
          %dma_wait3A_204 = arith.constant 256 : i32
          %dma_wait3A_205 = arith.constant 0 : i32
          %dma_wait3A_206 = tpu.memref_slice %arg15[%dma_wait3A_204, %dma_wait3A_205] : memref<512x16xf32, #tpu.memory_space<vmem>> -> memref<128x16xf32, #tpu.memory_space<vmem>>
          %dma_wait3A_207 = arith.constant 0 : i32
          %dma_wait3A_208 = tpu.memref_slice %arg13[%dma_wait3A_203, %dma_wait3A_207] : memref<4x128xi32, #tpu.memory_space<vmem>> -> memref<1x128xi32, #tpu.memory_space<vmem>>
          %dma_wait3A_209 = tpu.memref_squeeze %dma_wait3A_208 : memref<1x128xi32, #tpu.memory_space<vmem>> -> memref<128xi32, #tpu.memory_space<vmem>>
          %dma_wait3A_210 = arith.constant 0 : i32
          %dma_wait3A_211 = arith.constant 0 : i32
          %dma_wait3A_212 = tpu.memref_slice %arg7[%dma_wait3A_210, %dma_wait3A_211] : memref<100000x16xf32, #tpu.memory_space<hbm>> -> memref<100000x16xf32, #tpu.memory_space<hbm>>
          tpu.wait_indirect_dma semaphore(%arg18 : memref<!tpu.dma_semaphore, #tpu.memory_space<semaphore_mem>>) src(%dma_wait3A_212 : memref<100000x16xf32, #tpu.memory_space<hbm>>) dst(%dma_wait3A_206 : memref<128x16xf32, #tpu.memory_space<vmem>>)
          %dma_wait3A_213 = arith.constant 3 : i32
          %dma_wait3A_214 = arith.constant 384 : i32
          %dma_wait3A_215 = arith.constant 0 : i32
          %dma_wait3A_216 = tpu.memref_slice %arg14[%dma_wait3A_214, %dma_wait3A_215] : memref<512x16xf32, #tpu.memory_space<vmem>> -> memref<128x16xf32, #tpu.memory_space<vmem>>
          %dma_wait3A_217 = arith.constant 0 : i32
          %dma_wait3A_218 = tpu.memref_slice %arg12[%dma_wait3A_213, %dma_wait3A_217] : memref<4x128xi32, #tpu.memory_space<vmem>> -> memref<1x128xi32, #tpu.memory_space<vmem>>
          %dma_wait3A_219 = tpu.memref_squeeze %dma_wait3A_218 : memref<1x128xi32, #tpu.memory_space<vmem>> -> memref<128xi32, #tpu.memory_space<vmem>>
          %dma_wait3A_220 = arith.constant 0 : i32
          %dma_wait3A_221 = arith.constant 0 : i32
          %dma_wait3A_222 = tpu.memref_slice %arg5[%dma_wait3A_220, %dma_wait3A_221] : memref<100000x16xf32, #tpu.memory_space<hbm>> -> memref<100000x16xf32, #tpu.memory_space<hbm>>
          tpu.wait_indirect_dma semaphore(%arg18 : memref<!tpu.dma_semaphore, #tpu.memory_space<semaphore_mem>>) src(%dma_wait3A_222 : memref<100000x16xf32, #tpu.memory_space<hbm>>) dst(%dma_wait3A_216 : memref<128x16xf32, #tpu.memory_space<vmem>>)
          %dma_wait3A_223 = arith.constant 3 : i32
          %dma_wait3A_224 = arith.constant 384 : i32
          %dma_wait3A_225 = arith.constant 0 : i32
          %dma_wait3A_226 = tpu.memref_slice %arg15[%dma_wait3A_224, %dma_wait3A_225] : memref<512x16xf32, #tpu.memory_space<vmem>> -> memref<128x16xf32, #tpu.memory_space<vmem>>
          %dma_wait3A_227 = arith.constant 0 : i32
          %dma_wait3A_228 = tpu.memref_slice %arg13[%dma_wait3A_223, %dma_wait3A_227] : memref<4x128xi32, #tpu.memory_space<vmem>> -> memref<1x128xi32, #tpu.memory_space<vmem>>
          %dma_wait3A_229 = tpu.memref_squeeze %dma_wait3A_228 : memref<1x128xi32, #tpu.memory_space<vmem>> -> memref<128xi32, #tpu.memory_space<vmem>>
          %dma_wait3A_230 = arith.constant 0 : i32
          %dma_wait3A_231 = arith.constant 0 : i32
          %dma_wait3A_232 = tpu.memref_slice %arg7[%dma_wait3A_230, %dma_wait3A_231] : memref<100000x16xf32, #tpu.memory_space<hbm>> -> memref<100000x16xf32, #tpu.memory_space<hbm>>
          tpu.wait_indirect_dma semaphore(%arg18 : memref<!tpu.dma_semaphore, #tpu.memory_space<semaphore_mem>>) src(%dma_wait3A_232 : memref<100000x16xf32, #tpu.memory_space<hbm>>) dst(%dma_wait3A_226 : memref<128x16xf32, #tpu.memory_space<vmem>>)
          %dma_wait3A_233 = arith.constant 0 : i32
          %dma_wait3A_234 = tpu.memref_slice %arg9[%dma_wait3A_233, %mul3A_70] : memref<16x1600000xf32, #tpu.memory_space<hbm>> -> memref<16x512xf32, #tpu.memory_space<hbm>>
          %dma_wait3A_235 = arith.constant 0 : i32
          %dma_wait3A_236 = tpu.memref_slice %arg9[%dma_wait3A_235, %mul3A_70] : memref<16x1600000xf32, #tpu.memory_space<hbm>> -> memref<16x512xf32, #tpu.memory_space<hbm>>
          tpu.wait_dma2 semaphore(%arg18 : memref<!tpu.dma_semaphore, #tpu.memory_space<semaphore_mem>>) src(%dma_wait3A_236 : memref<16x512xf32, #tpu.memory_space<hbm>>) dst(%arg16 : memref<16x512xf32, #tpu.memory_space<vmem>>)
          %iota3A = tpu.iota {dimensions = array<i32: 0>} : vector<16xi32>
          %scan3A_237 = arith.constant 0 : i32
          %scan3A_238 = arith.constant 0 : i32
          %scan3A_239 = arith.constant 512 : i32
          %scan3A_240 = arith.addi %scan3A_238, %scan3A_239 : i32
          %scan3A_241 = arith.constant 1 : i32
          %scan3A_242 = scf.for %scan3A_324 = %scan3A_238 to %scan3A_240 step %scan3A_241 iter_args(%scan3A_325 = %scan3A_237) -> (i32)  : i32 {
            %broadcast_in_dim3A = vector.broadcast %scan3A_324 : i32 to vector<16xi32>
            %gather3A = tpu.vector_load_idx %arg16[%iota3A, %broadcast_in_dim3A] : memref<16x512xf32, #tpu.memory_space<vmem>>[vector<16xi32>, vector<16xi32>], vector<16xf32>,
            %get3A = arith.index_cast %scan3A_324 : i32 to index
            %get3A_326 = arith.constant 0 : index
            %get3A_327 = tpu.vector_load %arg14[%get3A, %get3A_326] {strides = array<i32>} : memref<512x16xf32, #tpu.memory_space<vmem>>, vector<16xf32>,
            %get3A_328 = arith.index_cast %scan3A_324 : i32 to index
            %get3A_329 = arith.constant 0 : index
            %get3A_330 = tpu.vector_load %arg15[%get3A_328, %get3A_329] {strides = array<i32>} : memref<512x16xf32, #tpu.memory_space<vmem>>, vector<16xf32>,
            %add3A_331 = arith.addf %get3A_327, %get3A_330 : vector<16xf32>
            %add3A_332 = arith.addf %add3A_331, %gather3A : vector<16xf32>
            %max3A = arith.constant 0.000000e+00 : f32
            %max3A_333 = vector.broadcast %max3A : f32 to vector<16xf32>
            %max3A_334 = arith.maximumf %add3A_332, %max3A_333 : vector<16xf32>
            %swap3A = arith.index_cast %scan3A_324 : i32 to index
            %swap3A_335 = arith.constant 0 : index
            %swap3A_336 = tpu.vector_load %arg14[%swap3A, %swap3A_335] {strides = array<i32>} : memref<512x16xf32, #tpu.memory_space<vmem>>, vector<16xf32>,
            tpu.vector_store %arg14[%swap3A, %swap3A_335], %max3A_334 {strides = array<i32>} : memref<512x16xf32, #tpu.memory_space<vmem>>, vector<16xf32>,
            %scan3A_337 = arith.constant 0 : i32
            scf.yield %scan3A_337 : i32
          }
          %scan3A_243 = arith.constant 512 : i32
          %dma_start3A_244 = arith.constant 0 : i32
          %dma_start3A_245 = arith.constant 0 : i32
          %dma_start3A_246 = arith.constant 0 : i32
          %dma_start3A_247 = tpu.memref_slice %arg14[%dma_start3A_245, %dma_start3A_246] : memref<512x16xf32, #tpu.memory_space<vmem>> -> memref<128x16xf32, #tpu.memory_space<vmem>>
          %dma_start3A_248 = arith.constant 0 : i32
          %dma_start3A_249 = tpu.memref_slice %arg13[%dma_start3A_244, %dma_start3A_248] : memref<4x128xi32, #tpu.memory_space<vmem>> -> memref<1x128xi32, #tpu.memory_space<vmem>>
          %dma_start3A_250 = tpu.memref_squeeze %dma_start3A_249 : memref<1x128xi32, #tpu.memory_space<vmem>> -> memref<128xi32, #tpu.memory_space<vmem>>
          %dma_start3A_251 = arith.constant 0 : i32
          %dma_start3A_252 = arith.constant 0 : i32
          %dma_start3A_253 = tpu.memref_slice %arg17[%dma_start3A_251, %dma_start3A_252] : memref<100096x16xf32, #tpu.memory_space<vmem_shared>> -> memref<100096x16xf32, #tpu.memory_space<vmem_shared>>
          tpu.enqueue_indirect_dma source(%dma_start3A_247 : memref<128x16xf32, #tpu.memory_space<vmem>>) target(%dma_start3A_253 : memref<100096x16xf32, #tpu.memory_space<vmem_shared>>) offsets(%dma_start3A_250 : memref<128xi32, #tpu.memory_space<vmem>>) semaphore(%arg19 : memref<!tpu.dma_semaphore, #tpu.memory_space<semaphore_mem>>) {add = true}
          %dma_start3A_254 = arith.constant 1 : i32
          %dma_start3A_255 = arith.constant 128 : i32
          %dma_start3A_256 = arith.constant 0 : i32
          %dma_start3A_257 = tpu.memref_slice %arg14[%dma_start3A_255, %dma_start3A_256] : memref<512x16xf32, #tpu.memory_space<vmem>> -> memref<128x16xf32, #tpu.memory_space<vmem>>
          %dma_start3A_258 = arith.constant 0 : i32
          %dma_start3A_259 = tpu.memref_slice %arg13[%dma_start3A_254, %dma_start3A_258] : memref<4x128xi32, #tpu.memory_space<vmem>> -> memref<1x128xi32, #tpu.memory_space<vmem>>
          %dma_start3A_260 = tpu.memref_squeeze %dma_start3A_259 : memref<1x128xi32, #tpu.memory_space<vmem>> -> memref<128xi32, #tpu.memory_space<vmem>>
          %dma_start3A_261 = arith.constant 0 : i32
          %dma_start3A_262 = arith.constant 0 : i32
          %dma_start3A_263 = tpu.memref_slice %arg17[%dma_start3A_261, %dma_start3A_262] : memref<100096x16xf32, #tpu.memory_space<vmem_shared>> -> memref<100096x16xf32, #tpu.memory_space<vmem_shared>>
          tpu.enqueue_indirect_dma source(%dma_start3A_257 : memref<128x16xf32, #tpu.memory_space<vmem>>) target(%dma_start3A_263 : memref<100096x16xf32, #tpu.memory_space<vmem_shared>>) offsets(%dma_start3A_260 : memref<128xi32, #tpu.memory_space<vmem>>) semaphore(%arg19 : memref<!tpu.dma_semaphore, #tpu.memory_space<semaphore_mem>>) {add = true}
          %dma_start3A_264 = arith.constant 2 : i32
          %dma_start3A_265 = arith.constant 256 : i32
          %dma_start3A_266 = arith.constant 0 : i32
          %dma_start3A_267 = tpu.memref_slice %arg14[%dma_start3A_265, %dma_start3A_266] : memref<512x16xf32, #tpu.memory_space<vmem>> -> memref<128x16xf32, #tpu.memory_space<vmem>>
          %dma_start3A_268 = arith.constant 0 : i32
          %dma_start3A_269 = tpu.memref_slice %arg13[%dma_start3A_264, %dma_start3A_268] : memref<4x128xi32, #tpu.memory_space<vmem>> -> memref<1x128xi32, #tpu.memory_space<vmem>>
          %dma_start3A_270 = tpu.memref_squeeze %dma_start3A_269 : memref<1x128xi32, #tpu.memory_space<vmem>> -> memref<128xi32, #tpu.memory_space<vmem>>
          %dma_start3A_271 = arith.constant 0 : i32
          %dma_start3A_272 = arith.constant 0 : i32
          %dma_start3A_273 = tpu.memref_slice %arg17[%dma_start3A_271, %dma_start3A_272] : memref<100096x16xf32, #tpu.memory_space<vmem_shared>> -> memref<100096x16xf32, #tpu.memory_space<vmem_shared>>
          tpu.enqueue_indirect_dma source(%dma_start3A_267 : memref<128x16xf32, #tpu.memory_space<vmem>>) target(%dma_start3A_273 : memref<100096x16xf32, #tpu.memory_space<vmem_shared>>) offsets(%dma_start3A_270 : memref<128xi32, #tpu.memory_space<vmem>>) semaphore(%arg19 : memref<!tpu.dma_semaphore, #tpu.memory_space<semaphore_mem>>) {add = true}
          %dma_start3A_274 = arith.constant 3 : i32
          %dma_start3A_275 = arith.constant 384 : i32
          %dma_start3A_276 = arith.constant 0 : i32
          %dma_start3A_277 = tpu.memref_slice %arg14[%dma_start3A_275, %dma_start3A_276] : memref<512x16xf32, #tpu.memory_space<vmem>> -> memref<128x16xf32, #tpu.memory_space<vmem>>
          %dma_start3A_278 = arith.constant 0 : i32
          %dma_start3A_279 = tpu.memref_slice %arg13[%dma_start3A_274, %dma_start3A_278] : memref<4x128xi32, #tpu.memory_space<vmem>> -> memref<1x128xi32, #tpu.memory_space<vmem>>
          %dma_start3A_280 = tpu.memref_squeeze %dma_start3A_279 : memref<1x128xi32, #tpu.memory_space<vmem>> -> memref<128xi32, #tpu.memory_space<vmem>>
          %dma_start3A_281 = arith.constant 0 : i32
          %dma_start3A_282 = arith.constant 0 : i32
          %dma_start3A_283 = tpu.memref_slice %arg17[%dma_start3A_281, %dma_start3A_282] : memref<100096x16xf32, #tpu.memory_space<vmem_shared>> -> memref<100096x16xf32, #tpu.memory_space<vmem_shared>>
          tpu.enqueue_indirect_dma source(%dma_start3A_277 : memref<128x16xf32, #tpu.memory_space<vmem>>) target(%dma_start3A_283 : memref<100096x16xf32, #tpu.memory_space<vmem_shared>>) offsets(%dma_start3A_280 : memref<128xi32, #tpu.memory_space<vmem>>) semaphore(%arg19 : memref<!tpu.dma_semaphore, #tpu.memory_space<semaphore_mem>>) {add = true}
          %dma_wait3A_284 = arith.constant 0 : i32
          %dma_wait3A_285 = arith.constant 0 : i32
          %dma_wait3A_286 = arith.constant 0 : i32
          %dma_wait3A_287 = tpu.memref_slice %arg14[%dma_wait3A_285, %dma_wait3A_286] : memref<512x16xf32, #tpu.memory_space<vmem>> -> memref<128x16xf32, #tpu.memory_space<vmem>>
          %dma_wait3A_288 = arith.constant 0 : i32
          %dma_wait3A_289 = tpu.memref_slice %arg13[%dma_wait3A_284, %dma_wait3A_288] : memref<4x128xi32, #tpu.memory_space<vmem>> -> memref<1x128xi32, #tpu.memory_space<vmem>>
          %dma_wait3A_290 = tpu.memref_squeeze %dma_wait3A_289 : memref<1x128xi32, #tpu.memory_space<vmem>> -> memref<128xi32, #tpu.memory_space<vmem>>
          %dma_wait3A_291 = arith.constant 0 : i32
          %dma_wait3A_292 = arith.constant 0 : i32
          %dma_wait3A_293 = tpu.memref_slice %arg17[%dma_wait3A_291, %dma_wait3A_292] : memref<100096x16xf32, #tpu.memory_space<vmem_shared>> -> memref<100096x16xf32, #tpu.memory_space<vmem_shared>>
          tpu.wait_indirect_dma semaphore(%arg19 : memref<!tpu.dma_semaphore, #tpu.memory_space<semaphore_mem>>) src(%dma_wait3A_287 : memref<128x16xf32, #tpu.memory_space<vmem>>) dst(%dma_wait3A_293 : memref<100096x16xf32, #tpu.memory_space<vmem_shared>>)
          %dma_wait3A_294 = arith.constant 1 : i32
          %dma_wait3A_295 = arith.constant 128 : i32
          %dma_wait3A_296 = arith.constant 0 : i32
          %dma_wait3A_297 = tpu.memref_slice %arg14[%dma_wait3A_295, %dma_wait3A_296] : memref<512x16xf32, #tpu.memory_space<vmem>> -> memref<128x16xf32, #tpu.memory_space<vmem>>
          %dma_wait3A_298 = arith.constant 0 : i32
          %dma_wait3A_299 = tpu.memref_slice %arg13[%dma_wait3A_294, %dma_wait3A_298] : memref<4x128xi32, #tpu.memory_space<vmem>> -> memref<1x128xi32, #tpu.memory_space<vmem>>
          %dma_wait3A_300 = tpu.memref_squeeze %dma_wait3A_299 : memref<1x128xi32, #tpu.memory_space<vmem>> -> memref<128xi32, #tpu.memory_space<vmem>>
          %dma_wait3A_301 = arith.constant 0 : i32
          %dma_wait3A_302 = arith.constant 0 : i32
          %dma_wait3A_303 = tpu.memref_slice %arg17[%dma_wait3A_301, %dma_wait3A_302] : memref<100096x16xf32, #tpu.memory_space<vmem_shared>> -> memref<100096x16xf32, #tpu.memory_space<vmem_shared>>
          tpu.wait_indirect_dma semaphore(%arg19 : memref<!tpu.dma_semaphore, #tpu.memory_space<semaphore_mem>>) src(%dma_wait3A_297 : memref<128x16xf32, #tpu.memory_space<vmem>>) dst(%dma_wait3A_303 : memref<100096x16xf32, #tpu.memory_space<vmem_shared>>)
          %dma_wait3A_304 = arith.constant 2 : i32
          %dma_wait3A_305 = arith.constant 256 : i32
          %dma_wait3A_306 = arith.constant 0 : i32
          %dma_wait3A_307 = tpu.memref_slice %arg14[%dma_wait3A_305, %dma_wait3A_306] : memref<512x16xf32, #tpu.memory_space<vmem>> -> memref<128x16xf32, #tpu.memory_space<vmem>>
          %dma_wait3A_308 = arith.constant 0 : i32
          %dma_wait3A_309 = tpu.memref_slice %arg13[%dma_wait3A_304, %dma_wait3A_308] : memref<4x128xi32, #tpu.memory_space<vmem>> -> memref<1x128xi32, #tpu.memory_space<vmem>>
          %dma_wait3A_310 = tpu.memref_squeeze %dma_wait3A_309 : memref<1x128xi32, #tpu.memory_space<vmem>> -> memref<128xi32, #tpu.memory_space<vmem>>
          %dma_wait3A_311 = arith.constant 0 : i32
          %dma_wait3A_312 = arith.constant 0 : i32
          %dma_wait3A_313 = tpu.memref_slice %arg17[%dma_wait3A_311, %dma_wait3A_312] : memref<100096x16xf32, #tpu.memory_space<vmem_shared>> -> memref<100096x16xf32, #tpu.memory_space<vmem_shared>>
          tpu.wait_indirect_dma semaphore(%arg19 : memref<!tpu.dma_semaphore, #tpu.memory_space<semaphore_mem>>) src(%dma_wait3A_307 : memref<128x16xf32, #tpu.memory_space<vmem>>) dst(%dma_wait3A_313 : memref<100096x16xf32, #tpu.memory_space<vmem_shared>>)
          %dma_wait3A_314 = arith.constant 3 : i32
          %dma_wait3A_315 = arith.constant 384 : i32
          %dma_wait3A_316 = arith.constant 0 : i32
          %dma_wait3A_317 = tpu.memref_slice %arg14[%dma_wait3A_315, %dma_wait3A_316] : memref<512x16xf32, #tpu.memory_space<vmem>> -> memref<128x16xf32, #tpu.memory_space<vmem>>
          %dma_wait3A_318 = arith.constant 0 : i32
          %dma_wait3A_319 = tpu.memref_slice %arg13[%dma_wait3A_314, %dma_wait3A_318] : memref<4x128xi32, #tpu.memory_space<vmem>> -> memref<1x128xi32, #tpu.memory_space<vmem>>
          %dma_wait3A_320 = tpu.memref_squeeze %dma_wait3A_319 : memref<1x128xi32, #tpu.memory_space<vmem>> -> memref<128xi32, #tpu.memory_space<vmem>>
          %dma_wait3A_321 = arith.constant 0 : i32
          %dma_wait3A_322 = arith.constant 0 : i32
          %dma_wait3A_323 = tpu.memref_slice %arg17[%dma_wait3A_321, %dma_wait3A_322] : memref<100096x16xf32, #tpu.memory_space<vmem_shared>> -> memref<100096x16xf32, #tpu.memory_space<vmem_shared>>
          tpu.wait_indirect_dma semaphore(%arg19 : memref<!tpu.dma_semaphore, #tpu.memory_space<semaphore_mem>>) src(%dma_wait3A_317 : memref<128x16xf32, #tpu.memory_space<vmem>>) dst(%dma_wait3A_323 : memref<100096x16xf32, #tpu.memory_space<vmem_shared>>)
        } else {
        }
        %scan3A_68 = arith.constant 0 : i32
        scf.yield %scan3A_68 : i32
      }
      %scan3A_58 = arith.constant 196 : i32
    } else {
    }
    %barrier3A_39 = arith.constant 0 : index
    tpu.barrier barrier_id(%barrier3A_39)
    %mul3A_40 = arith.constant 6256 : i32
    %mul3A_41 = arith.muli %arg1, %mul3A_40 : i32
    %eq3A_42 = arith.constant 0 : i32
    %eq3A_43 = arith.cmpi eq, %arg0, %eq3A_42 : i32
    %convert_element_type3A_44 = arith.extui %eq3A_43 : i1 to i32
    %cond3A_45 = arith.constant 0 : i32
    %cond3A_46 = arith.cmpi ne, %convert_element_type3A_44, %cond3A_45 : i32
    scf.if %cond3A_46 {
      "tpu.region"() ({
        %run_scoped3A = tpu.sem_alloc : memref<!tpu.dma_semaphore, #tpu.memory_space<semaphore_mem>>
        %dma_start3A = arith.constant 0 : i32
        %dma_start3A_52 = tpu.memref_slice %arg10[%mul3A_41, %dma_start3A] : memref<100096x16xf32, #tpu.memory_space<hbm>> -> memref<6256x16xf32, #tpu.memory_space<hbm>>
        %dma_start3A_53 = arith.constant 0 : i32
        %dma_start3A_54 = tpu.memref_slice %arg17[%mul3A_41, %dma_start3A_53] : memref<100096x16xf32, #tpu.memory_space<vmem_shared>> -> memref<6256x16xf32, #tpu.memory_space<vmem_shared>>
        tpu.enqueue_dma source(%dma_start3A_54 : memref<6256x16xf32, #tpu.memory_space<vmem_shared>>) target(%dma_start3A_52 : memref<6256x16xf32, #tpu.memory_space<hbm>>) target_semaphore(%run_scoped3A : memref<!tpu.dma_semaphore, #tpu.memory_space<semaphore_mem>>)
        %dma_wait3A = arith.constant 0 : i32
        %dma_wait3A_55 = tpu.memref_slice %arg10[%mul3A_41, %dma_wait3A] : memref<100096x16xf32, #tpu.memory_space<hbm>> -> memref<6256x16xf32, #tpu.memory_space<hbm>>
        %dma_wait3A_56 = arith.constant 0 : i32
        %dma_wait3A_57 = tpu.memref_slice %arg17[%mul3A_41, %dma_wait3A_56] : memref<100096x16xf32, #tpu.memory_space<vmem_shared>> -> memref<6256x16xf32, #tpu.memory_space<vmem_shared>>
        tpu.wait_dma2 semaphore(%run_scoped3A : memref<!tpu.dma_semaphore, #tpu.memory_space<semaphore_mem>>) src(%dma_wait3A_57 : memref<6256x16xf32, #tpu.memory_space<vmem_shared>>) dst(%dma_wait3A_55 : memref<6256x16xf32, #tpu.memory_space<hbm>>)
        tpu.yield
      }) : () -> ()
    } else {
    }
    %eq3A_47 = arith.constant 1 : i32
    %eq3A_48 = arith.cmpi eq, %arg0, %eq3A_47 : i32
    %convert_element_type3A_49 = arith.extui %eq3A_48 : i1 to i32
    %cond3A_50 = arith.constant 0 : i32
    %cond3A_51 = arith.cmpi ne, %convert_element_type3A_49, %cond3A_50 : i32
    scf.if %cond3A_51 {
      "tpu.region"() ({
        %run_scoped3A = tpu.sem_alloc : memref<!tpu.dma_semaphore, #tpu.memory_space<semaphore_mem>>
        %dma_start3A = arith.constant 0 : i32
        %dma_start3A_52 = tpu.memref_slice %arg11[%mul3A_41, %dma_start3A] : memref<100096x16xf32, #tpu.memory_space<hbm>> -> memref<6256x16xf32, #tpu.memory_space<hbm>>
        %dma_start3A_53 = arith.constant 0 : i32
        %dma_start3A_54 = tpu.memref_slice %arg17[%mul3A_41, %dma_start3A_53] : memref<100096x16xf32, #tpu.memory_space<vmem_shared>> -> memref<6256x16xf32, #tpu.memory_space<vmem_shared>>
        tpu.enqueue_dma source(%dma_start3A_54 : memref<6256x16xf32, #tpu.memory_space<vmem_shared>>) target(%dma_start3A_52 : memref<6256x16xf32, #tpu.memory_space<hbm>>) target_semaphore(%run_scoped3A : memref<!tpu.dma_semaphore, #tpu.memory_space<semaphore_mem>>)
        %dma_wait3A = arith.constant 0 : i32
        %dma_wait3A_55 = tpu.memref_slice %arg11[%mul3A_41, %dma_wait3A] : memref<100096x16xf32, #tpu.memory_space<hbm>> -> memref<6256x16xf32, #tpu.memory_space<hbm>>
        %dma_wait3A_56 = arith.constant 0 : i32
        %dma_wait3A_57 = tpu.memref_slice %arg17[%mul3A_41, %dma_wait3A_56] : memref<100096x16xf32, #tpu.memory_space<vmem_shared>> -> memref<6256x16xf32, #tpu.memory_space<vmem_shared>>
        tpu.wait_dma2 semaphore(%run_scoped3A : memref<!tpu.dma_semaphore, #tpu.memory_space<semaphore_mem>>) src(%dma_wait3A_57 : memref<6256x16xf32, #tpu.memory_space<vmem_shared>>) dst(%dma_wait3A_55 : memref<6256x16xf32, #tpu.memory_space<hbm>>)
        tpu.yield
      }) : () -> ()
    } else {
    }
    return
  }
}

module attributes {stable_mosaic.version = 14 : i64} {
  func.func @_node_pre_body(%arg0: i32, %arg1: memref<2000x2xf32, #tpu.memory_space<vmem>>, %arg2: memref<2000x2xf32, #tpu.memory_space<vmem>>, %arg3: memref<4x32xf32, #tpu.memory_space<vmem>>, %arg4: memref<32xf32, #tpu.memory_space<vmem>>, %arg5: memref<32x32xf32, #tpu.memory_space<vmem>>, %arg6: memref<32x32xf32, #tpu.memory_space<vmem>>, %arg7: memref<32xf32, #tpu.memory_space<vmem>>, %arg8: memref<2000x32xf32, #tpu.memory_space<vmem>>, %arg9: memref<2000x16xf32, #tpu.memory_space<vmem>>, %arg10: memref<2000x16xf32, #tpu.memory_space<vmem>>, %arg11: memref<2000x16xf32, #tpu.memory_space<vmem>>, %arg12: memref<2000x16xf32, #tpu.memory_space<vmem>>) attributes {dimension_semantics = [#tpu.dimension_semantics<arbitrary>], iteration_bounds = array<i64: 50>, scalar_prefetch = 0 : i64, scratch_operands = 0 : i64, tpu.core_type = #tpu.core_type<tc>, window_params = [{transform_indices = @transform_0, window_bounds = array<i64: 2000, 2>}, {transform_indices = @transform_1, window_bounds = array<i64: 2000, 2>}, {pipeline_mode = #tpu.pipeline_mode<synchronous>, transform_indices = @transform_2, window_bounds = array<i64: 4, 32>}, {pipeline_mode = #tpu.pipeline_mode<synchronous>, transform_indices = @transform_3, window_bounds = array<i64: 32>}, {pipeline_mode = #tpu.pipeline_mode<synchronous>, transform_indices = @transform_4, window_bounds = array<i64: 32, 32>}, {pipeline_mode = #tpu.pipeline_mode<synchronous>, transform_indices = @transform_5, window_bounds = array<i64: 32, 32>}, {pipeline_mode = #tpu.pipeline_mode<synchronous>, transform_indices = @transform_6, window_bounds = array<i64: 32>}, {transform_indices = @transform_7, window_bounds = array<i64: 2000, 32>}, {transform_indices = @transform_8, window_bounds = array<i64: 2000, 16>}, {transform_indices = @transform_9, window_bounds = array<i64: 2000, 16>}, {transform_indices = @transform_10, window_bounds = array<i64: 2000, 16>}, {transform_indices = @transform_11, window_bounds = array<i64: 2000, 16>}]} {
    %get3A = arith.constant 0 : index
    %get3A_0 = arith.constant 0 : index
    %get3A_1 = vector.load %arg1[%get3A, %get3A_0] : memref<2000x2xf32, #tpu.memory_space<vmem>>, vector<2000x2xf32>
    %get3A_2 = arith.constant 0 : index
    %get3A_3 = arith.constant 0 : index
    %get3A_4 = vector.load %arg2[%get3A_2, %get3A_3] : memref<2000x2xf32, #tpu.memory_space<vmem>>, vector<2000x2xf32>
    %concatenate3A = tpu.concatenate %get3A_1, %get3A_4 in 1 : vector<2000x2xf32>, vector<2000x2xf32> -> vector<2000x4xf32>
    %get3A_5 = arith.constant 0 : index
    %get3A_6 = arith.constant 0 : index
    %get3A_7 = vector.load %arg3[%get3A_5, %get3A_6] : memref<4x32xf32, #tpu.memory_space<vmem>>, vector<4x32xf32>
    %dot_general3A = arith.constant dense<0.000000e+00> : vector<2000x32xf32>
    %dot_general3A_8 = tpu.matmul %concatenate3A, %get3A_7, %dot_general3A {dimension_numbers = #tpu.dot_dimension_numbers<[1], [0], [0], [1], [0, 0, 1, 1], [], []>, transpose_lhs_hint = false} : vector<2000x4xf32>, vector<4x32xf32>, vector<2000x32xf32> -> vector<2000x32xf32>
    %get3A_9 = arith.constant 0 : index
    %get3A_10 = vector.load %arg4[%get3A_9] : memref<32xf32, #tpu.memory_space<vmem>>, vector<32xf32>
    %broadcast_in_dim3A = vector.shape_cast %get3A_10 : vector<32xf32> to vector<1x32xf32>
    %add3A = vector.broadcast %broadcast_in_dim3A : vector<1x32xf32> to vector<2000x32xf32>
    %add3A_11 = arith.addf %dot_general3A_8, %add3A : vector<2000x32xf32>
    %max3A = arith.constant 0.000000e+00 : f32
    %max3A_12 = vector.broadcast %max3A : f32 to vector<2000x32xf32>
    %max3A_13 = arith.maximumf %add3A_11, %max3A_12 : vector<2000x32xf32>
    %swap3A = arith.constant 0 : index
    %swap3A_14 = arith.constant 0 : index
    %swap3A_15 = vector.load %arg8[%swap3A, %swap3A_14] : memref<2000x32xf32, #tpu.memory_space<vmem>>, vector<2000x32xf32>
    tpu.vector_store %arg8[%swap3A, %swap3A_14], %max3A_13 {strides = array<i32>} : memref<2000x32xf32, #tpu.memory_space<vmem>>, vector<2000x32xf32>,
    %get3A_16 = arith.constant 0 : index
    %get3A_17 = arith.constant 0 : index
    %get3A_18 = vector.load %arg5[%get3A_16, %get3A_17] : memref<32x32xf32, #tpu.memory_space<vmem>>, vector<32x32xf32>
    %dot_general3A_19 = arith.constant dense<0.000000e+00> : vector<2000x32xf32>
    %dot_general3A_20 = tpu.matmul %max3A_13, %get3A_18, %dot_general3A_19 {dimension_numbers = #tpu.dot_dimension_numbers<[1], [0], [0], [1], [0, 0, 1, 1], [], []>, transpose_lhs_hint = false} : vector<2000x32xf32>, vector<32x32xf32>, vector<2000x32xf32> -> vector<2000x32xf32>
    %get3A_21 = arith.constant 0 : index
    %get3A_22 = arith.constant 0 : index
    %get3A_23 = vector.load %arg6[%get3A_21, %get3A_22] : memref<32x32xf32, #tpu.memory_space<vmem>>, vector<32x32xf32>
    %dot_general3A_24 = arith.constant dense<0.000000e+00> : vector<2000x32xf32>
    %dot_general3A_25 = tpu.matmul %max3A_13, %get3A_23, %dot_general3A_24 {dimension_numbers = #tpu.dot_dimension_numbers<[1], [0], [0], [1], [0, 0, 1, 1], [], []>, transpose_lhs_hint = false} : vector<2000x32xf32>, vector<32x32xf32>, vector<2000x32xf32> -> vector<2000x32xf32>
    %get3A_26 = arith.constant 0 : index
    %get3A_27 = vector.load %arg7[%get3A_26] : memref<32xf32, #tpu.memory_space<vmem>>, vector<32xf32>
    %broadcast_in_dim3A_28 = vector.shape_cast %get3A_27 : vector<32xf32> to vector<1x32xf32>
    %add3A_29 = vector.broadcast %broadcast_in_dim3A_28 : vector<1x32xf32> to vector<2000x32xf32>
    %add3A_30 = arith.addf %dot_general3A_25, %add3A_29 : vector<2000x32xf32>
    %slice3A = vector.extract_strided_slice %dot_general3A_20 {offsets = [0, 0], sizes = [2000, 16], strides = [1, 1]} : vector<2000x32xf32> to vector<2000x16xf32>
    %swap3A_31 = arith.constant 0 : index
    %swap3A_32 = arith.constant 0 : index
    %swap3A_33 = vector.load %arg9[%swap3A_31, %swap3A_32] : memref<2000x16xf32, #tpu.memory_space<vmem>>, vector<2000x16xf32>
    tpu.vector_store %arg9[%swap3A_31, %swap3A_32], %slice3A {strides = array<i32>} : memref<2000x16xf32, #tpu.memory_space<vmem>>, vector<2000x16xf32>,
    %slice3A_34 = vector.extract_strided_slice %dot_general3A_20 {offsets = [0, 16], sizes = [2000, 16], strides = [1, 1]} : vector<2000x32xf32> to vector<2000x16xf32>
    %swap3A_35 = arith.constant 0 : index
    %swap3A_36 = arith.constant 0 : index
    %swap3A_37 = vector.load %arg10[%swap3A_35, %swap3A_36] : memref<2000x16xf32, #tpu.memory_space<vmem>>, vector<2000x16xf32>
    tpu.vector_store %arg10[%swap3A_35, %swap3A_36], %slice3A_34 {strides = array<i32>} : memref<2000x16xf32, #tpu.memory_space<vmem>>, vector<2000x16xf32>,
    %slice3A_38 = vector.extract_strided_slice %add3A_30 {offsets = [0, 0], sizes = [2000, 16], strides = [1, 1]} : vector<2000x32xf32> to vector<2000x16xf32>
    %swap3A_39 = arith.constant 0 : index
    %swap3A_40 = arith.constant 0 : index
    %swap3A_41 = vector.load %arg11[%swap3A_39, %swap3A_40] : memref<2000x16xf32, #tpu.memory_space<vmem>>, vector<2000x16xf32>
    tpu.vector_store %arg11[%swap3A_39, %swap3A_40], %slice3A_38 {strides = array<i32>} : memref<2000x16xf32, #tpu.memory_space<vmem>>, vector<2000x16xf32>,
    %slice3A_42 = vector.extract_strided_slice %add3A_30 {offsets = [0, 16], sizes = [2000, 16], strides = [1, 1]} : vector<2000x32xf32> to vector<2000x16xf32>
    %swap3A_43 = arith.constant 0 : index
    %swap3A_44 = arith.constant 0 : index
    %swap3A_45 = vector.load %arg12[%swap3A_43, %swap3A_44] : memref<2000x16xf32, #tpu.memory_space<vmem>>, vector<2000x16xf32>
    tpu.vector_store %arg12[%swap3A_43, %swap3A_44], %slice3A_42 {strides = array<i32>} : memref<2000x16xf32, #tpu.memory_space<vmem>>, vector<2000x16xf32>,
    return
  }
  func.func @transform_0(%arg0: i32) -> (i32, i32) {
    %c0_i32 = arith.constant 0 : i32
    %c0_i32_0 = arith.constant 0 : i32
    return %arg0, %c0_i32 : i32, i32
  }
  func.func @transform_1(%arg0: i32) -> (i32, i32) {
    %c0_i32 = arith.constant 0 : i32
    %c0_i32_0 = arith.constant 0 : i32
    return %arg0, %c0_i32 : i32, i32
  }
  func.func @transform_2(%arg0: i32) -> (i32, i32) {
    %c0_i32 = arith.constant 0 : i32
    %c0_i32_0 = arith.constant 0 : i32
    %c0_i32_1 = arith.constant 0 : i32
    return %c0_i32, %c0_i32_0 : i32, i32
  }
  func.func @transform_3(%arg0: i32) -> i32 {
    %c0_i32 = arith.constant 0 : i32
    %c0_i32_0 = arith.constant 0 : i32
    return %c0_i32 : i32
  }
  func.func @transform_4(%arg0: i32) -> (i32, i32) {
    %c0_i32 = arith.constant 0 : i32
    %c0_i32_0 = arith.constant 0 : i32
    %c0_i32_1 = arith.constant 0 : i32
    return %c0_i32, %c0_i32_0 : i32, i32
  }
  func.func @transform_5(%arg0: i32) -> (i32, i32) {
    %c0_i32 = arith.constant 0 : i32
    %c0_i32_0 = arith.constant 0 : i32
    %c0_i32_1 = arith.constant 0 : i32
    return %c0_i32, %c0_i32_0 : i32, i32
  }
  func.func @transform_6(%arg0: i32) -> i32 {
    %c0_i32 = arith.constant 0 : i32
    %c0_i32_0 = arith.constant 0 : i32
    return %c0_i32 : i32
  }
  func.func @transform_7(%arg0: i32) -> (i32, i32) {
    %c0_i32 = arith.constant 0 : i32
    %c0_i32_0 = arith.constant 0 : i32
    return %arg0, %c0_i32 : i32, i32
  }
  func.func @transform_8(%arg0: i32) -> (i32, i32) {
    %c0_i32 = arith.constant 0 : i32
    %c0_i32_0 = arith.constant 0 : i32
    return %arg0, %c0_i32 : i32, i32
  }
  func.func @transform_9(%arg0: i32) -> (i32, i32) {
    %c0_i32 = arith.constant 0 : i32
    %c0_i32_0 = arith.constant 0 : i32
    return %arg0, %c0_i32 : i32, i32
  }
  func.func @transform_10(%arg0: i32) -> (i32, i32) {
    %c0_i32 = arith.constant 0 : i32
    %c0_i32_0 = arith.constant 0 : i32
    return %arg0, %c0_i32 : i32, i32
  }
  func.func @transform_11(%arg0: i32) -> (i32, i32) {
    %c0_i32 = arith.constant 0 : i32
    %c0_i32_0 = arith.constant 0 : i32
    return %arg0, %c0_i32 : i32, i32
  }
}

module attributes {stable_mosaic.version = 14 : i64} {
  func.func @_edge_enc_body(%arg0: i32, %arg1: memref<1x12800xf32, #tpu.memory_space<vmem>>, %arg2: memref<1x12800xf32, #tpu.memory_space<vmem>>, %arg3: memref<1x12800xf32, #tpu.memory_space<vmem>>, %arg4: memref<32x3xf32, #tpu.memory_space<vmem>>, %arg5: memref<32x1xf32, #tpu.memory_space<vmem>>, %arg6: memref<32x32xf32, #tpu.memory_space<vmem>>, %arg7: memref<16x12800xf32, #tpu.memory_space<vmem>>, %arg8: memref<16x12800xf32, #tpu.memory_space<vmem>>) attributes {dimension_semantics = [#tpu.dimension_semantics<arbitrary>], iteration_bounds = array<i64: 125>, scalar_prefetch = 0 : i64, scratch_operands = 0 : i64, tpu.core_type = #tpu.core_type<tc>, window_params = [{transform_indices = @transform_0, window_bounds = array<i64: 1, 12800>}, {transform_indices = @transform_1, window_bounds = array<i64: 1, 12800>}, {transform_indices = @transform_2, window_bounds = array<i64: 1, 12800>}, {pipeline_mode = #tpu.pipeline_mode<synchronous>, transform_indices = @transform_3, window_bounds = array<i64: 32, 3>}, {pipeline_mode = #tpu.pipeline_mode<synchronous>, transform_indices = @transform_4, window_bounds = array<i64: 32, 1>}, {pipeline_mode = #tpu.pipeline_mode<synchronous>, transform_indices = @transform_5, window_bounds = array<i64: 32, 32>}, {transform_indices = @transform_6, window_bounds = array<i64: 16, 12800>}, {transform_indices = @transform_7, window_bounds = array<i64: 16, 12800>}]} {
    %get3A = arith.constant 0 : index
    %get3A_0 = arith.constant 0 : index
    %get3A_1 = vector.load %arg1[%get3A, %get3A_0] : memref<1x12800xf32, #tpu.memory_space<vmem>>, vector<1x12800xf32>
    %get3A_2 = arith.constant 0 : index
    %get3A_3 = arith.constant 0 : index
    %get3A_4 = vector.load %arg2[%get3A_2, %get3A_3] : memref<1x12800xf32, #tpu.memory_space<vmem>>, vector<1x12800xf32>
    %get3A_5 = arith.constant 0 : index
    %get3A_6 = arith.constant 0 : index
    %get3A_7 = vector.load %arg3[%get3A_5, %get3A_6] : memref<1x12800xf32, #tpu.memory_space<vmem>>, vector<1x12800xf32>
    %concatenate3A = tpu.concatenate %get3A_1, %get3A_4, %get3A_7 in 0 : vector<1x12800xf32>, vector<1x12800xf32>, vector<1x12800xf32> -> vector<3x12800xf32>
    %get3A_8 = arith.constant 0 : index
    %get3A_9 = arith.constant 0 : index
    %get3A_10 = vector.load %arg4[%get3A_8, %get3A_9] : memref<32x3xf32, #tpu.memory_space<vmem>>, vector<32x3xf32>
    %dot_general3A = arith.constant dense<0.000000e+00> : vector<32x12800xf32>
    %dot_general3A_11 = tpu.matmul %get3A_10, %concatenate3A, %dot_general3A {dimension_numbers = #tpu.dot_dimension_numbers<[1], [0], [0], [1], [0, 0, 1, 1], [], []>, transpose_lhs_hint = false} : vector<32x3xf32>, vector<3x12800xf32>, vector<32x12800xf32> -> vector<32x12800xf32>
    %get3A_12 = arith.constant 0 : index
    %get3A_13 = arith.constant 0 : index
    %get3A_14 = vector.load %arg5[%get3A_12, %get3A_13] : memref<32x1xf32, #tpu.memory_space<vmem>>, vector<32x1xf32>
    %add3A = vector.broadcast %get3A_14 : vector<32x1xf32> to vector<32x12800xf32>
    %add3A_15 = arith.addf %dot_general3A_11, %add3A : vector<32x12800xf32>
    %max3A = arith.constant 0.000000e+00 : f32
    %max3A_16 = vector.broadcast %max3A : f32 to vector<32x12800xf32>
    %max3A_17 = arith.maximumf %add3A_15, %max3A_16 : vector<32x12800xf32>
    %get3A_18 = arith.constant 0 : index
    %get3A_19 = arith.constant 0 : index
    %get3A_20 = vector.load %arg6[%get3A_18, %get3A_19] : memref<32x32xf32, #tpu.memory_space<vmem>>, vector<32x32xf32>
    %dot_general3A_21 = arith.constant dense<0.000000e+00> : vector<32x12800xf32>
    %dot_general3A_22 = tpu.matmul %get3A_20, %max3A_17, %dot_general3A_21 {dimension_numbers = #tpu.dot_dimension_numbers<[1], [0], [0], [1], [0, 0, 1, 1], [], []>, transpose_lhs_hint = false} : vector<32x32xf32>, vector<32x12800xf32>, vector<32x12800xf32> -> vector<32x12800xf32>
    %slice3A = vector.extract_strided_slice %dot_general3A_22 {offsets = [0, 0], sizes = [16, 12800], strides = [1, 1]} : vector<32x12800xf32> to vector<16x12800xf32>
    %swap3A = arith.constant 0 : index
    %swap3A_23 = arith.constant 0 : index
    %swap3A_24 = vector.load %arg7[%swap3A, %swap3A_23] : memref<16x12800xf32, #tpu.memory_space<vmem>>, vector<16x12800xf32>
    tpu.vector_store %arg7[%swap3A, %swap3A_23], %slice3A {strides = array<i32>} : memref<16x12800xf32, #tpu.memory_space<vmem>>, vector<16x12800xf32>,
    %slice3A_25 = vector.extract_strided_slice %dot_general3A_22 {offsets = [16, 0], sizes = [16, 12800], strides = [1, 1]} : vector<32x12800xf32> to vector<16x12800xf32>
    %swap3A_26 = arith.constant 0 : index
    %swap3A_27 = arith.constant 0 : index
    %swap3A_28 = vector.load %arg8[%swap3A_26, %swap3A_27] : memref<16x12800xf32, #tpu.memory_space<vmem>>, vector<16x12800xf32>
    tpu.vector_store %arg8[%swap3A_26, %swap3A_27], %slice3A_25 {strides = array<i32>} : memref<16x12800xf32, #tpu.memory_space<vmem>>, vector<16x12800xf32>,
    return
  }
  func.func @transform_0(%arg0: i32) -> (i32, i32) {
    %c0_i32 = arith.constant 0 : i32
    %c0_i32_0 = arith.constant 0 : i32
    return %c0_i32, %arg0 : i32, i32
  }
  func.func @transform_1(%arg0: i32) -> (i32, i32) {
    %c0_i32 = arith.constant 0 : i32
    %c0_i32_0 = arith.constant 0 : i32
    return %c0_i32, %arg0 : i32, i32
  }
  func.func @transform_2(%arg0: i32) -> (i32, i32) {
    %c0_i32 = arith.constant 0 : i32
    %c0_i32_0 = arith.constant 0 : i32
    return %c0_i32, %arg0 : i32, i32
  }
  func.func @transform_3(%arg0: i32) -> (i32, i32) {
    %c0_i32 = arith.constant 0 : i32
    %c0_i32_0 = arith.constant 0 : i32
    %c0_i32_1 = arith.constant 0 : i32
    return %c0_i32, %c0_i32_0 : i32, i32
  }
  func.func @transform_4(%arg0: i32) -> (i32, i32) {
    %c0_i32 = arith.constant 0 : i32
    %c0_i32_0 = arith.constant 0 : i32
    %c0_i32_1 = arith.constant 0 : i32
    return %c0_i32, %c0_i32_0 : i32, i32
  }
  func.func @transform_5(%arg0: i32) -> (i32, i32) {
    %c0_i32 = arith.constant 0 : i32
    %c0_i32_0 = arith.constant 0 : i32
    %c0_i32_1 = arith.constant 0 : i32
    return %c0_i32, %c0_i32_0 : i32, i32
  }
  func.func @transform_6(%arg0: i32) -> (i32, i32) {
    %c0_i32 = arith.constant 0 : i32
    %c0_i32_0 = arith.constant 0 : i32
    return %c0_i32, %arg0 : i32, i32
  }
  func.func @transform_7(%arg0: i32) -> (i32, i32) {
    %c0_i32 = arith.constant 0 : i32
    %c0_i32_0 = arith.constant 0 : i32
    return %c0_i32, %arg0 : i32, i32
  }
}

module attributes {stable_mosaic.version = 14 : i64} {
  func.func @_update_body(%arg0: i32, %arg1: memref<2000x32xf32, #tpu.memory_space<vmem>>, %arg2: memref<2000x16xf32, #tpu.memory_space<vmem>>, %arg3: memref<2000x16xf32, #tpu.memory_space<vmem>>, %arg4: memref<2000x2xf32, #tpu.memory_space<vmem>>, %arg5: memref<64x32xf32, #tpu.memory_space<vmem>>, %arg6: memref<32xf32, #tpu.memory_space<vmem>>, %arg7: memref<32x2xf32, #tpu.memory_space<vmem>>, %arg8: memref<2xf32, #tpu.memory_space<vmem>>, %arg9: memref<2000x2xf32, #tpu.memory_space<vmem>>) attributes {dimension_semantics = [#tpu.dimension_semantics<arbitrary>], iteration_bounds = array<i64: 50>, scalar_prefetch = 0 : i64, scratch_operands = 0 : i64, tpu.core_type = #tpu.core_type<tc>, window_params = [{transform_indices = @transform_0, window_bounds = array<i64: 2000, 32>}, {transform_indices = @transform_1, window_bounds = array<i64: 2000, 16>}, {transform_indices = @transform_2, window_bounds = array<i64: 2000, 16>}, {transform_indices = @transform_3, window_bounds = array<i64: 2000, 2>}, {pipeline_mode = #tpu.pipeline_mode<synchronous>, transform_indices = @transform_4, window_bounds = array<i64: 64, 32>}, {pipeline_mode = #tpu.pipeline_mode<synchronous>, transform_indices = @transform_5, window_bounds = array<i64: 32>}, {pipeline_mode = #tpu.pipeline_mode<synchronous>, transform_indices = @transform_6, window_bounds = array<i64: 32, 2>}, {pipeline_mode = #tpu.pipeline_mode<synchronous>, transform_indices = @transform_7, window_bounds = array<i64: 2>}, {transform_indices = @transform_8, window_bounds = array<i64: 2000, 2>}]} {
    %get3A = arith.constant 0 : index
    %get3A_0 = arith.constant 0 : index
    %get3A_1 = vector.load %arg1[%get3A, %get3A_0] : memref<2000x32xf32, #tpu.memory_space<vmem>>, vector<2000x32xf32>
    %get3A_2 = arith.constant 0 : index
    %get3A_3 = arith.constant 0 : index
    %get3A_4 = vector.load %arg2[%get3A_2, %get3A_3] : memref<2000x16xf32, #tpu.memory_space<vmem>>, vector<2000x16xf32>
    %get3A_5 = arith.constant 0 : index
    %get3A_6 = arith.constant 0 : index
    %get3A_7 = vector.load %arg3[%get3A_5, %get3A_6] : memref<2000x16xf32, #tpu.memory_space<vmem>>, vector<2000x16xf32>
    %concatenate3A = tpu.concatenate %get3A_1, %get3A_4, %get3A_7 in 1 : vector<2000x32xf32>, vector<2000x16xf32>, vector<2000x16xf32> -> vector<2000x64xf32>
    %get3A_8 = arith.constant 0 : index
    %get3A_9 = arith.constant 0 : index
    %get3A_10 = vector.load %arg5[%get3A_8, %get3A_9] : memref<64x32xf32, #tpu.memory_space<vmem>>, vector<64x32xf32>
    %dot_general3A = arith.constant dense<0.000000e+00> : vector<2000x32xf32>
    %dot_general3A_11 = tpu.matmul %concatenate3A, %get3A_10, %dot_general3A {dimension_numbers = #tpu.dot_dimension_numbers<[1], [0], [0], [1], [0, 0, 1, 1], [], []>, transpose_lhs_hint = false} : vector<2000x64xf32>, vector<64x32xf32>, vector<2000x32xf32> -> vector<2000x32xf32>
    %get3A_12 = arith.constant 0 : index
    %get3A_13 = vector.load %arg6[%get3A_12] : memref<32xf32, #tpu.memory_space<vmem>>, vector<32xf32>
    %broadcast_in_dim3A = vector.shape_cast %get3A_13 : vector<32xf32> to vector<1x32xf32>
    %add3A = vector.broadcast %broadcast_in_dim3A : vector<1x32xf32> to vector<2000x32xf32>
    %add3A_14 = arith.addf %dot_general3A_11, %add3A : vector<2000x32xf32>
    %max3A = arith.constant 0.000000e+00 : f32
    %max3A_15 = vector.broadcast %max3A : f32 to vector<2000x32xf32>
    %max3A_16 = arith.maximumf %add3A_14, %max3A_15 : vector<2000x32xf32>
    %get3A_17 = arith.constant 0 : index
    %get3A_18 = arith.constant 0 : index
    %get3A_19 = vector.load %arg4[%get3A_17, %get3A_18] : memref<2000x2xf32, #tpu.memory_space<vmem>>, vector<2000x2xf32>
    %get3A_20 = arith.constant 0 : index
    %get3A_21 = arith.constant 0 : index
    %get3A_22 = vector.load %arg7[%get3A_20, %get3A_21] : memref<32x2xf32, #tpu.memory_space<vmem>>, vector<32x2xf32>
    %dot_general3A_23 = arith.constant dense<0.000000e+00> : vector<2000x2xf32>
    %dot_general3A_24 = tpu.matmul %max3A_16, %get3A_22, %dot_general3A_23 {dimension_numbers = #tpu.dot_dimension_numbers<[1], [0], [0], [1], [0, 0, 1, 1], [], []>, transpose_lhs_hint = false} : vector<2000x32xf32>, vector<32x2xf32>, vector<2000x2xf32> -> vector<2000x2xf32>
    %add3A_25 = arith.addf %get3A_19, %dot_general3A_24 : vector<2000x2xf32>
    %get3A_26 = arith.constant 0 : index
    %get3A_27 = vector.load %arg8[%get3A_26] : memref<2xf32, #tpu.memory_space<vmem>>, vector<2xf32>
    %broadcast_in_dim3A_28 = vector.shape_cast %get3A_27 : vector<2xf32> to vector<1x2xf32>
    %add3A_29 = vector.broadcast %broadcast_in_dim3A_28 : vector<1x2xf32> to vector<2000x2xf32>
    %add3A_30 = arith.addf %add3A_25, %add3A_29 : vector<2000x2xf32>
    %swap3A = arith.constant 0 : index
    %swap3A_31 = arith.constant 0 : index
    %swap3A_32 = vector.load %arg9[%swap3A, %swap3A_31] : memref<2000x2xf32, #tpu.memory_space<vmem>>, vector<2000x2xf32>
    tpu.vector_store %arg9[%swap3A, %swap3A_31], %add3A_30 {strides = array<i32>} : memref<2000x2xf32, #tpu.memory_space<vmem>>, vector<2000x2xf32>,
    return
  }
  func.func @transform_0(%arg0: i32) -> (i32, i32) {
    %c0_i32 = arith.constant 0 : i32
    %c0_i32_0 = arith.constant 0 : i32
    return %arg0, %c0_i32 : i32, i32
  }
  func.func @transform_1(%arg0: i32) -> (i32, i32) {
    %c0_i32 = arith.constant 0 : i32
    %c0_i32_0 = arith.constant 0 : i32
    return %arg0, %c0_i32 : i32, i32
  }
  func.func @transform_2(%arg0: i32) -> (i32, i32) {
    %c0_i32 = arith.constant 0 : i32
    %c0_i32_0 = arith.constant 0 : i32
    return %arg0, %c0_i32 : i32, i32
  }
  func.func @transform_3(%arg0: i32) -> (i32, i32) {
    %c0_i32 = arith.constant 0 : i32
    %c0_i32_0 = arith.constant 0 : i32
    return %arg0, %c0_i32 : i32, i32
  }
  func.func @transform_4(%arg0: i32) -> (i32, i32) {
    %c0_i32 = arith.constant 0 : i32
    %c0_i32_0 = arith.constant 0 : i32
    %c0_i32_1 = arith.constant 0 : i32
    return %c0_i32, %c0_i32_0 : i32, i32
  }
  func.func @transform_5(%arg0: i32) -> i32 {
    %c0_i32 = arith.constant 0 : i32
    %c0_i32_0 = arith.constant 0 : i32
    return %c0_i32 : i32
  }
  func.func @transform_6(%arg0: i32) -> (i32, i32) {
    %c0_i32 = arith.constant 0 : i32
    %c0_i32_0 = arith.constant 0 : i32
    %c0_i32_1 = arith.constant 0 : i32
    return %c0_i32, %c0_i32_0 : i32, i32
  }
  func.func @transform_7(%arg0: i32) -> i32 {
    %c0_i32 = arith.constant 0 : i32
    %c0_i32_0 = arith.constant 0 : i32
    return %c0_i32 : i32
  }
  func.func @transform_8(%arg0: i32) -> (i32, i32) {
    %c0_i32 = arith.constant 0 : i32
    %c0_i32_0 = arith.constant 0 : i32
    return %arg0, %c0_i32 : i32, i32
  }
}

</mosaic_0001>

<sc_bundles>
// kernel: kernel.10.cloned.1.call-start
scs
__scs_entry_jumppad:
0x0: {  	(pc) =	sbr.rel $0x88, $3  }
0x1: {  	(tag) =	ssettag $0x0;
	lr =	simm.s32 $0x1  }
0x2: {  	[smem:$0x3F93] =	sst lr;
	_ =	strace $0xD0000000  }
0x3: {  	_ = 	snop  }
0x4: {  	_ = 	snop  }
0x5: {  	_ = 	snop  }
0x6: {  	_ = 	snop  }
0x7: {  	_ = 	snop  }
__scs_overlays_trampoline_lowered:
0x8: {  	[smem:$0x3FA2] =	sst s0  }
0x9: {  	[smem:$0x3FA3] =	sst s1  }
0xa: {  	[smem:$0x3FA4] =	sst s2  }
0xb: {  	[smem:$0x3FA5] =	sst s3  }
0xc: {  	[smem:$0x3FA6] =	sst s4  }
0xd: {  	[smem:$0x3FA7] =	sst s5  }
0xe: {  	[smem:$0x3FA8] =	sst s6  }
0xf: {  	[smem:$0x3FA9] =	sst s7  }
0x10: {  	[smem:$0x3FAA] =	sst s8  }
0x11: {  	[smem:$0x3FAB] =	sst s9;
	s0 =	simm.s32 @!p0 $0x0  }
0x12: {  	s1 =	sld [smem:$0x3F91];
	s0 =	simm.s32 @p0 $0x1  }
0x13: {  	[smem:$0x3FAC] =	sst s0;
	s0 =	simm.s32 @!p1 $0x0  }
0x14: {  	s2 =	sld [smem:$0x3F90];
	s0 =	simm.s32 @p1 $0x1  }
0x15: {  	[smem:$0x3FAD] =	sst s0;
	s0 =	simm.s32 @!p2 $0x0  }
0x16: {  	s3 =	sld [smem:$0x3FDB];
	s0 =	simm.s32 @p2 $0x1  }
0x17: {  	s4 =	simm.s32 $0x1BF5;
	[smem:$0x3FAF] =	sst s0  }
0x18: {  	s0 =	sld [smem:$0x3F92];
	_ =	swait.ge [sflag:s4], $0x0  }
0x19: {  	s7 =	sld [smem:$0x3F93]  }
0x1a: {  	s8 =	sadd.s32 $0xFFFFE003, lr  }
0x1b: {  	s9 =	sadd.s32 $0xFFFFFEF7, lr;
	s5 =	simm.s32 $0xFFFFFFFF;
	p2 =	slt.u32 s8, $0xFFFFF086  }
0x1c: {  	p1 =	slt.u32 s9, $0xF7A;
	s5 =	simm.s32 @!p2 $0x0  }
0x1d: {  	s5 =	simm.s32 @p1 $0x1;
	p0 =	seq.s32 s7, s2  }
0x1e: {  	s7 =	smul.u32 @!p0 $0xF7A, s2;
	p2 =	seq.s32 @!p0 s5, $0x0  }
0x1f: {  	s9 =	smul.u32 $0xF7A, s1;
	s8 =	simm.s32 @!p0 $0x1BF5;
	p2 =	por !p2, p0  }
0x20: {  	[sflag:s8] =	ssyncset.s32 @!p0 $0xFFFFF086;
	s6 =	sadd.s32 @!p0 s3, s7;
	s7 =	simm.s32 @!p0 $0x108  }
0x21: {  	s3 =	sadd.s32 s3, s9;
	s6 =	sadd.s32 @!p0 $0x88, s6;
	s7 =	simm.s32 @p2 $0x1082  }
0x22: {  	[simem:s7], [sflag:s8] =	dma.local @!p0 [hbm:s6], $0xF7A  }
0x23: {  	s9 =	sor.u32 $0xD0000000, s2;
	s6 =	simm.s32 $0x108;
	_ =	swait.ge @!p0 [sflag:s8], $0x0  }
0x24: {  	s3 =	sadd.s32 $0x88, s3;
	s6 =	simm.s32 @!p1 $0x1082;
	[sflag:s4] =	ssyncset.s32 $0xFFFFF086  }
0x25: {  	[simem:s6], [sflag:s4] =	dma.local [hbm:s3], $0xF7A  }
0x26: {  	[smem:$0x3F93] =	sst s1;
	(tag) =	ssettag s2;
	_ =	strace s9  }
0x27: {  	s1 =	sld [smem:$0x3FA3]  }
0x28: {  	s2 =	sld [smem:$0x3FA4]  }
0x29: {  	s4 =	sld [smem:$0x3FA6]  }
0x2a: {  	p0 =	seq.s32 s5, $0x0;
	s5 =	sld [smem:$0x3FA7]  }
0x2b: {  	s6 =	sld [smem:$0x3FA8]  }
0x2c: {  	s7 =	sld [smem:$0x3FA9]  }
0x2d: {  	s3 =	simm.s32 $0x108;
	s8 =	sld [smem:$0x3FAA]  }
0x2e: {  	s3 =	simm.s32 @!p0 $0x1082;
	s9 =	sld [smem:$0x3FAB]  }
0x2f: {  	lr =	sadd.s32 s0, s3;
	s0 =	sld [smem:$0x3FA2]  }
0x30: {  	s3 =	sld [smem:$0x3FA5]  }
0x31: {  	[smem:$0x3FAE] =	sst s10  }
0x32: {  	s10 =	sld [smem:$0x3FAC];
	_ =	sdelay $0x3  }
0x33: {  	p0 =	seq.s32 s10, $0x1;
	s10 =	sld [smem:$0x3FAE];
	_ =	sdelay $0x3  }
0x34: {  	[smem:$0x3FAE] =	sst s10  }
0x35: {  	s10 =	sld [smem:$0x3FAD];
	_ =	sdelay $0x3  }
0x36: {  	p1 =	seq.s32 s10, $0x1;
	s10 =	sld [smem:$0x3FAE];
	_ =	sdelay $0x3  }
0x37: {  	[smem:$0x3FAE] =	sst s10  }
0x38: {  	s10 =	sld [smem:$0x3FAF]  }
0x39: {  	_ = 	snop;
	(pc) =	sbr.ind lr, $3  }
0x3a: {  	_ = 	snop  }
0x3b: {  	_ = 	snop  }
0x3c: {  	p2 =	seq.s32 s10, $0x1;
	s10 =	sld [smem:$0x3FAE]  }
0x3d: {  	_ =	shalt  }
0x3e: {  	_ =	shalt  }
0x3f: {  	_ =	shalt  }
0x40: {  	_ =	shalt  }
0x41: {  	_ =	shalt  }
0x42: {  	_ =	shalt  }
0x43: {  	_ =	shalt  }
0x44: {  	_ =	shalt  }
0x45: {  	_ =	shalt  }
0x46: {  	_ =	shalt  }
0x47: {  	_ =	shalt  }
0x48: {  	_ =	shalt  }
0x49: {  	_ =	shalt  }
0x4a: {  	_ =	shalt  }
0x4b: {  	_ =	shalt  }
0x4c: {  	_ =	shalt  }
0x4d: {  	_ =	shalt  }
0x4e: {  	_ =	shalt  }
0x4f: {  	_ =	shalt  }
0x50: {  	_ =	shalt  }
0x51: {  	_ =	shalt  }
0x52: {  	_ =	shalt  }
0x53: {  	_ =	shalt  }
0x54: {  	_ =	shalt  }
0x55: {  	_ =	shalt  }
0x56: {  	_ =	shalt  }
0x57: {  	_ =	shalt  }
0x58: {  	_ =	shalt  }
0x59: {  	_ =	shalt  }
0x5a: {  	_ =	shalt  }
0x5b: {  	_ =	shalt  }
0x5c: {  	_ =	shalt  }
0x5d: {  	_ =	shalt  }
0x5e: {  	_ =	shalt  }
0x5f: {  	_ =	shalt  }
0x60: {  	_ =	shalt  }
0x61: {  	_ =	shalt  }
0x62: {  	_ =	shalt  }
0x63: {  	_ =	shalt  }
0x64: {  	_ =	shalt  }
0x65: {  	_ =	shalt  }
0x66: {  	_ =	shalt  }
0x67: {  	_ =	shalt  }
0x68: {  	_ =	shalt  }
0x69: {  	_ =	shalt  }
0x6a: {  	_ =	shalt  }
0x6b: {  	_ =	shalt  }
0x6c: {  	_ =	shalt  }
0x6d: {  	_ =	shalt  }
0x6e: {  	_ =	shalt  }
0x6f: {  	_ =	shalt  }
0x70: {  	_ =	shalt  }
0x71: {  	_ =	shalt  }
0x72: {  	_ =	shalt  }
0x73: {  	_ =	shalt  }
0x74: {  	_ =	shalt  }
0x75: {  	_ =	shalt  }
0x76: {  	_ =	shalt  }
0x77: {  	_ =	shalt  }
0x78: {  	_ =	shalt  }
0x79: {  	_ =	shalt  }
0x7a: {  	_ =	shalt  }
0x7b: {  	_ =	shalt  }
0x7c: {  	_ =	shalt  }
0x7d: {  	_ =	shalt  }
0x7e: {  	_ =	shalt  }
0x7f: {  	_ =	shalt  }
0x80: {  	_ =	shalt  }
0x81: {  	_ =	shalt  }
0x82: {  	_ =	shalt  }
0x83: {  	_ =	shalt  }
0x84: {  	_ =	shalt  }
0x85: {  	_ =	shalt  }
0x86: {  	_ =	shalt  }
0x87: {  	_ =	shalt  }
.Lfunc_end0:
.L_simem_size_0:
called_computation.1_lowered:
.L_overlay_start_0:
0x88: {  	s2 =	sld [smem:$0x3FD9]  }
0x89: {  	s3 =	sld [smem:$0x3FFE];
	_ =	sdelay $0x1  }
0x8a: {  	s1 =	srdreg.scid  }
0x8b: {  	s0 =	sand.u32 $0x1, s1  }
0x8c: {  	s16 =	sshll.u32 s0, $0xA;
	s2 =	sadd.s32 s3, s2  }
0x8d: {  	s2 =	sadd.s32 s2, s16  }
0x8e: {  	[smem:$0x3FBA] =	sst s2  }
0x8f: {  	_ = 	snop  }
0x90: {  	(tm) =	ssettm $0x1  }
0x91: {  	s17 =	sld [smem:$0x3FFB];
	_ =	sdelay $0x3  }
0x92: {  	_ =	strace s17  }
0x93: {  	s2 =	sld [smem:$0x3FFC];
	_ =	sdelay $0x3  }
0x94: {  	_ =	strace s2  }
0x95: {  	s2 =	sld [smem:$0x3FFD];
	_ =	sdelay $0x3  }
0x96: {  	_ =	strace s2  }
0x97: {  	_ =	strace $0x8FFFFFFF  }
0x98: {  	s18 =	sld [smem:$0x3FDB];
	_ =	sdelay $0x1  }
0x99: {  	s19 =	simm.s32 $_scs_section_size  }
0x9a: {  	s4 =	simm.s32 $_size__tile_overlayer_lowered;
	s5 =	simm.s32 $_tile_overlayer_lowered  }
0x9b: {  	s22 =	simm.s32 $0x1BFF;
	s21 =	sshll.u32 s5, $0x1;
	s2 =	sadd.s32 s19, s18  }
0x9c: {  	s6 =	simm.s32 $0x0;
	s20 =	sshll.u32 s4, $0x1;
	s4 =	sadd.s32 s21, s2  }
0x9d: {  	[timem:s6], [sflag:s22] =	dma.local [hbm:s4], s20  }
0x9e: {  	_ =	swait.ge [sflag:s22], s20  }
0x9f: {  	s3 =	ssub.s32 $0x0, s20;
	[sflag:s22] =	ssyncset.done $0x0  }
0xa0: {  	[sflag:s22] =	ssyncadd.s32 s3;
	_ =	sdelay $0x1  }
0xa1: {  	s23 =	simm.s32 $0x1B8B  }
0xa2: {  	_ =	swait.ge [sflag:s23], $0x1  }
0xa3: {  	[sflag:s23] =	ssyncset.done $0x0  }
0xa4: {  	s25 =	simm.s32 $0x1B8E;
	s24 =	sld [smem:$0x3FFE];
	[sflag:s23] =	ssyncadd.s32 $0xFFFFFFFF  }
0xa5: {  	s26 =	simm.s32 $execute0_lowered;
	[smem:$0x3FD2] =	sst s25  }
0xa6: {  	s4 =	sshll.u32 s26, $0x1;
	_ =	strace $0x80000049;
	[dreg:$0x1] =	wrdreg $0xFFFFFFFF  }
0xa7: {  	s28 =	simm.s32 $_size_execute0_lowered;
	s2 =	sadd.s32 s2, s4;
	[dreg:$0x0] =	wrdreg $0x0  }
0xa8: {  	s4 =	sshll.u32 s28, $0x1;
	[dreg:$0x2] =	wrdreg s2  }
0xa9: {  	[dreg:$0x3] =	wrdreg s4  }
0xaa: {  	[dreg:$0x4] =	wrdreg $0xC0  }
0xab: {  	_ =	task [dreg:s6], $0x5FFFF  }
0xac: {  	[dreg:$0x1] =	wrdreg $0xFFFFFFFF  }
0xad: {  	[dreg:$0x0] =	wrdreg $0x60  }
0xae: {  	[dreg:$0x2] =	wrdreg s24  }
0xaf: {  	[dreg:$0x3] =	wrdreg $0x64000  }
0xb0: {  	[dreg:$0x4] =	wrdreg $0x9  }
0xb1: {  	_ =	task.clear_ibuf [dreg:s6], $0x5FFFF;
	_ =	strace $0x90000049  }
0xb2: {  	s29 =	simm.s32 $0x9;
	_ =	strace $0x8000004B  }
0xb3: {  	_ =	swait.ge [sflag:s29], $0x1  }
0xb4: {  	[sflag:s29] =	ssyncadd.s32 $0xFFFFFFFF  }
0xb5: {  	_ =	strace $0x9000004B  }
0xb6: {  	_ =	sfence  }
0xb7: {  	s30 =	sld [smem:$0x0];
	_ =	sdelay $0x2  }
0xb8: {  	s31 =	sshll.u32 s1, $0xD;
	s1 =	sshrl.u32 s1, $0x2  }
0xb9: {  	s3 =	sand.u32 $0x4000, s31;
	s1 =	sadd.s32 s1, s30  }
0xba: {  	s0 =	sor.u32 s3, s0;
	s1 =	sshll.u32 s1, $0x11  }
0xbb: {  	s0 =	sor.u32 s1, s0  }
0xbc: {  	s0 =	sadd.s32 $0x8F2B, s0  }
0xbd: {  	[sflag:s0] =	ssyncadd.remote.s32 $0x1  }
0xbe: {  	_ =	sfence.sel $0xFFFF  }
0xbf: {  	[dreg:$0x0] =	wrdreg $0xFFFFFFFF;
	(pc) =	sbr.abs _section_cstart, $3  }
0xc0: {  	[dreg:$0x1] =	wrdreg $0xFFFFFFFF  }
0xc1: {  	_ =	task.clear_ibuf [dreg:s6], $0x2FFFF;
	_ =	strace $0x9FFFFFFF  }
0xc2: {  	(tm) =	ssettm $0x7FFFFFFF  }
0xc3: {  	_ =	shalt  }
tec
execute0_lowered:
.L_overlay_start_1:
0x0: {  	(tag) =	ssettag $0x1  }
0x1: {  	s0 =	rddreg [dreg:$0x0];
	s15 =	simm.s32 $0x0  }
0x2: {  	[smem:$0x7FF] =	sst s15;
	s4 =	sadd.s32 $0x12C400, s0  }
0x3: {  	s1 =	rddreg [dreg:$0x1];
	s6 =	sadd.s32 $0x777E00, s0;
	s7 =	sadd.s32 $0x7A8C00, s0  }
0x4: {  	s5 =	stileid.u32;
	s8 =	sadd.s32 $0x7D9A00, s0;
	s9 =	sadd.s32 $0x80A800, s0  }
0x5: {  	s3 =	sadd.s32 $0xFB600, s0;
	s10 =	smul.u32 $0x61C00, s5;
	s11 =	sadd.s32 $0x15D200, s0  }
0x6: {  	s23 =	sadd.s32 $0x46AA00, s0;
	_ =	strace $0x8000004A;
	[dreg:$0x4] =	wrdreg s11  }
0x7: {  	s12 =	sadd.s32 $0x83B600, s0;
	[dreg:$0x5] =	wrdreg s23;
	s10 =	sshrl.u32 s10, $0x2  }
0x8: {  	s0 =	sadd.s32 $0x86C400, s0;
	[dreg:$0x6] =	wrdreg s12;
	s10 =	sadd.s32 s10, s1  }
0x9: {  	[dreg:$0x7] =	wrdreg s0;
	s13 =	sadd.s32 $0x2000, s10  }
0xa: {  	s2 =	srdreg.scid;
	s14 =	sadd.s32 $0x4000, s10;
	[dreg:$0x8] =	wrdreg s13  }
0xb: {  	s30 =	simm.s32 $0x400;
	s16 =	sadd.s32 $0x6000, s10;
	[dreg:$0x9] =	wrdreg s14  }
0xc: {  	s31 =	simm.s32 $0x3;
	s17 =	sadd.s32 $0x8000, s10;
	[dreg:$0xa] =	wrdreg s16  }
0xd: {  	s28 =	simm.s32 $0x1;
	s18 =	sadd.s32 $0xA000, s10;
	[dreg:$0xb] =	wrdreg s17  }
0xe: {  	s29 =	simm.s32 $0x2;
	s19 =	sadd.s32 $0xC000, s10;
	[dreg:$0xc] =	wrdreg s18  }
0xf: {  	s2 =	sand.u32 $0x1, s2;
	s20 =	sadd.s32 $0xE000, s10;
	[dreg:$0xd] =	wrdreg s19  }
0x10: {  	s26 =	smul.u32 $0x18700, s5;
	s21 =	sadd.s32 $0x10000, s10;
	[dreg:$0xe] =	wrdreg s20  }
0x11: {  	s24 =	ssub.s32 $0x2, s2;
	s22 =	sadd.s32 $0x12000, s10;
	[dreg:$0xf] =	wrdreg s21  }
0x12: {  	s25 =	sshrl.u32 s24, $0x1;
	s23 =	sadd.s32 $0x14000, s10;
	[dreg:$0x10] =	wrdreg s22  }
0x13: {  	s0 =	ssub.s32 s24, s25;
	s24 =	sadd.s32 $0x16000, s10;
	[dreg:$0x11] =	wrdreg s23  }
0x14: {  	p0 =	sne.s32 s2, $0x0;
	s25 =	sadd.s32 $0x18000, s10;
	[dreg:$0x12] =	wrdreg s24  }
0x15: {  	s12 =	simm.s32 $0x80;
	s0 =	smax.u32 s0, $0x1;
	[dreg:$0x13] =	wrdreg s25  }
0x16: {  	s16 =	sadd.s32 s26, s1;
	s26 =	sshrl.u32 s26, $0x3;
	[dreg:$0x16] =	wrdreg s0  }
.Ltmp0:
0x17: {  	s0 =	simm.s32 $0x200;
	s13 =	simm.s32 $0xC00;
	(pc) =	sbr.rel .LBB2_1-.Ltmp0, $4  }
0x18: {  	s14 =	simm.s32 $0x280;
	s17 =	simm.s32 $0x1400;
	s18 =	simm.s32 $0x300  }
0x19: {  	s19 =	simm.s32 $0x3400;
	s20 =	simm.s32 $0x180;
	s21 =	simm.s32 $0x1C00  }
0x1a: {  	v1 =	vlaneseq.u32;
	s22 =	simm.s32 $0x380;
	s23 =	simm.s32 $0x3C00;
	[dreg:$0x15] =	wrdreg s26  }
0x1b: {  	v0 =	vimm.f32 $0.0e+00;
	v1 =	vmul.u32 $0x200, v1;
	s24 =	simm.s32 $0x186A00;
	s25 =	simm.s32 $0x4400;
	[dreg:$0x14] =	wrdreg s16  }
.LBB2_15:
0x1c: {  	s2 =	rddreg [dreg:$0x7]  }
0x1d: {  	s15 =	rddreg [dreg:$0x3]  }
.LBB2_16:
0x1e: {  	s10 =	rddreg [dreg:$0x15];
	s16 =	sshll.u32 s5, $0x6;
	[bflag:$0x0] =	sbarrier.arrive $0xFFFF  }
0x1f: {  	s2 =	sadd.s32 s2, s10;
	s10 =	sor.u32 $0x1C03, s16;
	s16 =	rddreg [dreg:$0x14]  }
0x20: {  	s11 =	sshrl.u32 s16, $0x3  }
0x21: {  	[hbm:s2], [sflag:s10] =	dma.local [spmem:s11], $0x30E0  }
0x22: {  	_ =	swait.ge [sflag:s31], $0x30E0  }
0x23: {  	s15 =	sadd.s32 $0x1, s15;
	s26 =	rddreg [dreg:$0x16]  }
0x24: {  	p1 =	sne.s32 s15, s26  }
.Ltmp1:
0x25: {  	_ = 	snop;
	(pc) =	sbr.rel @!p1 .LBB2_17-.Ltmp1, $3  }
0x26: {  	_ =	sdelay $0x1  }
0x27: {  	[sflag:s31] =	ssyncset.done $0x0  }
0x28: {  	[sflag:s31] =	ssyncadd.s32 $0xFFFFCF20  }
.LBB2_1:
0x29: {  	[dreg:$0x3] =	wrdreg s15;
	s2 =	simm.s32 $0x40;
	s10 =	simm.s32 $0x0  }
.LBB2_2:
0x2a: {  	p1 =	sne.s32 s2, $0x7FC0;
	[tilespmem:s10+$0x400] =	vst v0;
	s10 =	smov.u32 s2;
	s2 =	sadd.s32 $0x40, s2  }
.Ltmp2:
0x2b: {  	(pc) =	sbr.rel @p1 .LBB2_2-.Ltmp2, $2  }
0x2c: {  	_ =	sdelay $0x2  }
0x2d: {  	s10 =	sshra.s32 s10, $0x2  }
0x2e: {  	[tilespmem:s10+$0x400] =	vst v0  }
0x2f: {  	[spmem:s16] =	stream.linear.scatter [tilespmem:s30], [sflag:$0x3], $0x2000, $0x38;
	[tilespmem:$0x1EB00] =	vst v63  }
0x30: {  	_ =	swait.ge [sflag:s31], $0x2000  }
0x31: {  	[sflag:s31] =	ssyncset.done $0x0  }
0x32: {  	s2 =	rddreg [dreg:$0x8];
	[sflag:s31] =	ssyncadd.s32 $0xFFFFE000  }
0x33: {  	[spmem:s2] =	stream.linear.scatter [tilespmem:s30], [sflag:$0x3], $0x2000, $0x38;
	[tilespmem:$0x1EB00] =	vst v63  }
0x34: {  	_ =	swait.ge [sflag:s31], $0x2000  }
0x35: {  	[sflag:s31] =	ssyncset.done $0x0  }
0x36: {  	s26 =	rddreg [dreg:$0x9];
	[sflag:s31] =	ssyncadd.s32 $0xFFFFE000  }
0x37: {  	[spmem:s26] =	stream.linear.scatter [tilespmem:s30], [sflag:$0x3], $0x2000, $0x38;
	[tilespmem:$0x1EB00] =	vst v63  }
0x38: {  	_ =	swait.ge [sflag:s31], $0x2000  }
0x39: {  	[sflag:s31] =	ssyncset.done $0x0  }
0x3a: {  	s10 =	rddreg [dreg:$0xa];
	[sflag:s31] =	ssyncadd.s32 $0xFFFFE000  }
0x3b: {  	[spmem:s10] =	stream.linear.scatter [tilespmem:s30], [sflag:$0x3], $0x2000, $0x38;
	[tilespmem:$0x1EB00] =	vst v63  }
0x3c: {  	_ =	swait.ge [sflag:s31], $0x2000  }
0x3d: {  	[sflag:s31] =	ssyncset.done $0x0  }
0x3e: {  	s11 =	rddreg [dreg:$0xb];
	[sflag:s31] =	ssyncadd.s32 $0xFFFFE000  }
0x3f: {  	[spmem:s11] =	stream.linear.scatter [tilespmem:s30], [sflag:$0x3], $0x2000, $0x38;
	[tilespmem:$0x1EB00] =	vst v63  }
0x40: {  	_ =	swait.ge [sflag:s31], $0x2000  }
0x41: {  	[sflag:s31] =	ssyncset.done $0x0  }
0x42: {  	s15 =	rddreg [dreg:$0xc];
	[sflag:s31] =	ssyncadd.s32 $0xFFFFE000  }
0x43: {  	[spmem:s15] =	stream.linear.scatter [tilespmem:s30], [sflag:$0x3], $0x2000, $0x38;
	[tilespmem:$0x1EB00] =	vst v63  }
0x44: {  	_ =	swait.ge [sflag:s31], $0x2000  }
0x45: {  	[sflag:s31] =	ssyncset.done $0x0  }
0x46: {  	s16 =	rddreg [dreg:$0xd];
	[sflag:s31] =	ssyncadd.s32 $0xFFFFE000  }
0x47: {  	[spmem:s16] =	stream.linear.scatter [tilespmem:s30], [sflag:$0x3], $0x2000, $0x38;
	[tilespmem:$0x1EB00] =	vst v63  }
0x48: {  	_ =	swait.ge [sflag:s31], $0x2000  }
0x49: {  	[sflag:s31] =	ssyncset.done $0x0  }
0x4a: {  	s26 =	rddreg [dreg:$0xe];
	[sflag:s31] =	ssyncadd.s32 $0xFFFFE000  }
0x4b: {  	[spmem:s26] =	stream.linear.scatter [tilespmem:s30], [sflag:$0x3], $0x2000, $0x38;
	[tilespmem:$0x1EB00] =	vst v63  }
0x4c: {  	_ =	swait.ge [sflag:s31], $0x2000  }
0x4d: {  	[sflag:s31] =	ssyncset.done $0x0  }
0x4e: {  	s10 =	rddreg [dreg:$0xf];
	[sflag:s31] =	ssyncadd.s32 $0xFFFFE000  }
0x4f: {  	[spmem:s10] =	stream.linear.scatter [tilespmem:s30], [sflag:$0x3], $0x2000, $0x38;
	[tilespmem:$0x1EB00] =	vst v63  }
0x50: {  	_ =	swait.ge [sflag:s31], $0x2000  }
0x51: {  	[sflag:s31] =	ssyncset.done $0x0  }
0x52: {  	s11 =	rddreg [dreg:$0x10];
	[sflag:s31] =	ssyncadd.s32 $0xFFFFE000  }
0x53: {  	[spmem:s11] =	stream.linear.scatter [tilespmem:s30], [sflag:$0x3], $0x2000, $0x38;
	[tilespmem:$0x1EB00] =	vst v63  }
0x54: {  	_ =	swait.ge [sflag:s31], $0x2000  }
0x55: {  	[sflag:s31] =	ssyncset.done $0x0  }
0x56: {  	s15 =	rddreg [dreg:$0x11];
	[sflag:s31] =	ssyncadd.s32 $0xFFFFE000  }
0x57: {  	[spmem:s15] =	stream.linear.scatter [tilespmem:s30], [sflag:$0x3], $0x2000, $0x38;
	[tilespmem:$0x1EB00] =	vst v63  }
0x58: {  	_ =	swait.ge [sflag:s31], $0x2000  }
0x59: {  	[sflag:s31] =	ssyncset.done $0x0  }
0x5a: {  	s16 =	rddreg [dreg:$0x12];
	[sflag:s31] =	ssyncadd.s32 $0xFFFFE000  }
0x5b: {  	[spmem:s16] =	stream.linear.scatter [tilespmem:s30], [sflag:$0x3], $0x2000, $0x38;
	[tilespmem:$0x1EB00] =	vst v63  }
0x5c: {  	_ =	swait.ge [sflag:s31], $0x2000  }
0x5d: {  	[sflag:s31] =	ssyncset.done $0x0  }
0x5e: {  	s26 =	rddreg [dreg:$0x13];
	[sflag:s31] =	ssyncadd.s32 $0xFFFFE000  }
0x5f: {  	[spmem:s26] =	stream.linear.scatter [tilespmem:s30], [sflag:$0x3], $0x700, $0x38;
	[tilespmem:$0x1EB00] =	vst v63  }
.Ltmp3:
0x60: {  	_ =	swait.ge [sflag:s31], $0x700;
	(pc) =	sbr.rel @p0 .LBB2_10-.Ltmp3, $4  }
.Ltmp4:
0x61: {  	[sflag:s31] =	ssyncset.done $0x0;
	(pc) =	sbr.rel @!p0 .LBB2_4-.Ltmp4, $4  }
0x62: {  	[sflag:s31] =	ssyncadd.s32 $0xFFFFF900  }
0x63: {  	[bflag:$0x0] =	sbarrier.arrive $0xFFFF  }
0x64: {  	s26 =	simm.s32 $0x0  }
0x65: {  	_ = 	snop  }
.LBB2_8:
0x66: {  	s26 =	sadd.s32 $0x1, s26  }
0x67: {  	p1 =	seq.s32 s26, $0xC4  }
.Ltmp5:
0x68: {  	_ = 	snop;
	(pc) =	sbr.rel @p1 .LBB2_9-.Ltmp5, $1  }
0x69: {  	_ =	sdelay $0x3  }
.LBB2_4:
0x6a: {  	s2 =	sshll.u32 s26, $0x4  }
0x6b: {  	s2 =	sor.u32 s5, s2  }
0x6c: {  	p1 =	sgt.u32 s2, $0xC34  }
.Ltmp6:
0x6d: {  	_ = 	snop;
	(pc) =	sbr.rel @p1 .LBB2_8-.Ltmp6, $1  }
0x6e: {  	_ =	sdelay $0x3  }
0x6f: {  	s11 =	sshll.u32 s2, $0x6  }
0x70: {  	s15 =	simm.s32 $0x0;
	s2 =	sadd.s32 s3, s11  }
0x71: {  	[tilespmem:s15], [sflag:$0x3] =	stream.linear.gather [hbm4b:s2+s15], $0x200, $0x38;
	[tilespmem:$0x1EB00] =	vst v63  }
0x72: {  	_ =	swait.ge [sflag:s31], $0x200  }
0x73: {  	[sflag:s31] =	ssyncset.done $0x0  }
0x74: {  	s10 =	sadd.s32 s4, s11;
	[sflag:s31] =	ssyncadd.s32 $0xFFFFFE00  }
0x75: {  	[tilespmem:s0], [sflag:$0x3] =	stream.linear.gather [hbm4b:s10+s15], $0x200, $0x38;
	[tilespmem:$0x1EB00] =	vst v63  }
0x76: {  	_ =	swait.ge [sflag:s31], $0x200  }
0x77: {  	[sflag:s31] =	ssyncset.done $0x0  }
0x78: {  	s2 =	simm.s32 $0x400;
	[sflag:s31] =	ssyncadd.s32 $0xFFFFFE00  }
0x79: {  	[tilespmem:s2], [sflag:$0x1] =	stream.indirect.gather [hbm4b:s6+s12], $0x10, s15, s12, $0xb8;
	[tilespmem:$0x1EB00] =	vst v63  }
0x7a: {  	s10 =	simm.s32 $0x2400  }
0x7b: {  	[tilespmem:s10], [sflag:$0x1] =	stream.indirect.gather [hbm4b:s8+s12], $0x10, s0, s12, $0xb8;
	[tilespmem:$0x1EB00] =	vst v63  }
0x7c: {  	_ = 	snop  }
0x7d: {  	[tilespmem:s13], [sflag:$0x1] =	stream.indirect.gather [hbm4b:s6+s12], $0x10, s12, s12, $0xb8;
	[tilespmem:$0x1EB00] =	vst v63  }
0x7e: {  	s16 =	simm.s32 $0x2C00  }
0x7f: {  	[tilespmem:s16], [sflag:$0x1] =	stream.indirect.gather [hbm4b:s8+s12], $0x10, s14, s12, $0xb8;
	[tilespmem:$0x1EB00] =	vst v63  }
0x80: {  	s16 =	simm.s32 $0x100  }
0x81: {  	[tilespmem:s17], [sflag:$0x1] =	stream.indirect.gather [hbm4b:s6+s12], $0x10, s16, s12, $0xb8;
	[tilespmem:$0x1EB00] =	vst v63  }
0x82: {  	_ = 	snop  }
0x83: {  	[tilespmem:s19], [sflag:$0x1] =	stream.indirect.gather [hbm4b:s8+s12], $0x10, s18, s12, $0xb8;
	[tilespmem:$0x1EB00] =	vst v63  }
0x84: {  	_ = 	snop  }
0x85: {  	[tilespmem:s21], [sflag:$0x1] =	stream.indirect.gather [hbm4b:s6+s12], $0x10, s20, s12, $0xb8;
	[tilespmem:$0x1EB00] =	vst v63  }
0x86: {  	s16 =	rddreg [dreg:$0x4]  }
0x87: {  	[tilespmem:s23], [sflag:$0x1] =	stream.indirect.gather [hbm4b:s8+s12], $0x10, s22, s12, $0xb8;
	[tilespmem:$0x1EB00] =	vst v63  }
0x88: {  	s11 =	sadd.s32 s16, s11  }
0x89: {  	[tilespmem:s25], [sflag:$0x1] =	stream.strided.gather [hbm4b:s11+s0], $0x2000, s24, s0, $0x38;
	[tilespmem:$0x1EB00] =	vst v63  }
0x8a: {  	_ =	swait.ge [sflag:s28], $0x800  }
0x8b: {  	[sflag:s28] =	ssyncset.done $0x0  }
0x8c: {  	[sflag:s28] =	ssyncadd.s32 $0xFFFFF800  }
0x8d: {  	_ =	swait.ge [sflag:s28], $0x800  }
0x8e: {  	[sflag:s28] =	ssyncset.done $0x0  }
0x8f: {  	[sflag:s28] =	ssyncadd.s32 $0xFFFFF800  }
0x90: {  	_ =	swait.ge [sflag:s28], $0x800  }
0x91: {  	[sflag:s28] =	ssyncset.done $0x0  }
0x92: {  	[sflag:s28] =	ssyncadd.s32 $0xFFFFF800  }
0x93: {  	_ =	swait.ge [sflag:s28], $0x800  }
0x94: {  	[sflag:s28] =	ssyncset.done $0x0  }
0x95: {  	[sflag:s28] =	ssyncadd.s32 $0xFFFFF800  }
0x96: {  	_ =	swait.ge [sflag:s28], $0x800  }
0x97: {  	[sflag:s28] =	ssyncset.done $0x0  }
0x98: {  	[sflag:s28] =	ssyncadd.s32 $0xFFFFF800  }
0x99: {  	_ =	swait.ge [sflag:s28], $0x800  }
0x9a: {  	[sflag:s28] =	ssyncset.done $0x0  }
0x9b: {  	[sflag:s28] =	ssyncadd.s32 $0xFFFFF800  }
0x9c: {  	_ =	swait.ge [sflag:s28], $0x800  }
0x9d: {  	[sflag:s28] =	ssyncset.done $0x0  }
0x9e: {  	[sflag:s28] =	ssyncadd.s32 $0xFFFFF800  }
0x9f: {  	v2 =	vmov s15;
	_ =	swait.ge [sflag:s28], $0x800  }
0xa0: {  	v2 =	vand.u32 $0x1FF, v2;
	[sflag:s28] =	ssyncset.done $0x0  }
0xa1: {  	v2 =	vbroadcast v2, $0x0;
	[sflag:s28] =	ssyncadd.s32 $0xFFFFF800  }
0xa2: {  	_ =	swait.ge [sflag:s28], $0x2000  }
0xa3: {  	v3 =	vor.u32 v1, v2;
	[sflag:s28] =	ssyncset.done $0x0  }
0xa4: {  	[sflag:s28] =	ssyncadd.s32 $0xFFFFE000  }
0xa5: {  	v2 =	vld [tilespmem:s2+$0x0]  }
0xa6: {  	v4 =	vld [tilespmem:s10+$0x0];
	_ =	sdelay $0x1  }
0xa7: {  	v3 =	vld.idx.msk [tilespmem:v3+s25+$0x0], $0xffff  }
0xa8: {  	s16 =	simm.s32 $0x1  }
0xa9: {  	v5 =	vmov s16;
	s11 =	simm.s32 $0x2  }
.LBB2_6:
0xaa: {  	p1 =	sne.s32 s11, $0x1FF;
	v5 =	vand.u32 $0x1FF, v5;
	v2 =	vadd.f32 v4, v2  }
0xab: {  	v4 =	vbroadcast v5, $0x0  }
0xac: {  	v2 =	vadd.f32 v2, v3  }
0xad: {  	v3 =	vor.u32 v1, v4  }
0xae: {  	v2 =	vmax.f32 v2, $0.0e+00  }
0xaf: {  	[tilespmem:s2+$0x0] =	vst v2;
	s2 =	sadd.s32 $0x10, s2  }
0xb0: {  	s10 =	sadd.s32 $0x10, s10;
	v2 =	vld [tilespmem:s2+$0x0]  }
.Ltmp7:
0xb1: {  	v4 =	vld [tilespmem:s10+$0x0];
	(pc) =	sbr.rel @p1 .LBB2_6-.Ltmp7, $2  }
0xb2: {  	v3 =	vld.idx.msk [tilespmem:v3+s25+$0x0], $0xffff;
	_ =	sdelay $0x2  }
0xb3: {  	v5 =	vmov s11;
	s11 =	sadd.s32 $0x1, s11  }
0xb4: {  	v2 =	vadd.f32 v4, v2  }
0xb5: {  	v62 =	vand.u32 $0x1FF, v5  }
0xb6: {  	v4 =	vbroadcast v62, $0x0;
	v2 =	vadd.f32 v2, v3;
	_ =	sdelay $0x1  }
0xb7: {  	v3 =	vor.u32 v1, v4;
	v2 =	vmax.f32 v2, $0.0e+00  }
0xb8: {  	s16 =	sadd.s32 $0x10, s2;
	[tilespmem:s2+$0x0] =	vst v2  }
0xb9: {  	s10 =	sadd.s32 $0x10, s10;
	v2 =	vld [tilespmem:s16+$0x0]  }
0xba: {  	v63 =	vld [tilespmem:s10+$0x0];
	_ =	sdelay $0x1  }
0xbb: {  	v3 =	vld.idx.msk [tilespmem:v3+s25+$0x0], $0xffff;
	_ =	sdelay $0x2  }
0xbc: {  	v2 =	vadd.f32 v63, v2;
	_ =	sdelay $0x1  }
0xbd: {  	v2 =	vadd.f32 v2, v3;
	_ =	sdelay $0x1  }
0xbe: {  	v2 =	vmax.f32 v2, $0.0e+00  }
0xbf: {  	[tilespmem:s16+$0x0] =	vst v2  }
0xc0: {  	[spmem:s1] =	stream.indirect.scatter.add.f32 [tilespmem:s30], [sflag:$0x2], $0x10, s0, s12, $0xb8;
	[tilespmem:$0x1EB00] =	vst v63  }
0xc1: {  	_ = 	snop  }
0xc2: {  	[spmem:s1] =	stream.indirect.scatter.add.f32 [tilespmem:s13], [sflag:$0x2], $0x10, s14, s12, $0xb8;
	[tilespmem:$0x1EB00] =	vst v63  }
0xc3: {  	_ = 	snop  }
0xc4: {  	[spmem:s1] =	stream.indirect.scatter.add.f32 [tilespmem:s17], [sflag:$0x2], $0x10, s18, s12, $0xb8;
	[tilespmem:$0x1EB00] =	vst v63  }
0xc5: {  	_ = 	snop  }
0xc6: {  	[spmem:s1] =	stream.indirect.scatter.add.f32 [tilespmem:s21], [sflag:$0x2], $0x10, s22, s12, $0xb8;
	[tilespmem:$0x1EB00] =	vst v63  }
0xc7: {  	_ =	swait.ge [sflag:s29], $0x800  }
0xc8: {  	[sflag:s29] =	ssyncset.done $0x0  }
0xc9: {  	[sflag:s29] =	ssyncadd.s32 $0xFFFFF800  }
0xca: {  	_ =	swait.ge [sflag:s29], $0x800  }
0xcb: {  	[sflag:s29] =	ssyncset.done $0x0  }
0xcc: {  	[sflag:s29] =	ssyncadd.s32 $0xFFFFF800  }
0xcd: {  	_ =	swait.ge [sflag:s29], $0x800  }
.Ltmp8:
0xce: {  	[sflag:s29] =	ssyncset.done $0x0;
	(pc) =	sbr.rel .LBB2_8-.Ltmp8, $4  }
0xcf: {  	[sflag:s29] =	ssyncadd.s32 $0xFFFFF800  }
0xd0: {  	_ =	swait.ge [sflag:s29], $0x800  }
0xd1: {  	[sflag:s29] =	ssyncset.done $0x0  }
0xd2: {  	[sflag:s29] =	ssyncadd.s32 $0xFFFFF800  }
.LBB2_13:
0xd3: {  	v2 =	vadd.f32 v4, v2  }
0xd4: {  	v62 =	vand.u32 $0x1FF, v5  }
0xd5: {  	v4 =	vbroadcast v62, $0x0;
	v2 =	vadd.f32 v2, v3;
	_ =	sdelay $0x1  }
0xd6: {  	v3 =	vor.u32 v1, v4;
	v2 =	vmax.f32 v2, $0.0e+00  }
0xd7: {  	s16 =	sadd.s32 $0x10, s2;
	[tilespmem:s2+$0x0] =	vst v2  }
0xd8: {  	s10 =	sadd.s32 $0x10, s10;
	v2 =	vld [tilespmem:s16+$0x0]  }
0xd9: {  	v63 =	vld [tilespmem:s10+$0x0];
	_ =	sdelay $0x1  }
0xda: {  	v3 =	vld.idx.msk [tilespmem:v3+s25+$0x0], $0xffff;
	_ =	sdelay $0x2  }
0xdb: {  	v2 =	vadd.f32 v63, v2;
	_ =	sdelay $0x1  }
0xdc: {  	v2 =	vadd.f32 v2, v3;
	_ =	sdelay $0x1  }
0xdd: {  	v2 =	vmax.f32 v2, $0.0e+00  }
0xde: {  	[tilespmem:s16+$0x0] =	vst v2  }
0xdf: {  	[spmem:s1] =	stream.indirect.scatter.add.f32 [tilespmem:s30], [sflag:$0x2], $0x10, s0, s12, $0xb8;
	[tilespmem:$0x1EB00] =	vst v63  }
0xe0: {  	_ = 	snop  }
0xe1: {  	[spmem:s1] =	stream.indirect.scatter.add.f32 [tilespmem:s13], [sflag:$0x2], $0x10, s14, s12, $0xb8;
	[tilespmem:$0x1EB00] =	vst v63  }
0xe2: {  	_ = 	snop  }
0xe3: {  	[spmem:s1] =	stream.indirect.scatter.add.f32 [tilespmem:s17], [sflag:$0x2], $0x10, s18, s12, $0xb8;
	[tilespmem:$0x1EB00] =	vst v63  }
0xe4: {  	_ = 	snop  }
0xe5: {  	[spmem:s1] =	stream.indirect.scatter.add.f32 [tilespmem:s21], [sflag:$0x2], $0x10, s22, s12, $0xb8;
	[tilespmem:$0x1EB00] =	vst v63  }
0xe6: {  	_ =	swait.ge [sflag:s29], $0x800  }
0xe7: {  	[sflag:s29] =	ssyncset.done $0x0  }
0xe8: {  	[sflag:s29] =	ssyncadd.s32 $0xFFFFF800  }
0xe9: {  	_ =	swait.ge [sflag:s29], $0x800  }
0xea: {  	[sflag:s29] =	ssyncset.done $0x0  }
0xeb: {  	[sflag:s29] =	ssyncadd.s32 $0xFFFFF800  }
0xec: {  	_ =	swait.ge [sflag:s29], $0x800  }
0xed: {  	[sflag:s29] =	ssyncset.done $0x0  }
0xee: {  	[sflag:s29] =	ssyncadd.s32 $0xFFFFF800  }
0xef: {  	_ =	swait.ge [sflag:s29], $0x800  }
0xf0: {  	[sflag:s29] =	ssyncset.done $0x0  }
0xf1: {  	[sflag:s29] =	ssyncadd.s32 $0xFFFFF800  }
.LBB2_14:
0xf2: {  	s26 =	sadd.s32 $0x1, s26  }
0xf3: {  	p1 =	sne.s32 s26, $0xC4  }
.Ltmp9:
0xf4: {  	_ = 	snop;
	(pc) =	sbr.rel @!p1 .LBB2_15-.Ltmp9, $1  }
0xf5: {  	_ =	sdelay $0x3  }
.LBB2_10:
0xf6: {  	s2 =	sshll.u32 s26, $0x4  }
0xf7: {  	s2 =	sor.u32 s5, s2  }
0xf8: {  	p1 =	sgt.u32 s2, $0xC34  }
.Ltmp10:
0xf9: {  	_ = 	snop;
	(pc) =	sbr.rel @p1 .LBB2_14-.Ltmp10, $1  }
0xfa: {  	_ =	sdelay $0x3  }
0xfb: {  	s11 =	sshll.u32 s2, $0x6  }
0xfc: {  	s15 =	simm.s32 $0x0;
	s2 =	sadd.s32 s3, s11  }
0xfd: {  	[tilespmem:s15], [sflag:$0x3] =	stream.linear.gather [hbm4b:s2+s15], $0x200, $0x38;
	[tilespmem:$0x1EB00] =	vst v63  }
0xfe: {  	_ =	swait.ge [sflag:s31], $0x200  }
0xff: {  	[sflag:s31] =	ssyncset.done $0x0  }
0x100: {  	s10 =	sadd.s32 s4, s11;
	[sflag:s31] =	ssyncadd.s32 $0xFFFFFE00  }
0x101: {  	[tilespmem:s0], [sflag:$0x3] =	stream.linear.gather [hbm4b:s10+s15], $0x200, $0x38;
	[tilespmem:$0x1EB00] =	vst v63  }
0x102: {  	_ =	swait.ge [sflag:s31], $0x200  }
0x103: {  	[sflag:s31] =	ssyncset.done $0x0  }
0x104: {  	s2 =	simm.s32 $0x400;
	[sflag:s31] =	ssyncadd.s32 $0xFFFFFE00  }
0x105: {  	[tilespmem:s2], [sflag:$0x1] =	stream.indirect.gather [hbm4b:s7+s12], $0x10, s15, s12, $0xb8;
	[tilespmem:$0x1EB00] =	vst v63  }
0x106: {  	s10 =	simm.s32 $0x2400  }
0x107: {  	[tilespmem:s10], [sflag:$0x1] =	stream.indirect.gather [hbm4b:s9+s12], $0x10, s0, s12, $0xb8;
	[tilespmem:$0x1EB00] =	vst v63  }
0x108: {  	_ = 	snop  }
0x109: {  	[tilespmem:s13], [sflag:$0x1] =	stream.indirect.gather [hbm4b:s7+s12], $0x10, s12, s12, $0xb8;
	[tilespmem:$0x1EB00] =	vst v63  }
0x10a: {  	s16 =	simm.s32 $0x2C00  }
0x10b: {  	[tilespmem:s16], [sflag:$0x1] =	stream.indirect.gather [hbm4b:s9+s12], $0x10, s14, s12, $0xb8;
	[tilespmem:$0x1EB00] =	vst v63  }
0x10c: {  	s16 =	simm.s32 $0x100  }
0x10d: {  	[tilespmem:s17], [sflag:$0x1] =	stream.indirect.gather [hbm4b:s7+s12], $0x10, s16, s12, $0xb8;
	[tilespmem:$0x1EB00] =	vst v63  }
0x10e: {  	_ = 	snop  }
0x10f: {  	[tilespmem:s19], [sflag:$0x1] =	stream.indirect.gather [hbm4b:s9+s12], $0x10, s18, s12, $0xb8;
	[tilespmem:$0x1EB00] =	vst v63  }
0x110: {  	_ = 	snop  }
0x111: {  	[tilespmem:s21], [sflag:$0x1] =	stream.indirect.gather [hbm4b:s7+s12], $0x10, s20, s12, $0xb8;
	[tilespmem:$0x1EB00] =	vst v63  }
0x112: {  	s16 =	rddreg [dreg:$0x5]  }
0x113: {  	[tilespmem:s23], [sflag:$0x1] =	stream.indirect.gather [hbm4b:s9+s12], $0x10, s22, s12, $0xb8;
	[tilespmem:$0x1EB00] =	vst v63  }
0x114: {  	s11 =	sadd.s32 s16, s11  }
0x115: {  	[tilespmem:s25], [sflag:$0x1] =	stream.strided.gather [hbm4b:s11+s0], $0x2000, s24, s0, $0x38;
	[tilespmem:$0x1EB00] =	vst v63  }
0x116: {  	_ =	swait.ge [sflag:s28], $0x800  }
0x117: {  	[sflag:s28] =	ssyncset.done $0x0  }
0x118: {  	[sflag:s28] =	ssyncadd.s32 $0xFFFFF800  }
0x119: {  	_ =	swait.ge [sflag:s28], $0x800  }
0x11a: {  	[sflag:s28] =	ssyncset.done $0x0  }
0x11b: {  	[sflag:s28] =	ssyncadd.s32 $0xFFFFF800  }
0x11c: {  	_ =	swait.ge [sflag:s28], $0x800  }
0x11d: {  	[sflag:s28] =	ssyncset.done $0x0  }
0x11e: {  	[sflag:s28] =	ssyncadd.s32 $0xFFFFF800  }
0x11f: {  	_ =	swait.ge [sflag:s28], $0x800  }
0x120: {  	[sflag:s28] =	ssyncset.done $0x0  }
0x121: {  	[sflag:s28] =	ssyncadd.s32 $0xFFFFF800  }
0x122: {  	_ =	swait.ge [sflag:s28], $0x800  }
0x123: {  	[sflag:s28] =	ssyncset.done $0x0  }
0x124: {  	[sflag:s28] =	ssyncadd.s32 $0xFFFFF800  }
0x125: {  	_ =	swait.ge [sflag:s28], $0x800  }
0x126: {  	[sflag:s28] =	ssyncset.done $0x0  }
0x127: {  	[sflag:s28] =	ssyncadd.s32 $0xFFFFF800  }
0x128: {  	_ =	swait.ge [sflag:s28], $0x800  }
0x129: {  	[sflag:s28] =	ssyncset.done $0x0  }
0x12a: {  	[sflag:s28] =	ssyncadd.s32 $0xFFFFF800  }
0x12b: {  	v2 =	vmov s15;
	_ =	swait.ge [sflag:s28], $0x800  }
0x12c: {  	v2 =	vand.u32 $0x1FF, v2;
	[sflag:s28] =	ssyncset.done $0x0  }
0x12d: {  	v2 =	vbroadcast v2, $0x0;
	[sflag:s28] =	ssyncadd.s32 $0xFFFFF800  }
0x12e: {  	_ =	swait.ge [sflag:s28], $0x2000  }
0x12f: {  	v3 =	vor.u32 v1, v2;
	[sflag:s28] =	ssyncset.done $0x0  }
0x130: {  	[sflag:s28] =	ssyncadd.s32 $0xFFFFE000  }
0x131: {  	v2 =	vld [tilespmem:s2+$0x0]  }
0x132: {  	v4 =	vld [tilespmem:s10+$0x0];
	_ =	sdelay $0x1  }
0x133: {  	v3 =	vld.idx.msk [tilespmem:v3+s25+$0x0], $0xffff  }
0x134: {  	s16 =	simm.s32 $0x1  }
0x135: {  	v5 =	vmov s16;
	s11 =	simm.s32 $0x2  }
.LBB2_12:
0x136: {  	p1 =	sne.s32 s11, $0x1FF;
	v5 =	vand.u32 $0x1FF, v5;
	v2 =	vadd.f32 v4, v2  }
0x137: {  	v4 =	vbroadcast v5, $0x0  }
0x138: {  	v2 =	vadd.f32 v2, v3  }
0x139: {  	v3 =	vor.u32 v1, v4  }
0x13a: {  	v2 =	vmax.f32 v2, $0.0e+00  }
0x13b: {  	[tilespmem:s2+$0x0] =	vst v2;
	s2 =	sadd.s32 $0x10, s2  }
0x13c: {  	s10 =	sadd.s32 $0x10, s10;
	v2 =	vld [tilespmem:s2+$0x0]  }
.Ltmp11:
0x13d: {  	v4 =	vld [tilespmem:s10+$0x0];
	(pc) =	sbr.rel @p1 .LBB2_12-.Ltmp11, $2  }
0x13e: {  	v3 =	vld.idx.msk [tilespmem:v3+s25+$0x0], $0xffff;
	_ =	sdelay $0x2  }
0x13f: {  	v5 =	vmov s11;
	s11 =	sadd.s32 $0x1, s11  }
.Ltmp12:
0x140: {  	_ = 	snop;
	(pc) =	sbr.rel .LBB2_13-.Ltmp12, $1  }
0x141: {  	_ =	sdelay $0x3  }
.LBB2_9:
.Ltmp13:
0x142: {  	(pc) =	sbr.rel .LBB2_16-.Ltmp13, $3  }
0x143: {  	_ =	sdelay $0x1  }
0x144: {  	s2 =	rddreg [dreg:$0x6]  }
0x145: {  	s15 =	rddreg [dreg:$0x3]  }
.LBB2_17:
0x146: {  	_ =	sfence.sel $0x180000  }
0x147: {  	[bflag:$0x0] =	sbarrier.arrive $0xFFFF  }
0x148: {  	_ =	strace $0x9000004A  }
0x149: {  	[bflag:$0x2] =	sbarrier.arrive $0xFFFF  }
0x14a: {  	p0 =	sne.s32 s5, $0x0;
	s0 =	rddreg [dreg:$0x2]  }
0x14b: {  	s0 =	sadd.s32 @!p0 $0x100000, s0  }
0x14c: {  	[sflag:s0] =	ssyncadd.tile.s32 @!p0 $0x1;
	_ =	shalt  }
.Lfunc_end2:
_tile_overlayer_lowered:
.L_overlay_start_2:
0x14d: {  	(tag) =	ssettag $0x2  }
0x14e: {  	s0 =	rddreg [dreg:$0x0];
	s2 =	stileid.u32  }
0x14f: {  	s1 =	rddreg [dreg:$0x1];
	p0 =	sne.s32 s2, $0x0  }
0x150: {  	s3 =	rddreg [dreg:$0x2];
	[bflag:$0x3] =	sbarrier.arrive $0xFFFF;
	s2 =	simm.s32 @!p0 $0x1C03  }
0x151: {  	[timem:s3], [sflag:s2] =	dma.local @!p0 [hbm:s0], s1  }
0x152: {  	s0 =	simm.s32 @!p0 $0x3  }
0x153: {  	_ =	swait.ge @!p0 [sflag:s0], s1  }
0x154: {  	s1 =	ssub.s32 @!p0 $0x0, s1;
	[sflag:s0] =	ssyncset.done @!p0 $0x0  }
0x155: {  	[sflag:s0] =	ssyncadd.s32 @!p0 s1  }
0x156: {  	[bflag:$0x3] =	sbarrier.arrive $0xFFFF  }
0x157: {  	_ =	shalt  }

// kernel: kernel.7.cloned.1.call-start
scs
__scs_entry_jumppad:
0x0: {  	(pc) =	sbr.rel $0x88, $3  }
0x1: {  	(tag) =	ssettag $0x0;
	lr =	simm.s32 $0x1  }
0x2: {  	[smem:$0x3F93] =	sst lr;
	_ =	strace $0xD0000000  }
0x3: {  	_ = 	snop  }
0x4: {  	_ = 	snop  }
0x5: {  	_ = 	snop  }
0x6: {  	_ = 	snop  }
0x7: {  	_ = 	snop  }
__scs_overlays_trampoline_lowered:
0x8: {  	[smem:$0x3FA2] =	sst s0  }
0x9: {  	[smem:$0x3FA3] =	sst s1  }
0xa: {  	[smem:$0x3FA4] =	sst s2  }
0xb: {  	[smem:$0x3FA5] =	sst s3  }
0xc: {  	[smem:$0x3FA6] =	sst s4  }
0xd: {  	[smem:$0x3FA7] =	sst s5  }
0xe: {  	[smem:$0x3FA8] =	sst s6  }
0xf: {  	[smem:$0x3FA9] =	sst s7  }
0x10: {  	[smem:$0x3FAA] =	sst s8  }
0x11: {  	[smem:$0x3FAB] =	sst s9;
	s0 =	simm.s32 @!p0 $0x0  }
0x12: {  	s1 =	sld [smem:$0x3F91];
	s0 =	simm.s32 @p0 $0x1  }
0x13: {  	[smem:$0x3FAC] =	sst s0;
	s0 =	simm.s32 @!p1 $0x0  }
0x14: {  	s2 =	sld [smem:$0x3F90];
	s0 =	simm.s32 @p1 $0x1  }
0x15: {  	[smem:$0x3FAD] =	sst s0;
	s0 =	simm.s32 @!p2 $0x0  }
0x16: {  	s3 =	sld [smem:$0x3FDB];
	s0 =	simm.s32 @p2 $0x1  }
0x17: {  	s4 =	simm.s32 $0x1BF5;
	[smem:$0x3FAF] =	sst s0  }
0x18: {  	s0 =	sld [smem:$0x3F92];
	_ =	swait.ge [sflag:s4], $0x0  }
0x19: {  	s7 =	sld [smem:$0x3F93]  }
0x1a: {  	s8 =	sadd.s32 $0xFFFFE003, lr  }
0x1b: {  	s9 =	sadd.s32 $0xFFFFFEF7, lr;
	s5 =	simm.s32 $0xFFFFFFFF;
	p2 =	slt.u32 s8, $0xFFFFF086  }
0x1c: {  	p1 =	slt.u32 s9, $0xF7A;
	s5 =	simm.s32 @!p2 $0x0  }
0x1d: {  	s5 =	simm.s32 @p1 $0x1;
	p0 =	seq.s32 s7, s2  }
0x1e: {  	s7 =	smul.u32 @!p0 $0xF7A, s2;
	p2 =	seq.s32 @!p0 s5, $0x0  }
0x1f: {  	s9 =	smul.u32 $0xF7A, s1;
	s8 =	simm.s32 @!p0 $0x1BF5;
	p2 =	por !p2, p0  }
0x20: {  	[sflag:s8] =	ssyncset.s32 @!p0 $0xFFFFF086;
	s6 =	sadd.s32 @!p0 s3, s7;
	s7 =	simm.s32 @!p0 $0x108  }
0x21: {  	s3 =	sadd.s32 s3, s9;
	s6 =	sadd.s32 @!p0 $0x88, s6;
	s7 =	simm.s32 @p2 $0x1082  }
0x22: {  	[simem:s7], [sflag:s8] =	dma.local @!p0 [hbm:s6], $0xF7A  }
0x23: {  	s9 =	sor.u32 $0xD0000000, s2;
	s6 =	simm.s32 $0x108;
	_ =	swait.ge @!p0 [sflag:s8], $0x0  }
0x24: {  	s3 =	sadd.s32 $0x88, s3;
	s6 =	simm.s32 @!p1 $0x1082;
	[sflag:s4] =	ssyncset.s32 $0xFFFFF086  }
0x25: {  	[simem:s6], [sflag:s4] =	dma.local [hbm:s3], $0xF7A  }
0x26: {  	[smem:$0x3F93] =	sst s1;
	(tag) =	ssettag s2;
	_ =	strace s9  }
0x27: {  	s1 =	sld [smem:$0x3FA3]  }
0x28: {  	s2 =	sld [smem:$0x3FA4]  }
0x29: {  	s4 =	sld [smem:$0x3FA6]  }
0x2a: {  	p0 =	seq.s32 s5, $0x0;
	s5 =	sld [smem:$0x3FA7]  }
0x2b: {  	s6 =	sld [smem:$0x3FA8]  }
0x2c: {  	s7 =	sld [smem:$0x3FA9]  }
0x2d: {  	s3 =	simm.s32 $0x108;
	s8 =	sld [smem:$0x3FAA]  }
0x2e: {  	s3 =	simm.s32 @!p0 $0x1082;
	s9 =	sld [smem:$0x3FAB]  }
0x2f: {  	lr =	sadd.s32 s0, s3;
	s0 =	sld [smem:$0x3FA2]  }
0x30: {  	s3 =	sld [smem:$0x3FA5]  }
0x31: {  	[smem:$0x3FAE] =	sst s10  }
0x32: {  	s10 =	sld [smem:$0x3FAC];
	_ =	sdelay $0x3  }
0x33: {  	p0 =	seq.s32 s10, $0x1;
	s10 =	sld [smem:$0x3FAE];
	_ =	sdelay $0x3  }
0x34: {  	[smem:$0x3FAE] =	sst s10  }
0x35: {  	s10 =	sld [smem:$0x3FAD];
	_ =	sdelay $0x3  }
0x36: {  	p1 =	seq.s32 s10, $0x1;
	s10 =	sld [smem:$0x3FAE];
	_ =	sdelay $0x3  }
0x37: {  	[smem:$0x3FAE] =	sst s10  }
0x38: {  	s10 =	sld [smem:$0x3FAF]  }
0x39: {  	_ = 	snop;
	(pc) =	sbr.ind lr, $3  }
0x3a: {  	_ = 	snop  }
0x3b: {  	_ = 	snop  }
0x3c: {  	p2 =	seq.s32 s10, $0x1;
	s10 =	sld [smem:$0x3FAE]  }
0x3d: {  	_ =	shalt  }
0x3e: {  	_ =	shalt  }
0x3f: {  	_ =	shalt  }
0x40: {  	_ =	shalt  }
0x41: {  	_ =	shalt  }
0x42: {  	_ =	shalt  }
0x43: {  	_ =	shalt  }
0x44: {  	_ =	shalt  }
0x45: {  	_ =	shalt  }
0x46: {  	_ =	shalt  }
0x47: {  	_ =	shalt  }
0x48: {  	_ =	shalt  }
0x49: {  	_ =	shalt  }
0x4a: {  	_ =	shalt  }
0x4b: {  	_ =	shalt  }
0x4c: {  	_ =	shalt  }
0x4d: {  	_ =	shalt  }
0x4e: {  	_ =	shalt  }
0x4f: {  	_ =	shalt  }
0x50: {  	_ =	shalt  }
0x51: {  	_ =	shalt  }
0x52: {  	_ =	shalt  }
0x53: {  	_ =	shalt  }
0x54: {  	_ =	shalt  }
0x55: {  	_ =	shalt  }
0x56: {  	_ =	shalt  }
0x57: {  	_ =	shalt  }
0x58: {  	_ =	shalt  }
0x59: {  	_ =	shalt  }
0x5a: {  	_ =	shalt  }
0x5b: {  	_ =	shalt  }
0x5c: {  	_ =	shalt  }
0x5d: {  	_ =	shalt  }
0x5e: {  	_ =	shalt  }
0x5f: {  	_ =	shalt  }
0x60: {  	_ =	shalt  }
0x61: {  	_ =	shalt  }
0x62: {  	_ =	shalt  }
0x63: {  	_ =	shalt  }
0x64: {  	_ =	shalt  }
0x65: {  	_ =	shalt  }
0x66: {  	_ =	shalt  }
0x67: {  	_ =	shalt  }
0x68: {  	_ =	shalt  }
0x69: {  	_ =	shalt  }
0x6a: {  	_ =	shalt  }
0x6b: {  	_ =	shalt  }
0x6c: {  	_ =	shalt  }
0x6d: {  	_ =	shalt  }
0x6e: {  	_ =	shalt  }
0x6f: {  	_ =	shalt  }
0x70: {  	_ =	shalt  }
0x71: {  	_ =	shalt  }
0x72: {  	_ =	shalt  }
0x73: {  	_ =	shalt  }
0x74: {  	_ =	shalt  }
0x75: {  	_ =	shalt  }
0x76: {  	_ =	shalt  }
0x77: {  	_ =	shalt  }
0x78: {  	_ =	shalt  }
0x79: {  	_ =	shalt  }
0x7a: {  	_ =	shalt  }
0x7b: {  	_ =	shalt  }
0x7c: {  	_ =	shalt  }
0x7d: {  	_ =	shalt  }
0x7e: {  	_ =	shalt  }
0x7f: {  	_ =	shalt  }
0x80: {  	_ =	shalt  }
0x81: {  	_ =	shalt  }
0x82: {  	_ =	shalt  }
0x83: {  	_ =	shalt  }
0x84: {  	_ =	shalt  }
0x85: {  	_ =	shalt  }
0x86: {  	_ =	shalt  }
0x87: {  	_ =	shalt  }
.Lfunc_end0:
.L_simem_size_0:
called_computation_lowered:
.L_overlay_start_0:
0x88: {  	s2 =	sld [smem:$0x3FD9]  }
0x89: {  	s3 =	sld [smem:$0x3FFE];
	_ =	sdelay $0x1  }
0x8a: {  	s1 =	srdreg.scid  }
0x8b: {  	s0 =	sand.u32 $0x1, s1  }
0x8c: {  	s17 =	sshll.u32 s0, $0xA;
	s2 =	sadd.s32 s3, s2  }
0x8d: {  	s2 =	sadd.s32 s2, s17  }
0x8e: {  	[smem:$0x3FBA] =	sst s2  }
0x8f: {  	_ = 	snop  }
0x90: {  	s2 =	sld [smem:$0x3FD0];
	(tm) =	ssettm $0x1  }
0x91: {  	s18 =	sld [smem:$0x3FFB];
	_ =	sdelay $0x3  }
0x92: {  	_ =	strace s18  }
0x93: {  	s3 =	sld [smem:$0x3FFC];
	_ =	sdelay $0x3  }
0x94: {  	_ =	strace s3  }
0x95: {  	s3 =	sld [smem:$0x3FFD];
	_ =	sdelay $0x3  }
0x96: {  	_ =	strace s3  }
0x97: {  	_ =	strace $0x8FFFFFFF  }
0x98: {  	s19 =	sld [smem:$0x3FDB];
	_ =	sdelay $0x1  }
0x99: {  	s4 =	simm.s32 $_scs_section_size  }
0x9a: {  	s5 =	simm.s32 $_size__tile_overlayer_lowered;
	s6 =	simm.s32 $_tile_overlayer_lowered  }
0x9b: {  	s22 =	simm.s32 $0x1BFF;
	s21 =	sshll.u32 s6, $0x1;
	s3 =	sadd.s32 s4, s19  }
0x9c: {  	s7 =	simm.s32 $0x0;
	s20 =	sshll.u32 s5, $0x1;
	s5 =	sadd.s32 s21, s3  }
0x9d: {  	[timem:s7], [sflag:s22] =	dma.local [hbm:s5], s20  }
0x9e: {  	_ =	swait.ge [sflag:s22], s20  }
0x9f: {  	s4 =	ssub.s32 $0x0, s20;
	[sflag:s22] =	ssyncset.done $0x0  }
0xa0: {  	[sflag:s22] =	ssyncadd.s32 s4;
	_ =	sdelay $0x1  }
0xa1: {  	s23 =	simm.s32 $0x1B8B  }
0xa2: {  	_ =	swait.ge [sflag:s23], $0x1  }
0xa3: {  	[sflag:s23] =	ssyncset.done $0x0  }
0xa4: {  	s25 =	simm.s32 $0x1B8E;
	s24 =	sld [smem:$0x3FFE];
	[sflag:s23] =	ssyncadd.s32 $0xFFFFFFFF  }
0xa5: {  	s26 =	simm.s32 $execute0_lowered;
	[smem:$0x3FD2] =	sst s25  }
0xa6: {  	s5 =	sshll.u32 s26, $0x1;
	_ =	strace $0x80000046;
	[dreg:$0x1] =	wrdreg $0xFFFFFFFF  }
0xa7: {  	s28 =	simm.s32 $_size_execute0_lowered;
	s3 =	sadd.s32 s3, s5;
	[dreg:$0x0] =	wrdreg $0x0  }
0xa8: {  	s5 =	sshll.u32 s28, $0x1;
	[dreg:$0x2] =	wrdreg s3  }
0xa9: {  	[dreg:$0x3] =	wrdreg s5  }
0xaa: {  	[dreg:$0x4] =	wrdreg $0xC0  }
0xab: {  	_ =	task [dreg:s7], $0x5FFFF  }
0xac: {  	[dreg:$0x1] =	wrdreg $0xFFFFFFFF  }
0xad: {  	[dreg:$0x0] =	wrdreg $0x60  }
0xae: {  	[dreg:$0x2] =	wrdreg s24  }
0xaf: {  	[dreg:$0x3] =	wrdreg s2  }
0xb0: {  	[dreg:$0x4] =	wrdreg $0x9  }
0xb1: {  	_ =	task.clear_ibuf [dreg:s7], $0x5FFFF;
	_ =	strace $0x90000046  }
0xb2: {  	s29 =	simm.s32 $0x9;
	_ =	strace $0x80000048  }
0xb3: {  	_ =	swait.ge [sflag:s29], $0x1  }
0xb4: {  	[sflag:s29] =	ssyncadd.s32 $0xFFFFFFFF  }
0xb5: {  	_ =	strace $0x90000048  }
0xb6: {  	_ =	sfence  }
0xb7: {  	s30 =	sld [smem:$0x0];
	_ =	sdelay $0x2  }
0xb8: {  	s31 =	sshll.u32 s1, $0xD;
	s1 =	sshrl.u32 s1, $0x2  }
0xb9: {  	s3 =	sand.u32 $0x4000, s31;
	s1 =	sadd.s32 s1, s30  }
0xba: {  	s0 =	sor.u32 s3, s0;
	s1 =	sshll.u32 s1, $0x11  }
0xbb: {  	s0 =	sor.u32 s1, s0  }
0xbc: {  	s0 =	sadd.s32 $0x8F2B, s0  }
0xbd: {  	[sflag:s0] =	ssyncadd.remote.s32 $0x1  }
0xbe: {  	_ =	sfence.sel $0xFFFF  }
0xbf: {  	[dreg:$0x0] =	wrdreg $0xFFFFFFFF;
	(pc) =	sbr.abs _section_cstart, $3  }
0xc0: {  	[dreg:$0x1] =	wrdreg $0xFFFFFFFF  }
0xc1: {  	_ =	task.clear_ibuf [dreg:s7], $0x2FFFF;
	_ =	strace $0x9FFFFFFF  }
0xc2: {  	(tm) =	ssettm $0x7FFFFFFF  }
0xc3: {  	_ =	shalt  }
tec
execute0_lowered:
.L_overlay_start_1:
0x0: {  	(tag) =	ssettag $0x1  }
0x1: {  	s0 =	rddreg [dreg:$0x0]  }
0x2: {  	s1 =	rddreg [dreg:$0x1]  }
0x3: {  	s2 =	simm.s32 $0x0;
	s3 =	srdreg.scid;
	s6 =	stileid.u32  }
0x4: {  	s13 =	simm.s32 $0x3;
	s14 =	simm.s32 $0x200;
	s15 =	simm.s32 $0x80  }
0x5: {  	s22 =	simm.s32 $0x280;
	s25 =	simm.s32 $0x100;
	s29 =	simm.s32 $0x300  }
0x6: {  	s16 =	simm.s32 $0x380;
	s19 =	simm.s32 $0x1;
	s24 =	simm.s32 $0x2  }
0x7: {  	[smem:$0x7FF] =	sst s2;
	s3 =	sand.u32 $0x1, s3;
	s4 =	sadd.s32 $0x34C00, s0  }
0x8: {  	s26 =	sadd.s32 $0x3E00, s0;
	s7 =	sadd.s32 $0x65A00, s0;
	s5 =	sadd.s32 $0x68C00, s0  }
.Ltmp0:
0x9: {  	s9 =	sadd.s32 $0x99A00, s0;
	s28 =	ssub.s32 $0x2, s3;
	(pc) =	sbr.rel .LBB2_1-.Ltmp0, $4  }
0xa: {  	_ =	strace $0x80000047;
	[dreg:$0x3] =	wrdreg s4;
	s30 =	sshrl.u32 s28, $0x1  }
0xb: {  	s10 =	sadd.s32 $0xCA800, s0;
	[dreg:$0x4] =	wrdreg s26;
	s4 =	ssub.s32 s28, s30  }
0xc: {  	s11 =	sshll.u32 s6, $0x1;
	[dreg:$0x5] =	wrdreg s5;
	s31 =	smax.u32 s4, $0x1  }
0xd: {  	s0 =	simm.s32 $0x180;
	s5 =	simm.s32 $0x0;
	[dreg:$0x6] =	wrdreg s31  }
.LBB2_7:
0xe: {  	s5 =	rddreg [dreg:$0x7]  }
0xf: {  	s4 =	rddreg [dreg:$0x6];
	s5 =	sadd.s32 $0x1, s5  }
0x10: {  	p0 =	sne.s32 s5, s4  }
.Ltmp1:
0x11: {  	_ = 	snop;
	(pc) =	sbr.rel @!p0 .LBB2_8-.Ltmp1, $1  }
0x12: {  	_ =	sdelay $0x3  }
.LBB2_1:
.Ltmp2:
0x13: {  	(pc) =	sbr.rel .LBB2_2-.Ltmp2, $2  }
0x14: {  	_ =	sdelay $0x2  }
0x15: {  	[dreg:$0x7] =	wrdreg s5;
	s26 =	simm.s32 $0x0  }
.LBB2_6:
0x16: {  	s26 =	sadd.s32 $0x1, s26  }
0x17: {  	p0 =	sne.s32 s26, $0x62  }
.Ltmp3:
0x18: {  	_ = 	snop;
	(pc) =	sbr.rel @!p0 .LBB2_7-.Ltmp3, $1  }
0x19: {  	_ =	sdelay $0x3  }
.LBB2_2:
0x1a: {  	s4 =	sshll.u32 s26, $0x5  }
0x1b: {  	s4 =	sor.u32 s4, s11  }
0x1c: {  	s4 =	sor.u32 s3, s4  }
0x1d: {  	p0 =	sgt.u32 s4, $0xC34  }
.Ltmp4:
0x1e: {  	_ = 	snop;
	(pc) =	sbr.rel @p0 .LBB2_6-.Ltmp4, $1  }
0x1f: {  	_ =	sdelay $0x3  }
0x20: {  	s28 =	sshll.u32 s4, $0x6;
	s5 =	rddreg [dreg:$0x3]  }
0x21: {  	s4 =	sadd.s32 s5, s28;
	s5 =	simm.s32 $0x0  }
0x22: {  	[tilespmem:s5], [sflag:$0x3] =	stream.linear.gather [hbm4b:s4+s5], $0x200, $0x38;
	[tilespmem:$0x1200] =	vst v63  }
0x23: {  	_ =	swait.ge [sflag:s13], $0x200  }
0x24: {  	[sflag:s13] =	ssyncset.done $0x0;
	s6 =	rddreg [dreg:$0x4]  }
0x25: {  	[sflag:s13] =	ssyncadd.s32 $0xFFFFFE00;
	s4 =	sadd.s32 s6, s28  }
0x26: {  	[tilespmem:s14], [sflag:$0x3] =	stream.linear.gather [hbm4b:s4+s5], $0x200, $0x38;
	[tilespmem:$0x1200] =	vst v63  }
0x27: {  	_ =	swait.ge [sflag:s13], $0x200  }
0x28: {  	[sflag:s13] =	ssyncset.done $0x0  }
0x29: {  	s8 =	simm.s32 $0x400;
	[sflag:s13] =	ssyncadd.s32 $0xFFFFFE00  }
0x2a: {  	[tilespmem:s8], [sflag:$0x1] =	stream.indirect.gather [hbm4b:s7+s15], $0x1, s5, s15, $0xb8;
	[tilespmem:$0x1200] =	vst v63  }
0x2b: {  	s12 =	simm.s32 $0x600  }
0x2c: {  	[tilespmem:s12], [sflag:$0x1] =	stream.indirect.gather [hbm4b:s1+s15], $0x1, s5, s15, $0xb8;
	[tilespmem:$0x1200] =	vst v63  }
0x2d: {  	s17 =	simm.s32 $0x800  }
0x2e: {  	[tilespmem:s17], [sflag:$0x1] =	stream.indirect.gather [hbm4b:s7+s15], $0x1, s14, s15, $0xb8;
	[tilespmem:$0x1200] =	vst v63  }
0x2f: {  	s18 =	simm.s32 $0xA00  }
0x30: {  	[tilespmem:s18], [sflag:$0x1] =	stream.indirect.gather [hbm4b:s1+s15], $0x1, s14, s15, $0xb8;
	[tilespmem:$0x1200] =	vst v63  }
0x31: {  	s20 =	simm.s32 $0x480  }
0x32: {  	[tilespmem:s20], [sflag:$0x1] =	stream.indirect.gather [hbm4b:s7+s15], $0x1, s15, s15, $0xb8;
	[tilespmem:$0x1200] =	vst v63  }
0x33: {  	s21 =	simm.s32 $0x680  }
0x34: {  	[tilespmem:s21], [sflag:$0x1] =	stream.indirect.gather [hbm4b:s1+s15], $0x1, s15, s15, $0xb8;
	[tilespmem:$0x1200] =	vst v63  }
0x35: {  	s23 =	simm.s32 $0x880  }
0x36: {  	[tilespmem:s23], [sflag:$0x1] =	stream.indirect.gather [hbm4b:s7+s15], $0x1, s22, s15, $0xb8;
	[tilespmem:$0x1200] =	vst v63  }
0x37: {  	s5 =	simm.s32 $0xA80  }
0x38: {  	[tilespmem:s5], [sflag:$0x1] =	stream.indirect.gather [hbm4b:s1+s15], $0x1, s22, s15, $0xb8;
	[tilespmem:$0x1200] =	vst v63  }
0x39: {  	s6 =	simm.s32 $0x500  }
0x3a: {  	[tilespmem:s6], [sflag:$0x1] =	stream.indirect.gather [hbm4b:s7+s15], $0x1, s25, s15, $0xb8;
	[tilespmem:$0x1200] =	vst v63  }
0x3b: {  	s8 =	simm.s32 $0x700  }
0x3c: {  	[tilespmem:s8], [sflag:$0x1] =	stream.indirect.gather [hbm4b:s1+s15], $0x1, s25, s15, $0xb8;
	[tilespmem:$0x1200] =	vst v63  }
0x3d: {  	s12 =	simm.s32 $0x900  }
0x3e: {  	[tilespmem:s12], [sflag:$0x1] =	stream.indirect.gather [hbm4b:s7+s15], $0x1, s29, s15, $0xb8;
	[tilespmem:$0x1200] =	vst v63  }
0x3f: {  	s17 =	simm.s32 $0xB00  }
0x40: {  	[tilespmem:s17], [sflag:$0x1] =	stream.indirect.gather [hbm4b:s1+s15], $0x1, s29, s15, $0xb8;
	[tilespmem:$0x1200] =	vst v63  }
0x41: {  	s18 =	simm.s32 $0x580  }
0x42: {  	[tilespmem:s18], [sflag:$0x1] =	stream.indirect.gather [hbm4b:s7+s15], $0x1, s0, s15, $0xb8;
	[tilespmem:$0x1200] =	vst v63  }
0x43: {  	s20 =	simm.s32 $0x780  }
0x44: {  	[tilespmem:s20], [sflag:$0x1] =	stream.indirect.gather [hbm4b:s1+s15], $0x1, s0, s15, $0xb8;
	[tilespmem:$0x1200] =	vst v63  }
0x45: {  	s21 =	simm.s32 $0x980  }
0x46: {  	[tilespmem:s21], [sflag:$0x1] =	stream.indirect.gather [hbm4b:s7+s15], $0x1, s16, s15, $0xb8;
	[tilespmem:$0x1200] =	vst v63  }
0x47: {  	s23 =	simm.s32 $0xB80  }
0x48: {  	[tilespmem:s23], [sflag:$0x1] =	stream.indirect.gather [hbm4b:s1+s15], $0x1, s16, s15, $0xb8;
	[tilespmem:$0x1200] =	vst v63  }
0x49: {  	_ =	swait.ge [sflag:s19], $0x80  }
0x4a: {  	[sflag:s19] =	ssyncset.done $0x0  }
0x4b: {  	[sflag:s19] =	ssyncadd.s32 $0xFFFFFF80  }
0x4c: {  	_ =	swait.ge [sflag:s19], $0x80  }
0x4d: {  	[sflag:s19] =	ssyncset.done $0x0  }
0x4e: {  	[sflag:s19] =	ssyncadd.s32 $0xFFFFFF80  }
0x4f: {  	_ =	swait.ge [sflag:s19], $0x80  }
0x50: {  	[sflag:s19] =	ssyncset.done $0x0  }
0x51: {  	[sflag:s19] =	ssyncadd.s32 $0xFFFFFF80  }
0x52: {  	_ =	swait.ge [sflag:s19], $0x80  }
0x53: {  	[sflag:s19] =	ssyncset.done $0x0  }
0x54: {  	[sflag:s19] =	ssyncadd.s32 $0xFFFFFF80  }
0x55: {  	_ =	swait.ge [sflag:s19], $0x80  }
0x56: {  	[sflag:s19] =	ssyncset.done $0x0  }
0x57: {  	[sflag:s19] =	ssyncadd.s32 $0xFFFFFF80  }
0x58: {  	_ =	swait.ge [sflag:s19], $0x80  }
0x59: {  	[sflag:s19] =	ssyncset.done $0x0  }
0x5a: {  	[sflag:s19] =	ssyncadd.s32 $0xFFFFFF80  }
0x5b: {  	_ =	swait.ge [sflag:s19], $0x80  }
0x5c: {  	[sflag:s19] =	ssyncset.done $0x0  }
0x5d: {  	[sflag:s19] =	ssyncadd.s32 $0xFFFFFF80  }
0x5e: {  	_ =	swait.ge [sflag:s19], $0x80  }
0x5f: {  	[sflag:s19] =	ssyncset.done $0x0  }
0x60: {  	[sflag:s19] =	ssyncadd.s32 $0xFFFFFF80  }
0x61: {  	_ =	swait.ge [sflag:s19], $0x80  }
0x62: {  	[sflag:s19] =	ssyncset.done $0x0  }
0x63: {  	[sflag:s19] =	ssyncadd.s32 $0xFFFFFF80  }
0x64: {  	_ =	swait.ge [sflag:s19], $0x80  }
0x65: {  	[sflag:s19] =	ssyncset.done $0x0  }
0x66: {  	[sflag:s19] =	ssyncadd.s32 $0xFFFFFF80  }
0x67: {  	_ =	swait.ge [sflag:s19], $0x80  }
0x68: {  	[sflag:s19] =	ssyncset.done $0x0  }
0x69: {  	[sflag:s19] =	ssyncadd.s32 $0xFFFFFF80  }
0x6a: {  	_ =	swait.ge [sflag:s19], $0x80  }
0x6b: {  	[sflag:s19] =	ssyncset.done $0x0  }
0x6c: {  	[sflag:s19] =	ssyncadd.s32 $0xFFFFFF80  }
0x6d: {  	_ =	swait.ge [sflag:s19], $0x80  }
0x6e: {  	[sflag:s19] =	ssyncset.done $0x0  }
0x6f: {  	[sflag:s19] =	ssyncadd.s32 $0xFFFFFF80  }
0x70: {  	_ =	swait.ge [sflag:s19], $0x80  }
0x71: {  	[sflag:s19] =	ssyncset.done $0x0  }
0x72: {  	[sflag:s19] =	ssyncadd.s32 $0xFFFFFF80  }
0x73: {  	_ =	swait.ge [sflag:s19], $0x80  }
0x74: {  	[sflag:s19] =	ssyncset.done $0x0  }
0x75: {  	[sflag:s19] =	ssyncadd.s32 $0xFFFFFF80  }
0x76: {  	_ =	swait.ge [sflag:s19], $0x80  }
0x77: {  	[sflag:s19] =	ssyncset.done $0x0  }
0x78: {  	s6 =	simm.s32 $0x0;
	[sflag:s19] =	ssyncadd.s32 $0xFFFFFF80  }
0x79: {  	v0 =	vld [tilespmem:s6+$0x800]  }
0x7a: {  	v1 =	vld [tilespmem:s6+$0x400]  }
0x7b: {  	v2 =	vld [tilespmem:s6+$0xA00]  }
0x7c: {  	v3 =	vld [tilespmem:s6+$0x600];
	_ =	sdelay $0x2  }
0x7d: {  	s30 =	simm.s32 $0x10;
	v0 =	vsub.f32 v0, v1  }
0x7e: {  	v4 =	vld [tilespmem:s30+$0x400]  }
0x7f: {  	v1 =	vld [tilespmem:s30+$0x800];
	v2 =	vsub.f32 v2, v3;
	[tilespmem:s6+$0xC00] =	vst v0  }
0x80: {  	v3 =	vld [tilespmem:s30+$0xA00]  }
0x81: {  	v0 =	vmul.f32 v0, v0;
	v6 =	vmul.f32 v2, v2;
	v5 =	vld [tilespmem:s30+$0x600];
	_ =	sdelay $0x1  }
0x82: {  	s31 =	simm.s32 $0x20;
	[tilespmem:s6+$0xE00] =	vst v2;
	v0 =	vadd.f32 v6, v0  }
0x83: {  	v2 =	vld [tilespmem:s31+$0x800];
	v1 =	vsub.f32 v1, v4  }
0x84: {  	v4 =	vld [tilespmem:s31+$0x400];
	v7 =	vadd.f32 $9.999999960e-13, v0  }
0x85: {  	[tilespmem:s30+$0xC00] =	vst v1;
	v0 =	vsub.f32 v3, v5  }
0x86: {  	v3 =	vld [tilespmem:s31+$0xA00];
	v5 =	vshrl.u32 v7, $0x1  }
0x87: {  	v1 =	vmul.f32 v1, v1;
	v6 =	vld [tilespmem:s31+$0x600];
	v5 =	vadd.s32 $0x1FBD1DF5, v5;
	v8 =	vmul.f32 v0, v0  }
0x88: {  	(erf) = vrcp.f32 v5  }
0x89: {  	s12 =	simm.s32 $0x30;
	[tilespmem:s30+$0xE00] =	vst v0;
	v0 =	vadd.f32 v8, v1;
	v1 =	vsub.f32 v2, v4  }
0x8a: {  	v2 =	vld [tilespmem:s12+$0x800]  }
0x8b: {  	v4 =	vld [tilespmem:s12+$0x400];
	v0 =	vadd.f32 $9.999999960e-13, v0;
	[tilespmem:s31+$0xC00] =	vst v1  }
0x8c: {  	v3 =	vsub.f32 v3, v6;
	v6 =	vld [tilespmem:s12+$0xA00]  }
0x8d: {  	v9 =	vld [tilespmem:s12+$0x600];
	v8 =	vshrl.u32 v0, $0x1  }
0x8e: {  	v1 =	vmul.f32 v1, v1;
	v10 =	vmul.f32 v3, v3;
	v8 =	vadd.s32 $0x1FBD1DF5, v8  }
0x8f: {  	s17 =	simm.s32 $0x40;
	[tilespmem:s31+$0xE00] =	vst v3;
	(erf) = vrcp.f32 v8  }
0x90: {  	v3 =	vld [tilespmem:s17+$0x800];
	v1 =	vadd.f32 v10, v1  }
0x91: {  	v2 =	vsub.f32 v2, v4;
	v10 =	vld [tilespmem:s17+$0x400];
	v4 =	vpop (erf)  }
0x92: {  	v1 =	vadd.f32 $9.999999960e-13, v1;
	v4 =	vmul.f32 v4, v7;
	v6 =	vsub.f32 v6, v9  }
0x93: {  	[tilespmem:s12+$0xC00] =	vst v2  }
0x94: {  	v9 =	vld [tilespmem:s17+$0xA00];
	v11 =	vshrl.u32 v1, $0x1;
	v4 =	vadd.f32 v5, v4;
	v12 =	vmul.f32 v6, v6  }
0x95: {  	s18 =	simm.s32 $0x50;
	v2 =	vmul.f32 v2, v2;
	v5 =	vld [tilespmem:s17+$0x600];
	v11 =	vadd.s32 $0x1FBD1DF5, v11;
	[tilespmem:s12+$0xE00] =	vst v6  }
0x96: {  	v3 =	vsub.f32 v3, v10;
	(erf) = vrcp.f32 v11;
	v6 =	vld [tilespmem:s18+$0x800];
	v4 =	vmul.f32 $5.000000000e-01, v4  }
0x97: {  	v10 =	vld [tilespmem:s18+$0x400];
	v2 =	vadd.f32 v12, v2  }
0x98: {  	[tilespmem:s17+$0xC00] =	vst v3;
	(erf) = vrcp.f32 v4;
	v12 =	vpop (erf)  }
0x99: {  	v13 =	vld [tilespmem:s18+$0x600];
	v2 =	vadd.f32 $9.999999960e-13, v2;
	v12 =	vmul.f32 v12, v0  }
0x9a: {  	v5 =	vsub.f32 v9, v5;
	v9 =	vld [tilespmem:s18+$0xA00]  }
0x9b: {  	v3 =	vmul.f32 v3, v3;
	v14 =	vshrl.u32 v2, $0x1;
	v8 =	vadd.f32 v8, v12  }
0x9c: {  	s20 =	simm.s32 $0x60;
	v6 =	vsub.f32 v6, v10;
	[tilespmem:s17+$0xE00] =	vst v5;
	v12 =	vmul.f32 v5, v5;
	v5 =	vadd.s32 $0x1FBD1DF5, v14  }
0x9d: {  	v10 =	vld [tilespmem:s20+$0x800];
	(erf) = vrcp.f32 v5;
	v8 =	vmul.f32 $5.000000000e-01, v8  }
0x9e: {  	v3 =	vadd.f32 v12, v3;
	v12 =	vld [tilespmem:s20+$0x400];
	[tilespmem:s18+$0xC00] =	vst v6  }
0x9f: {  	v14 =	vpop (erf);
	v9 =	vsub.f32 v9, v13;
	v13 =	vld [tilespmem:s20+$0xA00];
	(erf) = vrcp.f32 v8  }
0xa0: {  	v14 =	vmul.f32 v14, v1;
	v15 =	vld [tilespmem:s20+$0x600];
	v3 =	vadd.f32 $9.999999960e-13, v3  }
0xa1: {  	v6 =	vmul.f32 v6, v6;
	[tilespmem:s18+$0xE00] =	vst v9;
	v9 =	vmul.f32 v9, v9;
	v16 =	vpop (erf)  }
0xa2: {  	v11 =	vadd.f32 v11, v14;
	v17 =	vshrl.u32 v3, $0x1;
	v14 =	vmul.f32 v16, v7  }
0xa3: {  	s21 =	simm.s32 $0x70;
	v6 =	vadd.f32 v9, v6;
	v16 =	vadd.s32 $0x1FBD1DF5, v17;
	v10 =	vsub.f32 v10, v12  }
0xa4: {  	v12 =	vld [tilespmem:s21+$0x800];
	v17 =	vmul.f32 $5.000000000e-01, v11;
	(erf) = vrcp.f32 v16;
	v4 =	vadd.f32 v14, v4  }
0xa5: {  	v11 =	vld [tilespmem:s21+$0x400];
	v9 =	vsub.f32 v13, v15;
	[tilespmem:s20+$0xC00] =	vst v10;
	v10 =	vmul.f32 v10, v10  }
0xa6: {  	v13 =	vpop (erf);
	(erf) = vrcp.f32 v17;
	v18 =	vmul.f32 $5.000000000e-01, v4;
	v4 =	vadd.f32 $9.999999960e-13, v6  }
0xa7: {  	v14 =	vld [tilespmem:s21+$0xA00];
	v15 =	vmul.f32 v9, v9;
	v13 =	vmul.f32 v13, v2  }
0xa8: {  	v6 =	vld [tilespmem:s21+$0x600];
	[tilespmem:s20+$0xE00] =	vst v9;
	(erf) = vrcp.f32 v18;
	v9 =	vshrl.u32 v4, $0x1;
	v19 =	vpop (erf)  }
0xa9: {  	s23 =	simm.s32 $0x80;
	v10 =	vadd.f32 v15, v10;
	v5 =	vadd.f32 v5, v13;
	v13 =	vmul.f32 v19, v0  }
0xaa: {  	v11 =	vsub.f32 v12, v11;
	v12 =	vld [tilespmem:s23+$0x800];
	v20 =	vadd.s32 $0x1FBD1DF5, v9  }
0xab: {  	(erf) = vrcp.f32 v20;
	v9 =	vmul.f32 $5.000000000e-01, v5;
	v8 =	vadd.f32 v13, v8;
	v13 =	vld [tilespmem:s23+$0x400]  }
0xac: {  	v5 =	vadd.f32 $9.999999960e-13, v10;
	[tilespmem:s21+$0xC00] =	vst v11  }
0xad: {  	v14 =	vsub.f32 v14, v6;
	v10 =	vpop (erf);
	v19 =	vld [tilespmem:s23+$0xA00];
	(erf) = vrcp.f32 v9;
	v6 =	vmul.f32 $5.000000000e-01, v8  }
0xae: {  	v21 =	vld [tilespmem:s23+$0x600];
	v8 =	vmul.f32 v11, v11;
	v11 =	vmul.f32 v10, v3;
	v10 =	vshrl.u32 v5, $0x1  }
0xaf: {  	v15 =	vmul.f32 v14, v14;
	v22 =	vpop (erf);
	v10 =	vadd.s32 $0x1FBD1DF5, v10;
	(erf) = vrcp.f32 v6  }
0xb0: {  	v11 =	vadd.f32 v16, v11;
	v16 =	vmul.f32 v22, v1;
	v12 =	vsub.f32 v12, v13  }
0xb1: {  	s4 =	simm.s32 $0x90;
	[tilespmem:s21+$0xE00] =	vst v14;
	v8 =	vadd.f32 v15, v8;
	(erf) = vrcp.f32 v10;
	v14 =	vpop (erf)  }
0xb2: {  	v15 =	vld [tilespmem:s4+$0x400];
	v11 =	vmul.f32 $5.000000000e-01, v11;
	v17 =	vadd.f32 v16, v17;
	v14 =	vmul.f32 v14, v7  }
0xb3: {  	v13 =	vld [tilespmem:s4+$0x800];
	v21 =	vsub.f32 v19, v21;
	v7 =	vadd.f32 $9.999999960e-13, v8;
	v16 =	vmul.f32 v12, v12  }
0xb4: {  	[tilespmem:s23+$0xC00] =	vst v12;
	(erf) = vrcp.f32 v11;
	v8 =	vmul.f32 $5.000000000e-01, v17;
	v18 =	vadd.f32 v14, v18;
	v12 =	vpop (erf)  }
0xb5: {  	v14 =	vld [tilespmem:s4+$0xA00];
	v19 =	vmul.f32 v21, v21;
	v22 =	vmul.f32 v12, v4  }
0xb6: {  	v17 =	vld [tilespmem:s4+$0x600];
	v23 =	vshrl.u32 v7, $0x1;
	v24 =	vpop (erf);
	(erf) = vrcp.f32 v8;
	v12 =	vmul.f32 $5.000000000e-01, v18  }
0xb7: {  	s5 =	simm.s32 $0x280;
	[tilespmem:s23+$0xE00] =	vst v21;
	v18 =	vadd.s32 $0x1FBD1DF5, v23;
	v21 =	vmul.f32 v24, v2;
	v20 =	vadd.f32 v20, v22  }
.LBB2_4:
0xb8: {  	s8 =	sshra.s32 s5, $0x2;
	p0 =	sne.s32 s5, $0x7C0;
	v22 =	vsub.f32 v13, v15;
	v19 =	vadd.f32 v19, v16;
	v15 =	vpop (erf)  }
0xb9: {  	(erf) = vrcp.f32 v18;
	[tilespmem:s6+$0x1000] =	vst v12;
	v12 =	vmovc v6;
	v6 =	vmovc v8;
	v23 =	vmov v10;
	v10 =	vmov v18;
	s6 =	smov.u32 s30;
	s30 =	smov.u32 s31;
	s31 =	smov.u32 s12  }
0xba: {  	s12 =	smov.u32 s17;
	s17 =	smov.u32 s18;
	s18 =	smov.u32 s20;
	v13 =	vld [tilespmem:s8+$0x800];
	v8 =	vadd.f32 v21, v9;
	v18 =	vmul.f32 v15, v0;
	v9 =	vmovc v11;
	v11 =	vmul.f32 $5.000000000e-01, v20;
	v0 =	vmovc v1  }
.Ltmp5:
0xbb: {  	s20 =	smov.u32 s21;
	s21 =	smov.u32 s23;
	v15 =	vld [tilespmem:s8+$0x400];
	v20 =	vsub.f32 v14, v17;
	v16 =	vmul.f32 v22, v22;
	[tilespmem:s4+$0xC00] =	vst v22;
	v22 =	vadd.f32 $9.999999960e-13, v19;
	v21 =	vpop (erf);
	(pc) =	sbr.rel @p0 .LBB2_4-.Ltmp5, $4  }
0xbc: {  	s23 =	smov.u32 s4;
	v1 =	vmovc v2;
	v2 =	vmovc v3;
	s4 =	smov.u32 s8;
	v14 =	vld [tilespmem:s8+$0xA00];
	(erf) = vrcp.f32 v11;
	v8 =	vmul.f32 $5.000000000e-01, v8;
	v12 =	vadd.f32 v18, v12  }
0xbd: {  	v3 =	vmovc v4;
	v4 =	vmov v5;
	v17 =	vld [tilespmem:s4+$0x600];
	v19 =	vmul.f32 v20, v20;
	[tilespmem:s23+$0xE00] =	vst v20;
	v20 =	vmul.f32 v21, v5  }
0xbe: {  	v24 =	vshrl.u32 v22, $0x1;
	v21 =	vpop (erf);
	(erf) = vrcp.f32 v8;
	v12 =	vmul.f32 $5.000000000e-01, v12  }
0xbf: {  	s5 =	sadd.s32 $0x40, s5;
	v5 =	vmovc v7;
	v7 =	vmovc v22;
	v18 =	vadd.s32 $0x1FBD1DF5, v24;
	v20 =	vadd.f32 v23, v20;
	v21 =	vmul.f32 v21, v2  }
0xc0: {  	_ =	sdelay $0x1  }
0xc1: {  	v13 =	vsub.f32 v13, v15  }
0xc2: {  	v61 =	vadd.f32 v19, v16;
	(erf) = vrcp.f32 v18;
	v62 =	vpop (erf);
	v14 =	vsub.f32 v14, v17  }
0xc3: {  	v63 =	vmul.f32 $5.000000000e-01, v20;
	v9 =	vadd.f32 v21, v9;
	v27 =	vmul.f32 v13, v13;
	v28 =	vpop (erf)  }
0xc4: {  	v20 =	vmul.f32 v28, v5;
	v29 =	vmul.f32 v14, v14;
	v22 =	vpop (erf)  }
0xc5: {  	v15 =	vadd.f32 $9.999999960e-13, v61;
	v9 =	vmul.f32 $5.000000000e-01, v9;
	v22 =	vmul.f32 v22, v3  }
0xc6: {  	(erf) = vrcp.f32 v63;
	v10 =	vadd.f32 v10, v20;
	v19 =	vadd.f32 v29, v27  }
0xc7: {  	v30 =	vshrl.u32 v15, $0x1;
	(erf) = vrcp.f32 v9;
	v11 =	vadd.f32 v22, v11  }
0xc8: {  	v20 =	vadd.s32 $0x1FBD1DF5, v30;
	v10 =	vmul.f32 $5.000000000e-01, v10;
	v19 =	vadd.f32 $9.999999960e-13, v19  }
0xc9: {  	(erf) = vrcp.f32 v20;
	v11 =	vmul.f32 $5.000000000e-01, v11  }
0xca: {  	(erf) = vrcp.f32 v10;
	v31 =	vshrl.u32 v19, $0x1  }
0xcb: {  	v21 =	vadd.s32 $0x1FBD1DF5, v31;
	(erf) = vrcp.f32 v11  }
0xcc: {  	(erf) = vrcp.f32 v21;
	_ =	sdelay $0x1  }
0xcd: {  	v32 =	vpop (erf)  }
0xce: {  	v23 =	vpop (erf)  }
0xcf: {  	v24 =	vpop (erf)  }
0xd0: {  	v25 =	vpop (erf)  }
0xd1: {  	v23 =	vmul.f32 v23, v7;
	v26 =	vpop (erf)  }
0xd2: {  	v24 =	vmul.f32 v24, v4;
	v27 =	vpop (erf)  }
0xd3: {  	v33 =	vadd.f32 v18, v23;
	v34 =	vmul.f32 v26, v15;
	v35 =	vpop (erf)  }
0xd4: {  	v17 =	vadd.f32 v24, v63;
	v36 =	vmul.f32 v27, v5;
	v37 =	vpop (erf)  }
0xd5: {  	v18 =	vmul.f32 $5.000000000e-01, v33;
	v20 =	vadd.f32 v20, v34;
	v38 =	vmul.f32 v37, v19  }
0xd6: {  	v17 =	vmul.f32 $5.000000000e-01, v17;
	v10 =	vadd.f32 v36, v10  }
0xd7: {  	(erf) = vrcp.f32 v18;
	v20 =	vmul.f32 $5.000000000e-01, v20;
	v21 =	vadd.f32 v21, v38  }
0xd8: {  	(erf) = vrcp.f32 v17;
	v10 =	vmul.f32 $5.000000000e-01, v10  }
0xd9: {  	(erf) = vrcp.f32 v20;
	v21 =	vmul.f32 $5.000000000e-01, v21  }
0xda: {  	(erf) = vrcp.f32 v10  }
0xdb: {  	(erf) = vrcp.f32 v21;
	_ =	sdelay $0x4  }
0xdc: {  	v39 =	vpop (erf)  }
0xdd: {  	v40 =	vpop (erf)  }
0xde: {  	v41 =	vpop (erf)  }
0xdf: {  	v23 =	vmul.f32 v39, v7;
	v28 =	vpop (erf)  }
0xe0: {  	v27 =	vmul.f32 v41, v15;
	v29 =	vpop (erf)  }
0xe1: {  	v18 =	vadd.f32 v23, v18;
	v42 =	vmul.f32 v29, v19  }
0xe2: {  	v20 =	vadd.f32 v27, v20  }
0xe3: {  	v18 =	vmul.f32 $5.000000000e-01, v18;
	v21 =	vadd.f32 v42, v21  }
0xe4: {  	v20 =	vmul.f32 $5.000000000e-01, v20  }
0xe5: {  	(erf) = vrcp.f32 v18;
	v21 =	vmul.f32 $5.000000000e-01, v21  }
0xe6: {  	(erf) = vrcp.f32 v20  }
0xe7: {  	(erf) = vrcp.f32 v21;
	_ =	sdelay $0x1  }
0xe8: {  	v0 =	vmul.f32 v62, v0  }
0xe9: {  	v1 =	vmul.f32 v32, v1  }
0xea: {  	v0 =	vadd.f32 v0, v6;
	v2 =	vmul.f32 v25, v2  }
0xeb: {  	[tilespmem:s6+$0x1000] =	vst v12;
	v1 =	vadd.f32 v1, v8;
	v43 =	vmul.f32 v35, v3  }
0xec: {  	[tilespmem:s4+$0xC00] =	vst v13;
	v0 =	vmul.f32 $5.000000000e-01, v0;
	v2 =	vadd.f32 v2, v9;
	v44 =	vmul.f32 v40, v4  }
0xed: {  	[tilespmem:s4+$0xE00] =	vst v14;
	v1 =	vmul.f32 $5.000000000e-01, v1;
	v3 =	vadd.f32 v43, v11;
	v45 =	vmul.f32 v28, v5;
	v46 =	vpop (erf)  }
0xee: {  	[tilespmem:s30+$0x1000] =	vst v0;
	v47 =	vmul.f32 $5.000000000e-01, v2;
	v48 =	vadd.f32 v44, v17;
	v49 =	vmul.f32 v46, v7;
	v50 =	vpop (erf)  }
0xef: {  	[tilespmem:s31+$0x1000] =	vst v1;
	v51 =	vmul.f32 $5.000000000e-01, v3;
	v52 =	vadd.f32 v45, v10;
	v53 =	vmul.f32 v50, v15;
	v54 =	vpop (erf)  }
0xf0: {  	[tilespmem:s12+$0x1000] =	vst v47;
	v55 =	vmul.f32 $5.000000000e-01, v48;
	v56 =	vadd.f32 v49, v18;
	v57 =	vmul.f32 v54, v19  }
0xf1: {  	[tilespmem:s17+$0x1000] =	vst v51;
	v58 =	vmul.f32 $5.000000000e-01, v52;
	v59 =	vadd.f32 v53, v20  }
0xf2: {  	[tilespmem:s18+$0x1000] =	vst v55;
	v60 =	vmul.f32 $5.000000000e-01, v56;
	v61 =	vadd.f32 v57, v21  }
0xf3: {  	[tilespmem:s20+$0x1000] =	vst v58;
	v62 =	vmul.f32 $5.000000000e-01, v59  }
0xf4: {  	[tilespmem:s21+$0x1000] =	vst v60;
	v63 =	vmul.f32 $5.000000000e-01, v61  }
0xf5: {  	s20 =	rddreg [dreg:$0x5];
	[tilespmem:s23+$0x1000] =	vst v62  }
0xf6: {  	s5 =	simm.s32 $0xC00;
	[tilespmem:s4+$0x1000] =	vst v63;
	s4 =	sadd.s32 s20, s28  }
0xf7: {  	[hbm4b:s4+s2] =	stream.linear.scatter [tilespmem:s5], [sflag:$0x3], $0x200, $0x38;
	[tilespmem:$0x1200] =	vst v63  }
0xf8: {  	_ =	swait.ge [sflag:s13], $0x200  }
0xf9: {  	[sflag:s13] =	ssyncset.done $0x0  }
0xfa: {  	s21 =	sadd.s32 s9, s28;
	s23 =	simm.s32 $0xE00;
	[sflag:s13] =	ssyncadd.s32 $0xFFFFFE00  }
0xfb: {  	[hbm4b:s21+s2] =	stream.linear.scatter [tilespmem:s23], [sflag:$0x3], $0x200, $0x38;
	[tilespmem:$0x1200] =	vst v63  }
0xfc: {  	_ =	swait.ge [sflag:s13], $0x200  }
0xfd: {  	s30 =	sadd.s32 s10, s28;
	[sflag:s13] =	ssyncset.done $0x0  }
.Ltmp6:
0xfe: {  	s31 =	simm.s32 $0x1000;
	[sflag:s13] =	ssyncadd.s32 $0xFFFFFE00;
	(pc) =	sbr.rel .LBB2_6-.Ltmp6, $4  }
0xff: {  	[hbm4b:s30+s2] =	stream.linear.scatter [tilespmem:s31], [sflag:$0x2], $0x200, $0x38;
	[tilespmem:$0x1200] =	vst v63  }
0x100: {  	_ =	swait.ge [sflag:s24], $0x200  }
0x101: {  	[sflag:s24] =	ssyncset.done $0x0  }
0x102: {  	[sflag:s24] =	ssyncadd.s32 $0xFFFFFE00  }
.LBB2_8:
0x103: {  	_ =	sfence.sel $0x180000  }
0x104: {  	[bflag:$0x0] =	sbarrier.arrive $0xFFFF  }
0x105: {  	_ =	strace $0x90000047  }
0x106: {  	s0 =	stileid.u32;
	[bflag:$0x2] =	sbarrier.arrive $0xFFFF  }
0x107: {  	p0 =	sne.s32 s0, $0x0;
	s0 =	rddreg [dreg:$0x2]  }
0x108: {  	s0 =	sadd.s32 @!p0 $0x100000, s0  }
0x109: {  	[sflag:s0] =	ssyncadd.tile.s32 @!p0 $0x1;
	_ =	shalt  }
.Lfunc_end2:
_tile_overlayer_lowered:
.L_overlay_start_2:
0x10a: {  	(tag) =	ssettag $0x2  }
0x10b: {  	s0 =	rddreg [dreg:$0x0];
	s2 =	stileid.u32  }
0x10c: {  	s1 =	rddreg [dreg:$0x1];
	p0 =	sne.s32 s2, $0x0  }
0x10d: {  	s3 =	rddreg [dreg:$0x2];
	[bflag:$0x3] =	sbarrier.arrive $0xFFFF;
	s2 =	simm.s32 @!p0 $0x1C02  }
0x10e: {  	[timem:s3], [sflag:s2] =	dma.local @!p0 [hbm:s0], s1  }
0x10f: {  	s0 =	simm.s32 @!p0 $0x2  }
0x110: {  	_ =	swait.ge @!p0 [sflag:s0], s1  }
0x111: {  	s1 =	ssub.s32 @!p0 $0x0, s1;
	[sflag:s0] =	ssyncset.done @!p0 $0x0  }
0x112: {  	[sflag:s0] =	ssyncadd.s32 @!p0 s1  }
0x113: {  	[bflag:$0x3] =	sbarrier.arrive $0xFFFF  }
0x114: {  	_ =	shalt  }

</sc_bundles>
